<compile_context>
chip_gen: v7x
topology: tpu7x:2x2x1
jax: 0.10.2.dev20260603
libtpu: 0.0.44.dev20260713+nightly
codegen_flags: <defaults>
</compile_context>

<pallas_src>
import functools

import jax
import jax.numpy as jnp
import numpy as np
from jax import lax
from jax.experimental import pallas as pl
from jax.experimental.pallas import tpu as pltpu
from jax.experimental.pallas import tpu_sc as plsc

N = 10000
E = 320000
D = 128
HID = 256
OUT = 128

NSUB = 16
CHUNK = 128
EPAD = 327680
NR_E = 80
NR_F = 160
G = 40
NACC = 10112
RPT = NACC // NSUB


def _make_segsum(nrows, edge_split):
  mesh = plsc.VectorSubcoreMesh(core_axis_name="c", subcore_axis_name="s")
  ngroups = nrows // G

  @functools.partial(
      pl.kernel,
      out_type=jax.ShapeDtypeStruct((2, NACC, 128), jnp.float32),
      mesh=mesh,
      scratch_types=[
          pltpu.VMEM((G, CHUNK), jnp.int32),
          pltpu.VMEM((G, CHUNK), jnp.int32),
          pltpu.VMEM((CHUNK, 128), jnp.float32),
          pltpu.VMEM((CHUNK, 128), jnp.float32),
          pltpu.VMEM_SHARED((NACC, 128), jnp.float32),
          pltpu.SemaphoreType.DMA,
          pltpu.SemaphoreType.DMA,
      ],
  )
  def seg(h_hbm, src_hbm, dst_hbm, zeros_hbm, out_hbm,
          src_v, dst_v, buf0, buf1, acc_sh, sem0, sem1):
    c = lax.axis_index("c")
    s = lax.axis_index("s")
    base = s * RPT
    pltpu.sync_copy(zeros_hbm.at[pl.ds(base, RPT)],
                    acc_sh.at[pl.ds(base, RPT)])
    plsc.subcore_barrier()

    for g in range(ngroups):
      pltpu.sync_copy(src_hbm.at[c, s, pl.ds(g * G, G)], src_v)
      pltpu.sync_copy(dst_hbm.at[c, s, pl.ds(g * G, G)], dst_v)

      def body(j2, carry):
        r0 = 2 * j2
        r1 = r0 + 1
        cp0 = pltpu.async_copy(h_hbm.at[src_v.at[r0]], buf0, sem0)
        cp1 = pltpu.async_copy(h_hbm.at[src_v.at[r1]], buf1, sem1)
        cp0.wait()
        pltpu.sync_copy(buf0, acc_sh.at[dst_v.at[r0]], add=True)
        cp1.wait()
        pltpu.sync_copy(buf1, acc_sh.at[dst_v.at[r1]], add=True)
        return carry

      lax.fori_loop(0, G // 2, body, 0)

    plsc.subcore_barrier()
    pltpu.sync_copy(acc_sh.at[pl.ds(base, RPT)],
                    out_hbm.at[c, pl.ds(base, RPT)])

  return seg


_segsum_l1 = _make_segsum(NR_E, edge_split=True)
_segsum_hid = _make_segsum(NR_F, edge_split=False)


def _bn_body(x_ref, sc_ref, sh_ref, out_ref):
  out_ref[...] = x_ref[...] * sc_ref[...] + sh_ref[...]


def _layer1_body(h_ref, agg_ref, w_ref, b_ref, eps_ref, out_ref):
  e = 1.0 + eps_ref[0, 0]
  u = e * h_ref[...] + agg_ref[0, 0:N, :] + agg_ref[1, 0:N, :]
  z = jnp.dot(u, w_ref[...], preferred_element_type=jnp.float32) + b_ref[...]
  z = jnp.maximum(z, 0.0)
  out_ref[0:N] = z[:, 0:128]
  out_ref[N:2 * N] = z[:, 128:256]


def _layer2_body(h_ref, agg_ref, w_ref, b_ref, eps_ref, out_ref):
  e = 1.0 + eps_ref[0, 0]
  u = e * h_ref[0:N, :] + agg_ref[0, 0:N, :]
  v = e * h_ref[N:2 * N, :] + agg_ref[1, 0:N, :]
  z = (jnp.dot(u, w_ref[0:128, :], preferred_element_type=jnp.float32)
       + jnp.dot(v, w_ref[128:256, :], preferred_element_type=jnp.float32)
       + b_ref[...])
  z = jnp.maximum(z, 0.0)
  out_ref[0:N] = z[:, 0:128]
  out_ref[N:2 * N] = z[:, 128:256]


def _layer3_body(h_ref, agg_ref, w3_ref, b3_ref, eps_ref, w4_ref, b4_ref,
                 out_ref):
  e = 1.0 + eps_ref[0, 0]
  u = e * h_ref[0:N, :] + agg_ref[0, 0:N, :]
  v = e * h_ref[N:2 * N, :] + agg_ref[1, 0:N, :]
  t = (jnp.dot(u, w3_ref[0:128, :], preferred_element_type=jnp.float32)
       + jnp.dot(v, w3_ref[128:256, :], preferred_element_type=jnp.float32)
       + b3_ref[...])
  t = jnp.maximum(t, 0.0)
  out_ref[...] = (jnp.dot(t, w4_ref[...], preferred_element_type=jnp.float32)
                  + b4_ref[...])


def _tc_call(body, out_shape, smem_arg_idxs, *args):
  specs = [pl.BlockSpec(memory_space=pltpu.VMEM) for _ in args]
  for i in smem_arg_idxs:
    specs[i] = pl.BlockSpec(memory_space=pltpu.SMEM)
  return pl.pallas_call(
      body,
      out_shape=jax.ShapeDtypeStruct(out_shape, jnp.float32),
      in_specs=specs,
      out_specs=pl.BlockSpec(memory_space=pltpu.VMEM),
  )(*args)


def kernel(x, edge_index, batch, bn_gamma, bn_beta,
           W1, b1, eps1, W2, b2, eps2, W3, b3, eps3, W4, b4):
  del batch
  f32 = jnp.float32
  scale = (bn_gamma * np.float32(1.0 / np.sqrt(1.0 + 1e-5))).reshape(1, D)
  shift = bn_beta.reshape(1, D)

  src = edge_index[0]
  dst = edge_index[1]
  pad = EPAD - E
  srcp = jnp.concatenate([src, jnp.zeros((pad,), jnp.int32)])
  dstp = jnp.concatenate([dst, jnp.full((pad,), N, jnp.int32)])
  src_e = srcp.reshape(2, NSUB, NR_E, CHUNK)
  dst_e = dstp.reshape(2, NSUB, NR_E, CHUNK)
  src3 = srcp.reshape(NSUB, NR_F, CHUNK)
  dst3 = dstp.reshape(NSUB, NR_F, CHUNK)
  src_f = jnp.stack([src3, src3 + N])
  dst_f = jnp.stack([dst3, dst3])
  zeros = jnp.zeros((NACC, 128), f32)

  e1 = eps1.astype(f32).reshape(1, 1)
  e2 = eps2.astype(f32).reshape(1, 1)
  e3 = eps3.astype(f32).reshape(1, 1)

  h0 = _tc_call(_bn_body, (N, D), (), x, scale, shift)
  agg1 = _segsum_l1(h0, src_e, dst_e, zeros)
  h1 = _tc_call(_layer1_body, (2 * N, 128), (4,),
                h0, agg1, W1, b1.reshape(1, HID), e1)
  agg2 = _segsum_hid(h1, src_f, dst_f, zeros)
  h2 = _tc_call(_layer2_body, (2 * N, 128), (4,),
                h1, agg2, W2, b2.reshape(1, HID), e2)
  agg3 = _segsum_hid(h2, src_f, dst_f, zeros)
  out = _tc_call(_layer3_body, (N, OUT), (4,), h2, agg3, W3,
                 b3.reshape(1, HID), e3, W4, b4.reshape(1, OUT))
  return out

# --- scband reference (transcript-rebuilt; emitter-appended) ---
"""Pipeline reference for scband-gin-4879082848569 (READ-ONLY COPY).

The authoritative reference and input builder live on the scoring server;
editing this copy changes nothing except your own understanding.
"""

import jax, jax.numpy as jnp
import numpy as np


def setup_inputs(seed: int = 0) -> dict:
    key = jax.random.key(seed)
    ks = jax.random.split(key, 8)
    N, E, D, H, O = 10000, 320000, 128, 256, 128
    x = jax.random.normal(ks[0], (N, D), dtype=jnp.float32)
    edge_index = jax.random.randint(ks[1], (2, E), 0, N, dtype=jnp.int32)
    batch = jnp.sort(jax.random.randint(ks[2], (N,), 0, 16, dtype=jnp.int32))
    # learned params
    bn_gamma = jnp.ones((D,), jnp.float32)
    bn_beta = jnp.zeros((D,), jnp.float32)
    W1 = jax.random.normal(ks[3], (D, H), jnp.float32) * (1.0 / np.sqrt(D))
    b1 = jnp.zeros((H,), jnp.float32)
    eps1 = jnp.array(0.0, jnp.float32)
    W2 = jax.random.normal(ks[4], (H, H), jnp.float32) * (1.0 / np.sqrt(H))
    b2 = jnp.zeros((H,), jnp.float32)
    eps2 = jnp.array(0.0, jnp.float32)
    W3 = jax.random.normal(ks[5], (H, H), jnp.float32) * (1.0 / np.sqrt(H))
    b3 = jnp.zeros((H,), jnp.float32)
    eps3 = jnp.array(0.0, jnp.float32)
    W4 = jax.random.normal(ks[6], (H, O), jnp.float32) * (1.0 / np.sqrt(H))
    b4 = jnp.zeros((O,), jnp.float32)
    return {"x": x, "edge_index": edge_index, "batch": batch,
            "bn_gamma": bn_gamma, "bn_beta": bn_beta,
            "W1": W1, "b1": b1, "eps1": eps1,
            "W2": W2, "b2": b2, "eps2": eps2,
            "W3": W3, "b3": b3, "eps3": eps3,
            "W4": W4, "b4": b4}


def reference(x, edge_index, batch, bn_gamma, bn_beta,
              W1, b1, eps1, W2, b2, eps2, W3, b3, eps3, W4, b4):
    # BatchNorm1d in eval mode (running_mean=0, running_var=1, eps=1e-5)
    N = x.shape[0]
    h = x / jnp.sqrt(1.0 + 1e-5) * bn_gamma + bn_beta
    src = edge_index[0]
    dst = edge_index[1]

    def gin_conv(h, W, b, eps):
        # GINConv: nn((1 + eps) * x + sum_{j in N(i)} x_j)
        agg = jax.ops.segment_sum(h[src], dst, num_segments=N)
        out = ((1.0 + eps) * h + agg) @ W + b
        return jax.nn.relu(out)

    h = gin_conv(h, W1, b1, eps1)
    h = gin_conv(h, W2, b2, eps2)
    h = gin_conv(h, W3, b3, eps3)
    # dropout is a no-op in eval mode
    out = h @ W4 + b4
    return out

if __name__ == "__main__":
    import jax
    _d = setup_inputs()
    print(jax.jit(kernel)(*tuple(_d.values())))

</pallas_src>

<mosaic_0001>
#map = affine_map<(d0, d1) -> (0, 0)>
#map1 = affine_map<(d0, d1) -> (0, 0, 0, 0)>
#map2 = affine_map<(d0, d1) -> (0, 0, 0)>
module attributes {stable_mosaic.version = 14 : i64} {
  func.func @seg(%arg0: i32, %arg1: i32, %arg2: memref<20000x128xf32, #tpu.memory_space<hbm>>, %arg3: memref<2x16x160x128xi32, #tpu.memory_space<hbm>>, %arg4: memref<2x16x160x128xi32, #tpu.memory_space<hbm>>, %arg5: memref<10112x128xf32, #tpu.memory_space<hbm>>, %arg6: memref<2x10112x128xf32, #tpu.memory_space<hbm>>, %arg7: memref<40x128xi32, #tpu.memory_space<vmem>>, %arg8: memref<40x128xi32, #tpu.memory_space<vmem>>, %arg9: memref<128x128xf32, #tpu.memory_space<vmem>>, %arg10: memref<128x128xf32, #tpu.memory_space<vmem>>, %arg11: memref<10112x128xf32, #tpu.memory_space<vmem_shared>>, %arg12: memref<!tpu.dma_semaphore, #tpu.memory_space<semaphore_mem>>, %arg13: memref<!tpu.dma_semaphore, #tpu.memory_space<semaphore_mem>>) attributes {dimension_semantics = [#tpu.dimension_semantics<core_parallel>, #tpu.dimension_semantics<subcore_parallel>], iteration_bounds = array<i64: 2, 16>, scalar_prefetch = 0 : i64, scratch_operands = 7 : i64, tpu.core_type = #tpu.core_type<sc_vector_subcore>, window_params = [{transform_indices = #map}, {transform_indices = #map1}, {transform_indices = #map1}, {transform_indices = #map}, {transform_indices = #map2}]} {
    %mul3A = arith.constant 632 : i32
    %mul3A_0 = arith.muli %arg1, %mul3A : i32
    "tpu.region"() ({
      %run_scoped3A = tpu.sem_alloc : memref<!tpu.dma_semaphore, #tpu.memory_space<semaphore_mem>>
      %dma_start3A = arith.constant 0 : i32
      %dma_start3A_25 = tpu.memref_slice %arg11[%mul3A_0, %dma_start3A] : memref<10112x128xf32, #tpu.memory_space<vmem_shared>> -> memref<632x128xf32, #tpu.memory_space<vmem_shared>>
      %dma_start3A_26 = arith.constant 0 : i32
      %dma_start3A_27 = tpu.memref_slice %arg5[%mul3A_0, %dma_start3A_26] : memref<10112x128xf32, #tpu.memory_space<hbm>> -> memref<632x128xf32, #tpu.memory_space<hbm>>
      tpu.enqueue_dma source(%dma_start3A_27 : memref<632x128xf32, #tpu.memory_space<hbm>>) target(%dma_start3A_25 : memref<632x128xf32, #tpu.memory_space<vmem_shared>>) target_semaphore(%run_scoped3A : memref<!tpu.dma_semaphore, #tpu.memory_space<semaphore_mem>>)
      %dma_wait3A = arith.constant 0 : i32
      %dma_wait3A_28 = tpu.memref_slice %arg11[%mul3A_0, %dma_wait3A] : memref<10112x128xf32, #tpu.memory_space<vmem_shared>> -> memref<632x128xf32, #tpu.memory_space<vmem_shared>>
      %dma_wait3A_29 = arith.constant 0 : i32
      %dma_wait3A_30 = tpu.memref_slice %arg5[%mul3A_0, %dma_wait3A_29] : memref<10112x128xf32, #tpu.memory_space<hbm>> -> memref<632x128xf32, #tpu.memory_space<hbm>>
      tpu.wait_dma2 semaphore(%run_scoped3A : memref<!tpu.dma_semaphore, #tpu.memory_space<semaphore_mem>>) src(%dma_wait3A_30 : memref<632x128xf32, #tpu.memory_space<hbm>>) dst(%dma_wait3A_28 : memref<632x128xf32, #tpu.memory_space<vmem_shared>>)
      tpu.yield
    }) : () -> ()
    %barrier3A = arith.constant 0 : index
    tpu.barrier barrier_id(%barrier3A)
    "tpu.region"() ({
      %run_scoped3A = tpu.sem_alloc : memref<!tpu.dma_semaphore, #tpu.memory_space<semaphore_mem>>
      %dma_start3A = arith.constant 0 : i32
      %dma_start3A_25 = arith.constant 0 : i32
      %dma_start3A_26 = tpu.memref_slice %arg3[%arg0, %arg1, %dma_start3A, %dma_start3A_25] : memref<2x16x160x128xi32, #tpu.memory_space<hbm>> -> memref<1x1x40x128xi32, #tpu.memory_space<hbm>>
      %dma_start3A_27 = tpu.memref_squeeze %dma_start3A_26 : memref<1x1x40x128xi32, #tpu.memory_space<hbm>> -> memref<40x128xi32, #tpu.memory_space<hbm>>
      %dma_start3A_28 = arith.constant 0 : i32
      %dma_start3A_29 = arith.constant 0 : i32
      %dma_start3A_30 = tpu.memref_slice %arg3[%arg0, %arg1, %dma_start3A_28, %dma_start3A_29] : memref<2x16x160x128xi32, #tpu.memory_space<hbm>> -> memref<1x1x40x128xi32, #tpu.memory_space<hbm>>
      %dma_start3A_31 = tpu.memref_squeeze %dma_start3A_30 : memref<1x1x40x128xi32, #tpu.memory_space<hbm>> -> memref<40x128xi32, #tpu.memory_space<hbm>>
      tpu.enqueue_dma source(%dma_start3A_31 : memref<40x128xi32, #tpu.memory_space<hbm>>) target(%arg7 : memref<40x128xi32, #tpu.memory_space<vmem>>) target_semaphore(%run_scoped3A : memref<!tpu.dma_semaphore, #tpu.memory_space<semaphore_mem>>)
      %dma_wait3A = arith.constant 0 : i32
      %dma_wait3A_32 = arith.constant 0 : i32
      %dma_wait3A_33 = tpu.memref_slice %arg3[%arg0, %arg1, %dma_wait3A, %dma_wait3A_32] : memref<2x16x160x128xi32, #tpu.memory_space<hbm>> -> memref<1x1x40x128xi32, #tpu.memory_space<hbm>>
      %dma_wait3A_34 = tpu.memref_squeeze %dma_wait3A_33 : memref<1x1x40x128xi32, #tpu.memory_space<hbm>> -> memref<40x128xi32, #tpu.memory_space<hbm>>
      %dma_wait3A_35 = arith.constant 0 : i32
      %dma_wait3A_36 = arith.constant 0 : i32
      %dma_wait3A_37 = tpu.memref_slice %arg3[%arg0, %arg1, %dma_wait3A_35, %dma_wait3A_36] : memref<2x16x160x128xi32, #tpu.memory_space<hbm>> -> memref<1x1x40x128xi32, #tpu.memory_space<hbm>>
      %dma_wait3A_38 = tpu.memref_squeeze %dma_wait3A_37 : memref<1x1x40x128xi32, #tpu.memory_space<hbm>> -> memref<40x128xi32, #tpu.memory_space<hbm>>
      tpu.wait_dma2 semaphore(%run_scoped3A : memref<!tpu.dma_semaphore, #tpu.memory_space<semaphore_mem>>) src(%dma_wait3A_38 : memref<40x128xi32, #tpu.memory_space<hbm>>) dst(%arg7 : memref<40x128xi32, #tpu.memory_space<vmem>>)
      tpu.yield
    }) : () -> ()
    "tpu.region"() ({
      %run_scoped3A = tpu.sem_alloc : memref<!tpu.dma_semaphore, #tpu.memory_space<semaphore_mem>>
      %dma_start3A = arith.constant 0 : i32
      %dma_start3A_25 = arith.constant 0 : i32
      %dma_start3A_26 = tpu.memref_slice %arg4[%arg0, %arg1, %dma_start3A, %dma_start3A_25] : memref<2x16x160x128xi32, #tpu.memory_space<hbm>> -> memref<1x1x40x128xi32, #tpu.memory_space<hbm>>
      %dma_start3A_27 = tpu.memref_squeeze %dma_start3A_26 : memref<1x1x40x128xi32, #tpu.memory_space<hbm>> -> memref<40x128xi32, #tpu.memory_space<hbm>>
      %dma_start3A_28 = arith.constant 0 : i32
      %dma_start3A_29 = arith.constant 0 : i32
      %dma_start3A_30 = tpu.memref_slice %arg4[%arg0, %arg1, %dma_start3A_28, %dma_start3A_29] : memref<2x16x160x128xi32, #tpu.memory_space<hbm>> -> memref<1x1x40x128xi32, #tpu.memory_space<hbm>>
      %dma_start3A_31 = tpu.memref_squeeze %dma_start3A_30 : memref<1x1x40x128xi32, #tpu.memory_space<hbm>> -> memref<40x128xi32, #tpu.memory_space<hbm>>
      tpu.enqueue_dma source(%dma_start3A_31 : memref<40x128xi32, #tpu.memory_space<hbm>>) target(%arg8 : memref<40x128xi32, #tpu.memory_space<vmem>>) target_semaphore(%run_scoped3A : memref<!tpu.dma_semaphore, #tpu.memory_space<semaphore_mem>>)
      %dma_wait3A = arith.constant 0 : i32
      %dma_wait3A_32 = arith.constant 0 : i32
      %dma_wait3A_33 = tpu.memref_slice %arg4[%arg0, %arg1, %dma_wait3A, %dma_wait3A_32] : memref<2x16x160x128xi32, #tpu.memory_space<hbm>> -> memref<1x1x40x128xi32, #tpu.memory_space<hbm>>
      %dma_wait3A_34 = tpu.memref_squeeze %dma_wait3A_33 : memref<1x1x40x128xi32, #tpu.memory_space<hbm>> -> memref<40x128xi32, #tpu.memory_space<hbm>>
      %dma_wait3A_35 = arith.constant 0 : i32
      %dma_wait3A_36 = arith.constant 0 : i32
      %dma_wait3A_37 = tpu.memref_slice %arg4[%arg0, %arg1, %dma_wait3A_35, %dma_wait3A_36] : memref<2x16x160x128xi32, #tpu.memory_space<hbm>> -> memref<1x1x40x128xi32, #tpu.memory_space<hbm>>
      %dma_wait3A_38 = tpu.memref_squeeze %dma_wait3A_37 : memref<1x1x40x128xi32, #tpu.memory_space<hbm>> -> memref<40x128xi32, #tpu.memory_space<hbm>>
      tpu.wait_dma2 semaphore(%run_scoped3A : memref<!tpu.dma_semaphore, #tpu.memory_space<semaphore_mem>>) src(%dma_wait3A_38 : memref<40x128xi32, #tpu.memory_space<hbm>>) dst(%arg8 : memref<40x128xi32, #tpu.memory_space<vmem>>)
      tpu.yield
    }) : () -> ()
    %scan3A = arith.constant 0 : i32
    %scan3A_1 = arith.constant 0 : i32
    %scan3A_2 = arith.constant 20 : i32
    %scan3A_3 = arith.addi %scan3A_1, %scan3A_2 : i32
    %scan3A_4 = arith.constant 1 : i32
    scf.for %scan3A_25 = %scan3A_1 to %scan3A_3 step %scan3A_4  : i32 {
      %mul3A_26 = arith.constant 2 : i32
      %mul3A_27 = arith.muli %mul3A_26, %scan3A_25 : i32
      %add3A = arith.constant 1 : i32
      %add3A_28 = arith.addi %mul3A_27, %add3A : i32
      %dma_start3A = arith.constant 0 : i32
      %dma_start3A_29 = tpu.memref_slice %arg7[%mul3A_27, %dma_start3A] : memref<40x128xi32, #tpu.memory_space<vmem>> -> memref<1x128xi32, #tpu.memory_space<vmem>>
      %dma_start3A_30 = tpu.memref_squeeze %dma_start3A_29 : memref<1x128xi32, #tpu.memory_space<vmem>> -> memref<128xi32, #tpu.memory_space<vmem>>
      %dma_start3A_31 = arith.constant 0 : i32
      %dma_start3A_32 = arith.constant 0 : i32
      %dma_start3A_33 = tpu.memref_slice %arg2[%dma_start3A_31, %dma_start3A_32] : memref<20000x128xf32, #tpu.memory_space<hbm>> -> memref<20000x128xf32, #tpu.memory_space<hbm>>
      tpu.enqueue_indirect_dma source(%dma_start3A_33 : memref<20000x128xf32, #tpu.memory_space<hbm>>) target(%arg9 : memref<128x128xf32, #tpu.memory_space<vmem>>) offsets(%dma_start3A_30 : memref<128xi32, #tpu.memory_space<vmem>>) semaphore(%arg12 : memref<!tpu.dma_semaphore, #tpu.memory_space<semaphore_mem>>)
      %dma_start3A_34 = arith.constant 0 : i32
      %dma_start3A_35 = tpu.memref_slice %arg7[%add3A_28, %dma_start3A_34] : memref<40x128xi32, #tpu.memory_space<vmem>> -> memref<1x128xi32, #tpu.memory_space<vmem>>
      %dma_start3A_36 = tpu.memref_squeeze %dma_start3A_35 : memref<1x128xi32, #tpu.memory_space<vmem>> -> memref<128xi32, #tpu.memory_space<vmem>>
      %dma_start3A_37 = arith.constant 0 : i32
      %dma_start3A_38 = arith.constant 0 : i32
      %dma_start3A_39 = tpu.memref_slice %arg2[%dma_start3A_37, %dma_start3A_38] : memref<20000x128xf32, #tpu.memory_space<hbm>> -> memref<20000x128xf32, #tpu.memory_space<hbm>>
      tpu.enqueue_indirect_dma source(%dma_start3A_39 : memref<20000x128xf32, #tpu.memory_space<hbm>>) target(%arg10 : memref<128x128xf32, #tpu.memory_space<vmem>>) offsets(%dma_start3A_36 : memref<128xi32, #tpu.memory_space<vmem>>) semaphore(%arg13 : memref<!tpu.dma_semaphore, #tpu.memory_space<semaphore_mem>>)
      %dma_wait3A = arith.constant 0 : i32
      %dma_wait3A_40 = tpu.memref_slice %arg7[%mul3A_27, %dma_wait3A] : memref<40x128xi32, #tpu.memory_space<vmem>> -> memref<1x128xi32, #tpu.memory_space<vmem>>
      %dma_wait3A_41 = tpu.memref_squeeze %dma_wait3A_40 : memref<1x128xi32, #tpu.memory_space<vmem>> -> memref<128xi32, #tpu.memory_space<vmem>>
      %dma_wait3A_42 = arith.constant 0 : i32
      %dma_wait3A_43 = arith.constant 0 : i32
      %dma_wait3A_44 = tpu.memref_slice %arg2[%dma_wait3A_42, %dma_wait3A_43] : memref<20000x128xf32, #tpu.memory_space<hbm>> -> memref<20000x128xf32, #tpu.memory_space<hbm>>
      tpu.wait_indirect_dma semaphore(%arg12 : memref<!tpu.dma_semaphore, #tpu.memory_space<semaphore_mem>>) src(%dma_wait3A_44 : memref<20000x128xf32, #tpu.memory_space<hbm>>) dst(%arg9 : memref<128x128xf32, #tpu.memory_space<vmem>>)
      "tpu.region"() ({
        %run_scoped3A = tpu.sem_alloc : memref<!tpu.dma_semaphore, #tpu.memory_space<semaphore_mem>>
        %dma_start3A_51 = arith.constant 0 : i32
        %dma_start3A_52 = tpu.memref_slice %arg8[%mul3A_27, %dma_start3A_51] : memref<40x128xi32, #tpu.memory_space<vmem>> -> memref<1x128xi32, #tpu.memory_space<vmem>>
        %dma_start3A_53 = tpu.memref_squeeze %dma_start3A_52 : memref<1x128xi32, #tpu.memory_space<vmem>> -> memref<128xi32, #tpu.memory_space<vmem>>
        %dma_start3A_54 = arith.constant 0 : i32
        %dma_start3A_55 = arith.constant 0 : i32
        %dma_start3A_56 = tpu.memref_slice %arg11[%dma_start3A_54, %dma_start3A_55] : memref<10112x128xf32, #tpu.memory_space<vmem_shared>> -> memref<10112x128xf32, #tpu.memory_space<vmem_shared>>
        tpu.enqueue_indirect_dma source(%arg9 : memref<128x128xf32, #tpu.memory_space<vmem>>) target(%dma_start3A_56 : memref<10112x128xf32, #tpu.memory_space<vmem_shared>>) offsets(%dma_start3A_53 : memref<128xi32, #tpu.memory_space<vmem>>) semaphore(%run_scoped3A : memref<!tpu.dma_semaphore, #tpu.memory_space<semaphore_mem>>) {add = true}
        %dma_wait3A_57 = arith.constant 0 : i32
        %dma_wait3A_58 = tpu.memref_slice %arg8[%mul3A_27, %dma_wait3A_57] : memref<40x128xi32, #tpu.memory_space<vmem>> -> memref<1x128xi32, #tpu.memory_space<vmem>>
        %dma_wait3A_59 = tpu.memref_squeeze %dma_wait3A_58 : memref<1x128xi32, #tpu.memory_space<vmem>> -> memref<128xi32, #tpu.memory_space<vmem>>
        %dma_wait3A_60 = arith.constant 0 : i32
        %dma_wait3A_61 = arith.constant 0 : i32
        %dma_wait3A_62 = tpu.memref_slice %arg11[%dma_wait3A_60, %dma_wait3A_61] : memref<10112x128xf32, #tpu.memory_space<vmem_shared>> -> memref<10112x128xf32, #tpu.memory_space<vmem_shared>>
        tpu.wait_indirect_dma semaphore(%run_scoped3A : memref<!tpu.dma_semaphore, #tpu.memory_space<semaphore_mem>>) src(%arg9 : memref<128x128xf32, #tpu.memory_space<vmem>>) dst(%dma_wait3A_62 : memref<10112x128xf32, #tpu.memory_space<vmem_shared>>)
        tpu.yield
      }) : () -> ()
      %dma_wait3A_45 = arith.constant 0 : i32
      %dma_wait3A_46 = tpu.memref_slice %arg7[%add3A_28, %dma_wait3A_45] : memref<40x128xi32, #tpu.memory_space<vmem>> -> memref<1x128xi32, #tpu.memory_space<vmem>>
      %dma_wait3A_47 = tpu.memref_squeeze %dma_wait3A_46 : memref<1x128xi32, #tpu.memory_space<vmem>> -> memref<128xi32, #tpu.memory_space<vmem>>
      %dma_wait3A_48 = arith.constant 0 : i32
      %dma_wait3A_49 = arith.constant 0 : i32
      %dma_wait3A_50 = tpu.memref_slice %arg2[%dma_wait3A_48, %dma_wait3A_49] : memref<20000x128xf32, #tpu.memory_space<hbm>> -> memref<20000x128xf32, #tpu.memory_space<hbm>>
      tpu.wait_indirect_dma semaphore(%arg13 : memref<!tpu.dma_semaphore, #tpu.memory_space<semaphore_mem>>) src(%dma_wait3A_50 : memref<20000x128xf32, #tpu.memory_space<hbm>>) dst(%arg10 : memref<128x128xf32, #tpu.memory_space<vmem>>)
      "tpu.region"() ({
        %run_scoped3A = tpu.sem_alloc : memref<!tpu.dma_semaphore, #tpu.memory_space<semaphore_mem>>
        %dma_start3A_51 = arith.constant 0 : i32
        %dma_start3A_52 = tpu.memref_slice %arg8[%add3A_28, %dma_start3A_51] : memref<40x128xi32, #tpu.memory_space<vmem>> -> memref<1x128xi32, #tpu.memory_space<vmem>>
        %dma_start3A_53 = tpu.memref_squeeze %dma_start3A_52 : memref<1x128xi32, #tpu.memory_space<vmem>> -> memref<128xi32, #tpu.memory_space<vmem>>
        %dma_start3A_54 = arith.constant 0 : i32
        %dma_start3A_55 = arith.constant 0 : i32
        %dma_start3A_56 = tpu.memref_slice %arg11[%dma_start3A_54, %dma_start3A_55] : memref<10112x128xf32, #tpu.memory_space<vmem_shared>> -> memref<10112x128xf32, #tpu.memory_space<vmem_shared>>
        tpu.enqueue_indirect_dma source(%arg10 : memref<128x128xf32, #tpu.memory_space<vmem>>) target(%dma_start3A_56 : memref<10112x128xf32, #tpu.memory_space<vmem_shared>>) offsets(%dma_start3A_53 : memref<128xi32, #tpu.memory_space<vmem>>) semaphore(%run_scoped3A : memref<!tpu.dma_semaphore, #tpu.memory_space<semaphore_mem>>) {add = true}
        %dma_wait3A_57 = arith.constant 0 : i32
        %dma_wait3A_58 = tpu.memref_slice %arg8[%add3A_28, %dma_wait3A_57] : memref<40x128xi32, #tpu.memory_space<vmem>> -> memref<1x128xi32, #tpu.memory_space<vmem>>
        %dma_wait3A_59 = tpu.memref_squeeze %dma_wait3A_58 : memref<1x128xi32, #tpu.memory_space<vmem>> -> memref<128xi32, #tpu.memory_space<vmem>>
        %dma_wait3A_60 = arith.constant 0 : i32
        %dma_wait3A_61 = arith.constant 0 : i32
        %dma_wait3A_62 = tpu.memref_slice %arg11[%dma_wait3A_60, %dma_wait3A_61] : memref<10112x128xf32, #tpu.memory_space<vmem_shared>> -> memref<10112x128xf32, #tpu.memory_space<vmem_shared>>
        tpu.wait_indirect_dma semaphore(%run_scoped3A : memref<!tpu.dma_semaphore, #tpu.memory_space<semaphore_mem>>) src(%arg10 : memref<128x128xf32, #tpu.memory_space<vmem>>) dst(%dma_wait3A_62 : memref<10112x128xf32, #tpu.memory_space<vmem_shared>>)
        tpu.yield
      }) : () -> ()
    }
    %scan3A_5 = arith.constant 20 : i32
    "tpu.region"() ({
      %run_scoped3A = tpu.sem_alloc : memref<!tpu.dma_semaphore, #tpu.memory_space<semaphore_mem>>
      %dma_start3A = arith.constant 40 : i32
      %dma_start3A_25 = arith.constant 0 : i32
      %dma_start3A_26 = tpu.memref_slice %arg3[%arg0, %arg1, %dma_start3A, %dma_start3A_25] : memref<2x16x160x128xi32, #tpu.memory_space<hbm>> -> memref<1x1x40x128xi32, #tpu.memory_space<hbm>>
      %dma_start3A_27 = tpu.memref_squeeze %dma_start3A_26 : memref<1x1x40x128xi32, #tpu.memory_space<hbm>> -> memref<40x128xi32, #tpu.memory_space<hbm>>
      %dma_start3A_28 = arith.constant 40 : i32
      %dma_start3A_29 = arith.constant 0 : i32
      %dma_start3A_30 = tpu.memref_slice %arg3[%arg0, %arg1, %dma_start3A_28, %dma_start3A_29] : memref<2x16x160x128xi32, #tpu.memory_space<hbm>> -> memref<1x1x40x128xi32, #tpu.memory_space<hbm>>
      %dma_start3A_31 = tpu.memref_squeeze %dma_start3A_30 : memref<1x1x40x128xi32, #tpu.memory_space<hbm>> -> memref<40x128xi32, #tpu.memory_space<hbm>>
      tpu.enqueue_dma source(%dma_start3A_31 : memref<40x128xi32, #tpu.memory_space<hbm>>) target(%arg7 : memref<40x128xi32, #tpu.memory_space<vmem>>) target_semaphore(%run_scoped3A : memref<!tpu.dma_semaphore, #tpu.memory_space<semaphore_mem>>)
      %dma_wait3A = arith.constant 40 : i32
      %dma_wait3A_32 = arith.constant 0 : i32
      %dma_wait3A_33 = tpu.memref_slice %arg3[%arg0, %arg1, %dma_wait3A, %dma_wait3A_32] : memref<2x16x160x128xi32, #tpu.memory_space<hbm>> -> memref<1x1x40x128xi32, #tpu.memory_space<hbm>>
      %dma_wait3A_34 = tpu.memref_squeeze %dma_wait3A_33 : memref<1x1x40x128xi32, #tpu.memory_space<hbm>> -> memref<40x128xi32, #tpu.memory_space<hbm>>
      %dma_wait3A_35 = arith.constant 40 : i32
      %dma_wait3A_36 = arith.constant 0 : i32
      %dma_wait3A_37 = tpu.memref_slice %arg3[%arg0, %arg1, %dma_wait3A_35, %dma_wait3A_36] : memref<2x16x160x128xi32, #tpu.memory_space<hbm>> -> memref<1x1x40x128xi32, #tpu.memory_space<hbm>>
      %dma_wait3A_38 = tpu.memref_squeeze %dma_wait3A_37 : memref<1x1x40x128xi32, #tpu.memory_space<hbm>> -> memref<40x128xi32, #tpu.memory_space<hbm>>
      tpu.wait_dma2 semaphore(%run_scoped3A : memref<!tpu.dma_semaphore, #tpu.memory_space<semaphore_mem>>) src(%dma_wait3A_38 : memref<40x128xi32, #tpu.memory_space<hbm>>) dst(%arg7 : memref<40x128xi32, #tpu.memory_space<vmem>>)
      tpu.yield
    }) : () -> ()
    "tpu.region"() ({
      %run_scoped3A = tpu.sem_alloc : memref<!tpu.dma_semaphore, #tpu.memory_space<semaphore_mem>>
      %dma_start3A = arith.constant 40 : i32
      %dma_start3A_25 = arith.constant 0 : i32
      %dma_start3A_26 = tpu.memref_slice %arg4[%arg0, %arg1, %dma_start3A, %dma_start3A_25] : memref<2x16x160x128xi32, #tpu.memory_space<hbm>> -> memref<1x1x40x128xi32, #tpu.memory_space<hbm>>
      %dma_start3A_27 = tpu.memref_squeeze %dma_start3A_26 : memref<1x1x40x128xi32, #tpu.memory_space<hbm>> -> memref<40x128xi32, #tpu.memory_space<hbm>>
      %dma_start3A_28 = arith.constant 40 : i32
      %dma_start3A_29 = arith.constant 0 : i32
      %dma_start3A_30 = tpu.memref_slice %arg4[%arg0, %arg1, %dma_start3A_28, %dma_start3A_29] : memref<2x16x160x128xi32, #tpu.memory_space<hbm>> -> memref<1x1x40x128xi32, #tpu.memory_space<hbm>>
      %dma_start3A_31 = tpu.memref_squeeze %dma_start3A_30 : memref<1x1x40x128xi32, #tpu.memory_space<hbm>> -> memref<40x128xi32, #tpu.memory_space<hbm>>
      tpu.enqueue_dma source(%dma_start3A_31 : memref<40x128xi32, #tpu.memory_space<hbm>>) target(%arg8 : memref<40x128xi32, #tpu.memory_space<vmem>>) target_semaphore(%run_scoped3A : memref<!tpu.dma_semaphore, #tpu.memory_space<semaphore_mem>>)
      %dma_wait3A = arith.constant 40 : i32
      %dma_wait3A_32 = arith.constant 0 : i32
      %dma_wait3A_33 = tpu.memref_slice %arg4[%arg0, %arg1, %dma_wait3A, %dma_wait3A_32] : memref<2x16x160x128xi32, #tpu.memory_space<hbm>> -> memref<1x1x40x128xi32, #tpu.memory_space<hbm>>
      %dma_wait3A_34 = tpu.memref_squeeze %dma_wait3A_33 : memref<1x1x40x128xi32, #tpu.memory_space<hbm>> -> memref<40x128xi32, #tpu.memory_space<hbm>>
      %dma_wait3A_35 = arith.constant 40 : i32
      %dma_wait3A_36 = arith.constant 0 : i32
      %dma_wait3A_37 = tpu.memref_slice %arg4[%arg0, %arg1, %dma_wait3A_35, %dma_wait3A_36] : memref<2x16x160x128xi32, #tpu.memory_space<hbm>> -> memref<1x1x40x128xi32, #tpu.memory_space<hbm>>
      %dma_wait3A_38 = tpu.memref_squeeze %dma_wait3A_37 : memref<1x1x40x128xi32, #tpu.memory_space<hbm>> -> memref<40x128xi32, #tpu.memory_space<hbm>>
      tpu.wait_dma2 semaphore(%run_scoped3A : memref<!tpu.dma_semaphore, #tpu.memory_space<semaphore_mem>>) src(%dma_wait3A_38 : memref<40x128xi32, #tpu.memory_space<hbm>>) dst(%arg8 : memref<40x128xi32, #tpu.memory_space<vmem>>)
      tpu.yield
    }) : () -> ()
    %scan3A_6 = arith.constant 0 : i32
    %scan3A_7 = arith.constant 0 : i32
    %scan3A_8 = arith.constant 20 : i32
    %scan3A_9 = arith.addi %scan3A_7, %scan3A_8 : i32
    %scan3A_10 = arith.constant 1 : i32
    scf.for %scan3A_25 = %scan3A_7 to %scan3A_9 step %scan3A_10  : i32 {
      %mul3A_26 = arith.constant 2 : i32
      %mul3A_27 = arith.muli %mul3A_26, %scan3A_25 : i32
      %add3A = arith.constant 1 : i32
      %add3A_28 = arith.addi %mul3A_27, %add3A : i32
      %dma_start3A = arith.constant 0 : i32
      %dma_start3A_29 = tpu.memref_slice %arg7[%mul3A_27, %dma_start3A] : memref<40x128xi32, #tpu.memory_space<vmem>> -> memref<1x128xi32, #tpu.memory_space<vmem>>
      %dma_start3A_30 = tpu.memref_squeeze %dma_start3A_29 : memref<1x128xi32, #tpu.memory_space<vmem>> -> memref<128xi32, #tpu.memory_space<vmem>>
      %dma_start3A_31 = arith.constant 0 : i32
      %dma_start3A_32 = arith.constant 0 : i32
      %dma_start3A_33 = tpu.memref_slice %arg2[%dma_start3A_31, %dma_start3A_32] : memref<20000x128xf32, #tpu.memory_space<hbm>> -> memref<20000x128xf32, #tpu.memory_space<hbm>>
      tpu.enqueue_indirect_dma source(%dma_start3A_33 : memref<20000x128xf32, #tpu.memory_space<hbm>>) target(%arg9 : memref<128x128xf32, #tpu.memory_space<vmem>>) offsets(%dma_start3A_30 : memref<128xi32, #tpu.memory_space<vmem>>) semaphore(%arg12 : memref<!tpu.dma_semaphore, #tpu.memory_space<semaphore_mem>>)
      %dma_start3A_34 = arith.constant 0 : i32
      %dma_start3A_35 = tpu.memref_slice %arg7[%add3A_28, %dma_start3A_34] : memref<40x128xi32, #tpu.memory_space<vmem>> -> memref<1x128xi32, #tpu.memory_space<vmem>>
      %dma_start3A_36 = tpu.memref_squeeze %dma_start3A_35 : memref<1x128xi32, #tpu.memory_space<vmem>> -> memref<128xi32, #tpu.memory_space<vmem>>
      %dma_start3A_37 = arith.constant 0 : i32
      %dma_start3A_38 = arith.constant 0 : i32
      %dma_start3A_39 = tpu.memref_slice %arg2[%dma_start3A_37, %dma_start3A_38] : memref<20000x128xf32, #tpu.memory_space<hbm>> -> memref<20000x128xf32, #tpu.memory_space<hbm>>
      tpu.enqueue_indirect_dma source(%dma_start3A_39 : memref<20000x128xf32, #tpu.memory_space<hbm>>) target(%arg10 : memref<128x128xf32, #tpu.memory_space<vmem>>) offsets(%dma_start3A_36 : memref<128xi32, #tpu.memory_space<vmem>>) semaphore(%arg13 : memref<!tpu.dma_semaphore, #tpu.memory_space<semaphore_mem>>)
      %dma_wait3A = arith.constant 0 : i32
      %dma_wait3A_40 = tpu.memref_slice %arg7[%mul3A_27, %dma_wait3A] : memref<40x128xi32, #tpu.memory_space<vmem>> -> memref<1x128xi32, #tpu.memory_space<vmem>>
      %dma_wait3A_41 = tpu.memref_squeeze %dma_wait3A_40 : memref<1x128xi32, #tpu.memory_space<vmem>> -> memref<128xi32, #tpu.memory_space<vmem>>
      %dma_wait3A_42 = arith.constant 0 : i32
      %dma_wait3A_43 = arith.constant 0 : i32
      %dma_wait3A_44 = tpu.memref_slice %arg2[%dma_wait3A_42, %dma_wait3A_43] : memref<20000x128xf32, #tpu.memory_space<hbm>> -> memref<20000x128xf32, #tpu.memory_space<hbm>>
      tpu.wait_indirect_dma semaphore(%arg12 : memref<!tpu.dma_semaphore, #tpu.memory_space<semaphore_mem>>) src(%dma_wait3A_44 : memref<20000x128xf32, #tpu.memory_space<hbm>>) dst(%arg9 : memref<128x128xf32, #tpu.memory_space<vmem>>)
      "tpu.region"() ({
        %run_scoped3A = tpu.sem_alloc : memref<!tpu.dma_semaphore, #tpu.memory_space<semaphore_mem>>
        %dma_start3A_51 = arith.constant 0 : i32
        %dma_start3A_52 = tpu.memref_slice %arg8[%mul3A_27, %dma_start3A_51] : memref<40x128xi32, #tpu.memory_space<vmem>> -> memref<1x128xi32, #tpu.memory_space<vmem>>
        %dma_start3A_53 = tpu.memref_squeeze %dma_start3A_52 : memref<1x128xi32, #tpu.memory_space<vmem>> -> memref<128xi32, #tpu.memory_space<vmem>>
        %dma_start3A_54 = arith.constant 0 : i32
        %dma_start3A_55 = arith.constant 0 : i32
        %dma_start3A_56 = tpu.memref_slice %arg11[%dma_start3A_54, %dma_start3A_55] : memref<10112x128xf32, #tpu.memory_space<vmem_shared>> -> memref<10112x128xf32, #tpu.memory_space<vmem_shared>>
        tpu.enqueue_indirect_dma source(%arg9 : memref<128x128xf32, #tpu.memory_space<vmem>>) target(%dma_start3A_56 : memref<10112x128xf32, #tpu.memory_space<vmem_shared>>) offsets(%dma_start3A_53 : memref<128xi32, #tpu.memory_space<vmem>>) semaphore(%run_scoped3A : memref<!tpu.dma_semaphore, #tpu.memory_space<semaphore_mem>>) {add = true}
        %dma_wait3A_57 = arith.constant 0 : i32
        %dma_wait3A_58 = tpu.memref_slice %arg8[%mul3A_27, %dma_wait3A_57] : memref<40x128xi32, #tpu.memory_space<vmem>> -> memref<1x128xi32, #tpu.memory_space<vmem>>
        %dma_wait3A_59 = tpu.memref_squeeze %dma_wait3A_58 : memref<1x128xi32, #tpu.memory_space<vmem>> -> memref<128xi32, #tpu.memory_space<vmem>>
        %dma_wait3A_60 = arith.constant 0 : i32
        %dma_wait3A_61 = arith.constant 0 : i32
        %dma_wait3A_62 = tpu.memref_slice %arg11[%dma_wait3A_60, %dma_wait3A_61] : memref<10112x128xf32, #tpu.memory_space<vmem_shared>> -> memref<10112x128xf32, #tpu.memory_space<vmem_shared>>
        tpu.wait_indirect_dma semaphore(%run_scoped3A : memref<!tpu.dma_semaphore, #tpu.memory_space<semaphore_mem>>) src(%arg9 : memref<128x128xf32, #tpu.memory_space<vmem>>) dst(%dma_wait3A_62 : memref<10112x128xf32, #tpu.memory_space<vmem_shared>>)
        tpu.yield
      }) : () -> ()
      %dma_wait3A_45 = arith.constant 0 : i32
      %dma_wait3A_46 = tpu.memref_slice %arg7[%add3A_28, %dma_wait3A_45] : memref<40x128xi32, #tpu.memory_space<vmem>> -> memref<1x128xi32, #tpu.memory_space<vmem>>
      %dma_wait3A_47 = tpu.memref_squeeze %dma_wait3A_46 : memref<1x128xi32, #tpu.memory_space<vmem>> -> memref<128xi32, #tpu.memory_space<vmem>>
      %dma_wait3A_48 = arith.constant 0 : i32
      %dma_wait3A_49 = arith.constant 0 : i32
      %dma_wait3A_50 = tpu.memref_slice %arg2[%dma_wait3A_48, %dma_wait3A_49] : memref<20000x128xf32, #tpu.memory_space<hbm>> -> memref<20000x128xf32, #tpu.memory_space<hbm>>
      tpu.wait_indirect_dma semaphore(%arg13 : memref<!tpu.dma_semaphore, #tpu.memory_space<semaphore_mem>>) src(%dma_wait3A_50 : memref<20000x128xf32, #tpu.memory_space<hbm>>) dst(%arg10 : memref<128x128xf32, #tpu.memory_space<vmem>>)
      "tpu.region"() ({
        %run_scoped3A = tpu.sem_alloc : memref<!tpu.dma_semaphore, #tpu.memory_space<semaphore_mem>>
        %dma_start3A_51 = arith.constant 0 : i32
        %dma_start3A_52 = tpu.memref_slice %arg8[%add3A_28, %dma_start3A_51] : memref<40x128xi32, #tpu.memory_space<vmem>> -> memref<1x128xi32, #tpu.memory_space<vmem>>
        %dma_start3A_53 = tpu.memref_squeeze %dma_start3A_52 : memref<1x128xi32, #tpu.memory_space<vmem>> -> memref<128xi32, #tpu.memory_space<vmem>>
        %dma_start3A_54 = arith.constant 0 : i32
        %dma_start3A_55 = arith.constant 0 : i32
        %dma_start3A_56 = tpu.memref_slice %arg11[%dma_start3A_54, %dma_start3A_55] : memref<10112x128xf32, #tpu.memory_space<vmem_shared>> -> memref<10112x128xf32, #tpu.memory_space<vmem_shared>>
        tpu.enqueue_indirect_dma source(%arg10 : memref<128x128xf32, #tpu.memory_space<vmem>>) target(%dma_start3A_56 : memref<10112x128xf32, #tpu.memory_space<vmem_shared>>) offsets(%dma_start3A_53 : memref<128xi32, #tpu.memory_space<vmem>>) semaphore(%run_scoped3A : memref<!tpu.dma_semaphore, #tpu.memory_space<semaphore_mem>>) {add = true}
        %dma_wait3A_57 = arith.constant 0 : i32
        %dma_wait3A_58 = tpu.memref_slice %arg8[%add3A_28, %dma_wait3A_57] : memref<40x128xi32, #tpu.memory_space<vmem>> -> memref<1x128xi32, #tpu.memory_space<vmem>>
        %dma_wait3A_59 = tpu.memref_squeeze %dma_wait3A_58 : memref<1x128xi32, #tpu.memory_space<vmem>> -> memref<128xi32, #tpu.memory_space<vmem>>
        %dma_wait3A_60 = arith.constant 0 : i32
        %dma_wait3A_61 = arith.constant 0 : i32
        %dma_wait3A_62 = tpu.memref_slice %arg11[%dma_wait3A_60, %dma_wait3A_61] : memref<10112x128xf32, #tpu.memory_space<vmem_shared>> -> memref<10112x128xf32, #tpu.memory_space<vmem_shared>>
        tpu.wait_indirect_dma semaphore(%run_scoped3A : memref<!tpu.dma_semaphore, #tpu.memory_space<semaphore_mem>>) src(%arg10 : memref<128x128xf32, #tpu.memory_space<vmem>>) dst(%dma_wait3A_62 : memref<10112x128xf32, #tpu.memory_space<vmem_shared>>)
        tpu.yield
      }) : () -> ()
    }
    %scan3A_11 = arith.constant 20 : i32
    "tpu.region"() ({
      %run_scoped3A = tpu.sem_alloc : memref<!tpu.dma_semaphore, #tpu.memory_space<semaphore_mem>>
      %dma_start3A = arith.constant 80 : i32
      %dma_start3A_25 = arith.constant 0 : i32
      %dma_start3A_26 = tpu.memref_slice %arg3[%arg0, %arg1, %dma_start3A, %dma_start3A_25] : memref<2x16x160x128xi32, #tpu.memory_space<hbm>> -> memref<1x1x40x128xi32, #tpu.memory_space<hbm>>
      %dma_start3A_27 = tpu.memref_squeeze %dma_start3A_26 : memref<1x1x40x128xi32, #tpu.memory_space<hbm>> -> memref<40x128xi32, #tpu.memory_space<hbm>>
      %dma_start3A_28 = arith.constant 80 : i32
      %dma_start3A_29 = arith.constant 0 : i32
      %dma_start3A_30 = tpu.memref_slice %arg3[%arg0, %arg1, %dma_start3A_28, %dma_start3A_29] : memref<2x16x160x128xi32, #tpu.memory_space<hbm>> -> memref<1x1x40x128xi32, #tpu.memory_space<hbm>>
      %dma_start3A_31 = tpu.memref_squeeze %dma_start3A_30 : memref<1x1x40x128xi32, #tpu.memory_space<hbm>> -> memref<40x128xi32, #tpu.memory_space<hbm>>
      tpu.enqueue_dma source(%dma_start3A_31 : memref<40x128xi32, #tpu.memory_space<hbm>>) target(%arg7 : memref<40x128xi32, #tpu.memory_space<vmem>>) target_semaphore(%run_scoped3A : memref<!tpu.dma_semaphore, #tpu.memory_space<semaphore_mem>>)
      %dma_wait3A = arith.constant 80 : i32
      %dma_wait3A_32 = arith.constant 0 : i32
      %dma_wait3A_33 = tpu.memref_slice %arg3[%arg0, %arg1, %dma_wait3A, %dma_wait3A_32] : memref<2x16x160x128xi32, #tpu.memory_space<hbm>> -> memref<1x1x40x128xi32, #tpu.memory_space<hbm>>
      %dma_wait3A_34 = tpu.memref_squeeze %dma_wait3A_33 : memref<1x1x40x128xi32, #tpu.memory_space<hbm>> -> memref<40x128xi32, #tpu.memory_space<hbm>>
      %dma_wait3A_35 = arith.constant 80 : i32
      %dma_wait3A_36 = arith.constant 0 : i32
      %dma_wait3A_37 = tpu.memref_slice %arg3[%arg0, %arg1, %dma_wait3A_35, %dma_wait3A_36] : memref<2x16x160x128xi32, #tpu.memory_space<hbm>> -> memref<1x1x40x128xi32, #tpu.memory_space<hbm>>
      %dma_wait3A_38 = tpu.memref_squeeze %dma_wait3A_37 : memref<1x1x40x128xi32, #tpu.memory_space<hbm>> -> memref<40x128xi32, #tpu.memory_space<hbm>>
      tpu.wait_dma2 semaphore(%run_scoped3A : memref<!tpu.dma_semaphore, #tpu.memory_space<semaphore_mem>>) src(%dma_wait3A_38 : memref<40x128xi32, #tpu.memory_space<hbm>>) dst(%arg7 : memref<40x128xi32, #tpu.memory_space<vmem>>)
      tpu.yield
    }) : () -> ()
    "tpu.region"() ({
      %run_scoped3A = tpu.sem_alloc : memref<!tpu.dma_semaphore, #tpu.memory_space<semaphore_mem>>
      %dma_start3A = arith.constant 80 : i32
      %dma_start3A_25 = arith.constant 0 : i32
      %dma_start3A_26 = tpu.memref_slice %arg4[%arg0, %arg1, %dma_start3A, %dma_start3A_25] : memref<2x16x160x128xi32, #tpu.memory_space<hbm>> -> memref<1x1x40x128xi32, #tpu.memory_space<hbm>>
      %dma_start3A_27 = tpu.memref_squeeze %dma_start3A_26 : memref<1x1x40x128xi32, #tpu.memory_space<hbm>> -> memref<40x128xi32, #tpu.memory_space<hbm>>
      %dma_start3A_28 = arith.constant 80 : i32
      %dma_start3A_29 = arith.constant 0 : i32
      %dma_start3A_30 = tpu.memref_slice %arg4[%arg0, %arg1, %dma_start3A_28, %dma_start3A_29] : memref<2x16x160x128xi32, #tpu.memory_space<hbm>> -> memref<1x1x40x128xi32, #tpu.memory_space<hbm>>
      %dma_start3A_31 = tpu.memref_squeeze %dma_start3A_30 : memref<1x1x40x128xi32, #tpu.memory_space<hbm>> -> memref<40x128xi32, #tpu.memory_space<hbm>>
      tpu.enqueue_dma source(%dma_start3A_31 : memref<40x128xi32, #tpu.memory_space<hbm>>) target(%arg8 : memref<40x128xi32, #tpu.memory_space<vmem>>) target_semaphore(%run_scoped3A : memref<!tpu.dma_semaphore, #tpu.memory_space<semaphore_mem>>)
      %dma_wait3A = arith.constant 80 : i32
      %dma_wait3A_32 = arith.constant 0 : i32
      %dma_wait3A_33 = tpu.memref_slice %arg4[%arg0, %arg1, %dma_wait3A, %dma_wait3A_32] : memref<2x16x160x128xi32, #tpu.memory_space<hbm>> -> memref<1x1x40x128xi32, #tpu.memory_space<hbm>>
      %dma_wait3A_34 = tpu.memref_squeeze %dma_wait3A_33 : memref<1x1x40x128xi32, #tpu.memory_space<hbm>> -> memref<40x128xi32, #tpu.memory_space<hbm>>
      %dma_wait3A_35 = arith.constant 80 : i32
      %dma_wait3A_36 = arith.constant 0 : i32
      %dma_wait3A_37 = tpu.memref_slice %arg4[%arg0, %arg1, %dma_wait3A_35, %dma_wait3A_36] : memref<2x16x160x128xi32, #tpu.memory_space<hbm>> -> memref<1x1x40x128xi32, #tpu.memory_space<hbm>>
      %dma_wait3A_38 = tpu.memref_squeeze %dma_wait3A_37 : memref<1x1x40x128xi32, #tpu.memory_space<hbm>> -> memref<40x128xi32, #tpu.memory_space<hbm>>
      tpu.wait_dma2 semaphore(%run_scoped3A : memref<!tpu.dma_semaphore, #tpu.memory_space<semaphore_mem>>) src(%dma_wait3A_38 : memref<40x128xi32, #tpu.memory_space<hbm>>) dst(%arg8 : memref<40x128xi32, #tpu.memory_space<vmem>>)
      tpu.yield
    }) : () -> ()
    %scan3A_12 = arith.constant 0 : i32
    %scan3A_13 = arith.constant 0 : i32
    %scan3A_14 = arith.constant 20 : i32
    %scan3A_15 = arith.addi %scan3A_13, %scan3A_14 : i32
    %scan3A_16 = arith.constant 1 : i32
    scf.for %scan3A_25 = %scan3A_13 to %scan3A_15 step %scan3A_16  : i32 {
      %mul3A_26 = arith.constant 2 : i32
      %mul3A_27 = arith.muli %mul3A_26, %scan3A_25 : i32
      %add3A = arith.constant 1 : i32
      %add3A_28 = arith.addi %mul3A_27, %add3A : i32
      %dma_start3A = arith.constant 0 : i32
      %dma_start3A_29 = tpu.memref_slice %arg7[%mul3A_27, %dma_start3A] : memref<40x128xi32, #tpu.memory_space<vmem>> -> memref<1x128xi32, #tpu.memory_space<vmem>>
      %dma_start3A_30 = tpu.memref_squeeze %dma_start3A_29 : memref<1x128xi32, #tpu.memory_space<vmem>> -> memref<128xi32, #tpu.memory_space<vmem>>
      %dma_start3A_31 = arith.constant 0 : i32
      %dma_start3A_32 = arith.constant 0 : i32
      %dma_start3A_33 = tpu.memref_slice %arg2[%dma_start3A_31, %dma_start3A_32] : memref<20000x128xf32, #tpu.memory_space<hbm>> -> memref<20000x128xf32, #tpu.memory_space<hbm>>
      tpu.enqueue_indirect_dma source(%dma_start3A_33 : memref<20000x128xf32, #tpu.memory_space<hbm>>) target(%arg9 : memref<128x128xf32, #tpu.memory_space<vmem>>) offsets(%dma_start3A_30 : memref<128xi32, #tpu.memory_space<vmem>>) semaphore(%arg12 : memref<!tpu.dma_semaphore, #tpu.memory_space<semaphore_mem>>)
      %dma_start3A_34 = arith.constant 0 : i32
      %dma_start3A_35 = tpu.memref_slice %arg7[%add3A_28, %dma_start3A_34] : memref<40x128xi32, #tpu.memory_space<vmem>> -> memref<1x128xi32, #tpu.memory_space<vmem>>
      %dma_start3A_36 = tpu.memref_squeeze %dma_start3A_35 : memref<1x128xi32, #tpu.memory_space<vmem>> -> memref<128xi32, #tpu.memory_space<vmem>>
      %dma_start3A_37 = arith.constant 0 : i32
      %dma_start3A_38 = arith.constant 0 : i32
      %dma_start3A_39 = tpu.memref_slice %arg2[%dma_start3A_37, %dma_start3A_38] : memref<20000x128xf32, #tpu.memory_space<hbm>> -> memref<20000x128xf32, #tpu.memory_space<hbm>>
      tpu.enqueue_indirect_dma source(%dma_start3A_39 : memref<20000x128xf32, #tpu.memory_space<hbm>>) target(%arg10 : memref<128x128xf32, #tpu.memory_space<vmem>>) offsets(%dma_start3A_36 : memref<128xi32, #tpu.memory_space<vmem>>) semaphore(%arg13 : memref<!tpu.dma_semaphore, #tpu.memory_space<semaphore_mem>>)
      %dma_wait3A = arith.constant 0 : i32
      %dma_wait3A_40 = tpu.memref_slice %arg7[%mul3A_27, %dma_wait3A] : memref<40x128xi32, #tpu.memory_space<vmem>> -> memref<1x128xi32, #tpu.memory_space<vmem>>
      %dma_wait3A_41 = tpu.memref_squeeze %dma_wait3A_40 : memref<1x128xi32, #tpu.memory_space<vmem>> -> memref<128xi32, #tpu.memory_space<vmem>>
      %dma_wait3A_42 = arith.constant 0 : i32
      %dma_wait3A_43 = arith.constant 0 : i32
      %dma_wait3A_44 = tpu.memref_slice %arg2[%dma_wait3A_42, %dma_wait3A_43] : memref<20000x128xf32, #tpu.memory_space<hbm>> -> memref<20000x128xf32, #tpu.memory_space<hbm>>
      tpu.wait_indirect_dma semaphore(%arg12 : memref<!tpu.dma_semaphore, #tpu.memory_space<semaphore_mem>>) src(%dma_wait3A_44 : memref<20000x128xf32, #tpu.memory_space<hbm>>) dst(%arg9 : memref<128x128xf32, #tpu.memory_space<vmem>>)
      "tpu.region"() ({
        %run_scoped3A = tpu.sem_alloc : memref<!tpu.dma_semaphore, #tpu.memory_space<semaphore_mem>>
        %dma_start3A_51 = arith.constant 0 : i32
        %dma_start3A_52 = tpu.memref_slice %arg8[%mul3A_27, %dma_start3A_51] : memref<40x128xi32, #tpu.memory_space<vmem>> -> memref<1x128xi32, #tpu.memory_space<vmem>>
        %dma_start3A_53 = tpu.memref_squeeze %dma_start3A_52 : memref<1x128xi32, #tpu.memory_space<vmem>> -> memref<128xi32, #tpu.memory_space<vmem>>
        %dma_start3A_54 = arith.constant 0 : i32
        %dma_start3A_55 = arith.constant 0 : i32
        %dma_start3A_56 = tpu.memref_slice %arg11[%dma_start3A_54, %dma_start3A_55] : memref<10112x128xf32, #tpu.memory_space<vmem_shared>> -> memref<10112x128xf32, #tpu.memory_space<vmem_shared>>
        tpu.enqueue_indirect_dma source(%arg9 : memref<128x128xf32, #tpu.memory_space<vmem>>) target(%dma_start3A_56 : memref<10112x128xf32, #tpu.memory_space<vmem_shared>>) offsets(%dma_start3A_53 : memref<128xi32, #tpu.memory_space<vmem>>) semaphore(%run_scoped3A : memref<!tpu.dma_semaphore, #tpu.memory_space<semaphore_mem>>) {add = true}
        %dma_wait3A_57 = arith.constant 0 : i32
        %dma_wait3A_58 = tpu.memref_slice %arg8[%mul3A_27, %dma_wait3A_57] : memref<40x128xi32, #tpu.memory_space<vmem>> -> memref<1x128xi32, #tpu.memory_space<vmem>>
        %dma_wait3A_59 = tpu.memref_squeeze %dma_wait3A_58 : memref<1x128xi32, #tpu.memory_space<vmem>> -> memref<128xi32, #tpu.memory_space<vmem>>
        %dma_wait3A_60 = arith.constant 0 : i32
        %dma_wait3A_61 = arith.constant 0 : i32
        %dma_wait3A_62 = tpu.memref_slice %arg11[%dma_wait3A_60, %dma_wait3A_61] : memref<10112x128xf32, #tpu.memory_space<vmem_shared>> -> memref<10112x128xf32, #tpu.memory_space<vmem_shared>>
        tpu.wait_indirect_dma semaphore(%run_scoped3A : memref<!tpu.dma_semaphore, #tpu.memory_space<semaphore_mem>>) src(%arg9 : memref<128x128xf32, #tpu.memory_space<vmem>>) dst(%dma_wait3A_62 : memref<10112x128xf32, #tpu.memory_space<vmem_shared>>)
        tpu.yield
      }) : () -> ()
      %dma_wait3A_45 = arith.constant 0 : i32
      %dma_wait3A_46 = tpu.memref_slice %arg7[%add3A_28, %dma_wait3A_45] : memref<40x128xi32, #tpu.memory_space<vmem>> -> memref<1x128xi32, #tpu.memory_space<vmem>>
      %dma_wait3A_47 = tpu.memref_squeeze %dma_wait3A_46 : memref<1x128xi32, #tpu.memory_space<vmem>> -> memref<128xi32, #tpu.memory_space<vmem>>
      %dma_wait3A_48 = arith.constant 0 : i32
      %dma_wait3A_49 = arith.constant 0 : i32
      %dma_wait3A_50 = tpu.memref_slice %arg2[%dma_wait3A_48, %dma_wait3A_49] : memref<20000x128xf32, #tpu.memory_space<hbm>> -> memref<20000x128xf32, #tpu.memory_space<hbm>>
      tpu.wait_indirect_dma semaphore(%arg13 : memref<!tpu.dma_semaphore, #tpu.memory_space<semaphore_mem>>) src(%dma_wait3A_50 : memref<20000x128xf32, #tpu.memory_space<hbm>>) dst(%arg10 : memref<128x128xf32, #tpu.memory_space<vmem>>)
      "tpu.region"() ({
        %run_scoped3A = tpu.sem_alloc : memref<!tpu.dma_semaphore, #tpu.memory_space<semaphore_mem>>
        %dma_start3A_51 = arith.constant 0 : i32
        %dma_start3A_52 = tpu.memref_slice %arg8[%add3A_28, %dma_start3A_51] : memref<40x128xi32, #tpu.memory_space<vmem>> -> memref<1x128xi32, #tpu.memory_space<vmem>>
        %dma_start3A_53 = tpu.memref_squeeze %dma_start3A_52 : memref<1x128xi32, #tpu.memory_space<vmem>> -> memref<128xi32, #tpu.memory_space<vmem>>
        %dma_start3A_54 = arith.constant 0 : i32
        %dma_start3A_55 = arith.constant 0 : i32
        %dma_start3A_56 = tpu.memref_slice %arg11[%dma_start3A_54, %dma_start3A_55] : memref<10112x128xf32, #tpu.memory_space<vmem_shared>> -> memref<10112x128xf32, #tpu.memory_space<vmem_shared>>
        tpu.enqueue_indirect_dma source(%arg10 : memref<128x128xf32, #tpu.memory_space<vmem>>) target(%dma_start3A_56 : memref<10112x128xf32, #tpu.memory_space<vmem_shared>>) offsets(%dma_start3A_53 : memref<128xi32, #tpu.memory_space<vmem>>) semaphore(%run_scoped3A : memref<!tpu.dma_semaphore, #tpu.memory_space<semaphore_mem>>) {add = true}
        %dma_wait3A_57 = arith.constant 0 : i32
        %dma_wait3A_58 = tpu.memref_slice %arg8[%add3A_28, %dma_wait3A_57] : memref<40x128xi32, #tpu.memory_space<vmem>> -> memref<1x128xi32, #tpu.memory_space<vmem>>
        %dma_wait3A_59 = tpu.memref_squeeze %dma_wait3A_58 : memref<1x128xi32, #tpu.memory_space<vmem>> -> memref<128xi32, #tpu.memory_space<vmem>>
        %dma_wait3A_60 = arith.constant 0 : i32
        %dma_wait3A_61 = arith.constant 0 : i32
        %dma_wait3A_62 = tpu.memref_slice %arg11[%dma_wait3A_60, %dma_wait3A_61] : memref<10112x128xf32, #tpu.memory_space<vmem_shared>> -> memref<10112x128xf32, #tpu.memory_space<vmem_shared>>
        tpu.wait_indirect_dma semaphore(%run_scoped3A : memref<!tpu.dma_semaphore, #tpu.memory_space<semaphore_mem>>) src(%arg10 : memref<128x128xf32, #tpu.memory_space<vmem>>) dst(%dma_wait3A_62 : memref<10112x128xf32, #tpu.memory_space<vmem_shared>>)
        tpu.yield
      }) : () -> ()
    }
    %scan3A_17 = arith.constant 20 : i32
    "tpu.region"() ({
      %run_scoped3A = tpu.sem_alloc : memref<!tpu.dma_semaphore, #tpu.memory_space<semaphore_mem>>
      %dma_start3A = arith.constant 120 : i32
      %dma_start3A_25 = arith.constant 0 : i32
      %dma_start3A_26 = tpu.memref_slice %arg3[%arg0, %arg1, %dma_start3A, %dma_start3A_25] : memref<2x16x160x128xi32, #tpu.memory_space<hbm>> -> memref<1x1x40x128xi32, #tpu.memory_space<hbm>>
      %dma_start3A_27 = tpu.memref_squeeze %dma_start3A_26 : memref<1x1x40x128xi32, #tpu.memory_space<hbm>> -> memref<40x128xi32, #tpu.memory_space<hbm>>
      %dma_start3A_28 = arith.constant 120 : i32
      %dma_start3A_29 = arith.constant 0 : i32
      %dma_start3A_30 = tpu.memref_slice %arg3[%arg0, %arg1, %dma_start3A_28, %dma_start3A_29] : memref<2x16x160x128xi32, #tpu.memory_space<hbm>> -> memref<1x1x40x128xi32, #tpu.memory_space<hbm>>
      %dma_start3A_31 = tpu.memref_squeeze %dma_start3A_30 : memref<1x1x40x128xi32, #tpu.memory_space<hbm>> -> memref<40x128xi32, #tpu.memory_space<hbm>>
      tpu.enqueue_dma source(%dma_start3A_31 : memref<40x128xi32, #tpu.memory_space<hbm>>) target(%arg7 : memref<40x128xi32, #tpu.memory_space<vmem>>) target_semaphore(%run_scoped3A : memref<!tpu.dma_semaphore, #tpu.memory_space<semaphore_mem>>)
      %dma_wait3A = arith.constant 120 : i32
      %dma_wait3A_32 = arith.constant 0 : i32
      %dma_wait3A_33 = tpu.memref_slice %arg3[%arg0, %arg1, %dma_wait3A, %dma_wait3A_32] : memref<2x16x160x128xi32, #tpu.memory_space<hbm>> -> memref<1x1x40x128xi32, #tpu.memory_space<hbm>>
      %dma_wait3A_34 = tpu.memref_squeeze %dma_wait3A_33 : memref<1x1x40x128xi32, #tpu.memory_space<hbm>> -> memref<40x128xi32, #tpu.memory_space<hbm>>
      %dma_wait3A_35 = arith.constant 120 : i32
      %dma_wait3A_36 = arith.constant 0 : i32
      %dma_wait3A_37 = tpu.memref_slice %arg3[%arg0, %arg1, %dma_wait3A_35, %dma_wait3A_36] : memref<2x16x160x128xi32, #tpu.memory_space<hbm>> -> memref<1x1x40x128xi32, #tpu.memory_space<hbm>>
      %dma_wait3A_38 = tpu.memref_squeeze %dma_wait3A_37 : memref<1x1x40x128xi32, #tpu.memory_space<hbm>> -> memref<40x128xi32, #tpu.memory_space<hbm>>
      tpu.wait_dma2 semaphore(%run_scoped3A : memref<!tpu.dma_semaphore, #tpu.memory_space<semaphore_mem>>) src(%dma_wait3A_38 : memref<40x128xi32, #tpu.memory_space<hbm>>) dst(%arg7 : memref<40x128xi32, #tpu.memory_space<vmem>>)
      tpu.yield
    }) : () -> ()
    "tpu.region"() ({
      %run_scoped3A = tpu.sem_alloc : memref<!tpu.dma_semaphore, #tpu.memory_space<semaphore_mem>>
      %dma_start3A = arith.constant 120 : i32
      %dma_start3A_25 = arith.constant 0 : i32
      %dma_start3A_26 = tpu.memref_slice %arg4[%arg0, %arg1, %dma_start3A, %dma_start3A_25] : memref<2x16x160x128xi32, #tpu.memory_space<hbm>> -> memref<1x1x40x128xi32, #tpu.memory_space<hbm>>
      %dma_start3A_27 = tpu.memref_squeeze %dma_start3A_26 : memref<1x1x40x128xi32, #tpu.memory_space<hbm>> -> memref<40x128xi32, #tpu.memory_space<hbm>>
      %dma_start3A_28 = arith.constant 120 : i32
      %dma_start3A_29 = arith.constant 0 : i32
      %dma_start3A_30 = tpu.memref_slice %arg4[%arg0, %arg1, %dma_start3A_28, %dma_start3A_29] : memref<2x16x160x128xi32, #tpu.memory_space<hbm>> -> memref<1x1x40x128xi32, #tpu.memory_space<hbm>>
      %dma_start3A_31 = tpu.memref_squeeze %dma_start3A_30 : memref<1x1x40x128xi32, #tpu.memory_space<hbm>> -> memref<40x128xi32, #tpu.memory_space<hbm>>
      tpu.enqueue_dma source(%dma_start3A_31 : memref<40x128xi32, #tpu.memory_space<hbm>>) target(%arg8 : memref<40x128xi32, #tpu.memory_space<vmem>>) target_semaphore(%run_scoped3A : memref<!tpu.dma_semaphore, #tpu.memory_space<semaphore_mem>>)
      %dma_wait3A = arith.constant 120 : i32
      %dma_wait3A_32 = arith.constant 0 : i32
      %dma_wait3A_33 = tpu.memref_slice %arg4[%arg0, %arg1, %dma_wait3A, %dma_wait3A_32] : memref<2x16x160x128xi32, #tpu.memory_space<hbm>> -> memref<1x1x40x128xi32, #tpu.memory_space<hbm>>
      %dma_wait3A_34 = tpu.memref_squeeze %dma_wait3A_33 : memref<1x1x40x128xi32, #tpu.memory_space<hbm>> -> memref<40x128xi32, #tpu.memory_space<hbm>>
      %dma_wait3A_35 = arith.constant 120 : i32
      %dma_wait3A_36 = arith.constant 0 : i32
      %dma_wait3A_37 = tpu.memref_slice %arg4[%arg0, %arg1, %dma_wait3A_35, %dma_wait3A_36] : memref<2x16x160x128xi32, #tpu.memory_space<hbm>> -> memref<1x1x40x128xi32, #tpu.memory_space<hbm>>
      %dma_wait3A_38 = tpu.memref_squeeze %dma_wait3A_37 : memref<1x1x40x128xi32, #tpu.memory_space<hbm>> -> memref<40x128xi32, #tpu.memory_space<hbm>>
      tpu.wait_dma2 semaphore(%run_scoped3A : memref<!tpu.dma_semaphore, #tpu.memory_space<semaphore_mem>>) src(%dma_wait3A_38 : memref<40x128xi32, #tpu.memory_space<hbm>>) dst(%arg8 : memref<40x128xi32, #tpu.memory_space<vmem>>)
      tpu.yield
    }) : () -> ()
    %scan3A_18 = arith.constant 0 : i32
    %scan3A_19 = arith.constant 0 : i32
    %scan3A_20 = arith.constant 20 : i32
    %scan3A_21 = arith.addi %scan3A_19, %scan3A_20 : i32
    %scan3A_22 = arith.constant 1 : i32
    scf.for %scan3A_25 = %scan3A_19 to %scan3A_21 step %scan3A_22  : i32 {
      %mul3A_26 = arith.constant 2 : i32
      %mul3A_27 = arith.muli %mul3A_26, %scan3A_25 : i32
      %add3A = arith.constant 1 : i32
      %add3A_28 = arith.addi %mul3A_27, %add3A : i32
      %dma_start3A = arith.constant 0 : i32
      %dma_start3A_29 = tpu.memref_slice %arg7[%mul3A_27, %dma_start3A] : memref<40x128xi32, #tpu.memory_space<vmem>> -> memref<1x128xi32, #tpu.memory_space<vmem>>
      %dma_start3A_30 = tpu.memref_squeeze %dma_start3A_29 : memref<1x128xi32, #tpu.memory_space<vmem>> -> memref<128xi32, #tpu.memory_space<vmem>>
      %dma_start3A_31 = arith.constant 0 : i32
      %dma_start3A_32 = arith.constant 0 : i32
      %dma_start3A_33 = tpu.memref_slice %arg2[%dma_start3A_31, %dma_start3A_32] : memref<20000x128xf32, #tpu.memory_space<hbm>> -> memref<20000x128xf32, #tpu.memory_space<hbm>>
      tpu.enqueue_indirect_dma source(%dma_start3A_33 : memref<20000x128xf32, #tpu.memory_space<hbm>>) target(%arg9 : memref<128x128xf32, #tpu.memory_space<vmem>>) offsets(%dma_start3A_30 : memref<128xi32, #tpu.memory_space<vmem>>) semaphore(%arg12 : memref<!tpu.dma_semaphore, #tpu.memory_space<semaphore_mem>>)
      %dma_start3A_34 = arith.constant 0 : i32
      %dma_start3A_35 = tpu.memref_slice %arg7[%add3A_28, %dma_start3A_34] : memref<40x128xi32, #tpu.memory_space<vmem>> -> memref<1x128xi32, #tpu.memory_space<vmem>>
      %dma_start3A_36 = tpu.memref_squeeze %dma_start3A_35 : memref<1x128xi32, #tpu.memory_space<vmem>> -> memref<128xi32, #tpu.memory_space<vmem>>
      %dma_start3A_37 = arith.constant 0 : i32
      %dma_start3A_38 = arith.constant 0 : i32
      %dma_start3A_39 = tpu.memref_slice %arg2[%dma_start3A_37, %dma_start3A_38] : memref<20000x128xf32, #tpu.memory_space<hbm>> -> memref<20000x128xf32, #tpu.memory_space<hbm>>
      tpu.enqueue_indirect_dma source(%dma_start3A_39 : memref<20000x128xf32, #tpu.memory_space<hbm>>) target(%arg10 : memref<128x128xf32, #tpu.memory_space<vmem>>) offsets(%dma_start3A_36 : memref<128xi32, #tpu.memory_space<vmem>>) semaphore(%arg13 : memref<!tpu.dma_semaphore, #tpu.memory_space<semaphore_mem>>)
      %dma_wait3A = arith.constant 0 : i32
      %dma_wait3A_40 = tpu.memref_slice %arg7[%mul3A_27, %dma_wait3A] : memref<40x128xi32, #tpu.memory_space<vmem>> -> memref<1x128xi32, #tpu.memory_space<vmem>>
      %dma_wait3A_41 = tpu.memref_squeeze %dma_wait3A_40 : memref<1x128xi32, #tpu.memory_space<vmem>> -> memref<128xi32, #tpu.memory_space<vmem>>
      %dma_wait3A_42 = arith.constant 0 : i32
      %dma_wait3A_43 = arith.constant 0 : i32
      %dma_wait3A_44 = tpu.memref_slice %arg2[%dma_wait3A_42, %dma_wait3A_43] : memref<20000x128xf32, #tpu.memory_space<hbm>> -> memref<20000x128xf32, #tpu.memory_space<hbm>>
      tpu.wait_indirect_dma semaphore(%arg12 : memref<!tpu.dma_semaphore, #tpu.memory_space<semaphore_mem>>) src(%dma_wait3A_44 : memref<20000x128xf32, #tpu.memory_space<hbm>>) dst(%arg9 : memref<128x128xf32, #tpu.memory_space<vmem>>)
      "tpu.region"() ({
        %run_scoped3A = tpu.sem_alloc : memref<!tpu.dma_semaphore, #tpu.memory_space<semaphore_mem>>
        %dma_start3A_51 = arith.constant 0 : i32
        %dma_start3A_52 = tpu.memref_slice %arg8[%mul3A_27, %dma_start3A_51] : memref<40x128xi32, #tpu.memory_space<vmem>> -> memref<1x128xi32, #tpu.memory_space<vmem>>
        %dma_start3A_53 = tpu.memref_squeeze %dma_start3A_52 : memref<1x128xi32, #tpu.memory_space<vmem>> -> memref<128xi32, #tpu.memory_space<vmem>>
        %dma_start3A_54 = arith.constant 0 : i32
        %dma_start3A_55 = arith.constant 0 : i32
        %dma_start3A_56 = tpu.memref_slice %arg11[%dma_start3A_54, %dma_start3A_55] : memref<10112x128xf32, #tpu.memory_space<vmem_shared>> -> memref<10112x128xf32, #tpu.memory_space<vmem_shared>>
        tpu.enqueue_indirect_dma source(%arg9 : memref<128x128xf32, #tpu.memory_space<vmem>>) target(%dma_start3A_56 : memref<10112x128xf32, #tpu.memory_space<vmem_shared>>) offsets(%dma_start3A_53 : memref<128xi32, #tpu.memory_space<vmem>>) semaphore(%run_scoped3A : memref<!tpu.dma_semaphore, #tpu.memory_space<semaphore_mem>>) {add = true}
        %dma_wait3A_57 = arith.constant 0 : i32
        %dma_wait3A_58 = tpu.memref_slice %arg8[%mul3A_27, %dma_wait3A_57] : memref<40x128xi32, #tpu.memory_space<vmem>> -> memref<1x128xi32, #tpu.memory_space<vmem>>
        %dma_wait3A_59 = tpu.memref_squeeze %dma_wait3A_58 : memref<1x128xi32, #tpu.memory_space<vmem>> -> memref<128xi32, #tpu.memory_space<vmem>>
        %dma_wait3A_60 = arith.constant 0 : i32
        %dma_wait3A_61 = arith.constant 0 : i32
        %dma_wait3A_62 = tpu.memref_slice %arg11[%dma_wait3A_60, %dma_wait3A_61] : memref<10112x128xf32, #tpu.memory_space<vmem_shared>> -> memref<10112x128xf32, #tpu.memory_space<vmem_shared>>
        tpu.wait_indirect_dma semaphore(%run_scoped3A : memref<!tpu.dma_semaphore, #tpu.memory_space<semaphore_mem>>) src(%arg9 : memref<128x128xf32, #tpu.memory_space<vmem>>) dst(%dma_wait3A_62 : memref<10112x128xf32, #tpu.memory_space<vmem_shared>>)
        tpu.yield
      }) : () -> ()
      %dma_wait3A_45 = arith.constant 0 : i32
      %dma_wait3A_46 = tpu.memref_slice %arg7[%add3A_28, %dma_wait3A_45] : memref<40x128xi32, #tpu.memory_space<vmem>> -> memref<1x128xi32, #tpu.memory_space<vmem>>
      %dma_wait3A_47 = tpu.memref_squeeze %dma_wait3A_46 : memref<1x128xi32, #tpu.memory_space<vmem>> -> memref<128xi32, #tpu.memory_space<vmem>>
      %dma_wait3A_48 = arith.constant 0 : i32
      %dma_wait3A_49 = arith.constant 0 : i32
      %dma_wait3A_50 = tpu.memref_slice %arg2[%dma_wait3A_48, %dma_wait3A_49] : memref<20000x128xf32, #tpu.memory_space<hbm>> -> memref<20000x128xf32, #tpu.memory_space<hbm>>
      tpu.wait_indirect_dma semaphore(%arg13 : memref<!tpu.dma_semaphore, #tpu.memory_space<semaphore_mem>>) src(%dma_wait3A_50 : memref<20000x128xf32, #tpu.memory_space<hbm>>) dst(%arg10 : memref<128x128xf32, #tpu.memory_space<vmem>>)
      "tpu.region"() ({
        %run_scoped3A = tpu.sem_alloc : memref<!tpu.dma_semaphore, #tpu.memory_space<semaphore_mem>>
        %dma_start3A_51 = arith.constant 0 : i32
        %dma_start3A_52 = tpu.memref_slice %arg8[%add3A_28, %dma_start3A_51] : memref<40x128xi32, #tpu.memory_space<vmem>> -> memref<1x128xi32, #tpu.memory_space<vmem>>
        %dma_start3A_53 = tpu.memref_squeeze %dma_start3A_52 : memref<1x128xi32, #tpu.memory_space<vmem>> -> memref<128xi32, #tpu.memory_space<vmem>>
        %dma_start3A_54 = arith.constant 0 : i32
        %dma_start3A_55 = arith.constant 0 : i32
        %dma_start3A_56 = tpu.memref_slice %arg11[%dma_start3A_54, %dma_start3A_55] : memref<10112x128xf32, #tpu.memory_space<vmem_shared>> -> memref<10112x128xf32, #tpu.memory_space<vmem_shared>>
        tpu.enqueue_indirect_dma source(%arg10 : memref<128x128xf32, #tpu.memory_space<vmem>>) target(%dma_start3A_56 : memref<10112x128xf32, #tpu.memory_space<vmem_shared>>) offsets(%dma_start3A_53 : memref<128xi32, #tpu.memory_space<vmem>>) semaphore(%run_scoped3A : memref<!tpu.dma_semaphore, #tpu.memory_space<semaphore_mem>>) {add = true}
        %dma_wait3A_57 = arith.constant 0 : i32
        %dma_wait3A_58 = tpu.memref_slice %arg8[%add3A_28, %dma_wait3A_57] : memref<40x128xi32, #tpu.memory_space<vmem>> -> memref<1x128xi32, #tpu.memory_space<vmem>>
        %dma_wait3A_59 = tpu.memref_squeeze %dma_wait3A_58 : memref<1x128xi32, #tpu.memory_space<vmem>> -> memref<128xi32, #tpu.memory_space<vmem>>
        %dma_wait3A_60 = arith.constant 0 : i32
        %dma_wait3A_61 = arith.constant 0 : i32
        %dma_wait3A_62 = tpu.memref_slice %arg11[%dma_wait3A_60, %dma_wait3A_61] : memref<10112x128xf32, #tpu.memory_space<vmem_shared>> -> memref<10112x128xf32, #tpu.memory_space<vmem_shared>>
        tpu.wait_indirect_dma semaphore(%run_scoped3A : memref<!tpu.dma_semaphore, #tpu.memory_space<semaphore_mem>>) src(%arg10 : memref<128x128xf32, #tpu.memory_space<vmem>>) dst(%dma_wait3A_62 : memref<10112x128xf32, #tpu.memory_space<vmem_shared>>)
        tpu.yield
      }) : () -> ()
    }
    %scan3A_23 = arith.constant 20 : i32
    %barrier3A_24 = arith.constant 0 : index
    tpu.barrier barrier_id(%barrier3A_24)
    "tpu.region"() ({
      %run_scoped3A = tpu.sem_alloc : memref<!tpu.dma_semaphore, #tpu.memory_space<semaphore_mem>>
      %dma_start3A = arith.constant 0 : i32
      %dma_start3A_25 = tpu.memref_slice %arg6[%arg0, %mul3A_0, %dma_start3A] : memref<2x10112x128xf32, #tpu.memory_space<hbm>> -> memref<1x632x128xf32, #tpu.memory_space<hbm>>
      %dma_start3A_26 = tpu.memref_squeeze %dma_start3A_25 : memref<1x632x128xf32, #tpu.memory_space<hbm>> -> memref<632x128xf32, #tpu.memory_space<hbm>>
      %dma_start3A_27 = arith.constant 0 : i32
      %dma_start3A_28 = tpu.memref_slice %arg11[%mul3A_0, %dma_start3A_27] : memref<10112x128xf32, #tpu.memory_space<vmem_shared>> -> memref<632x128xf32, #tpu.memory_space<vmem_shared>>
      tpu.enqueue_dma source(%dma_start3A_28 : memref<632x128xf32, #tpu.memory_space<vmem_shared>>) target(%dma_start3A_26 : memref<632x128xf32, #tpu.memory_space<hbm>>) target_semaphore(%run_scoped3A : memref<!tpu.dma_semaphore, #tpu.memory_space<semaphore_mem>>)
      %dma_wait3A = arith.constant 0 : i32
      %dma_wait3A_29 = tpu.memref_slice %arg6[%arg0, %mul3A_0, %dma_wait3A] : memref<2x10112x128xf32, #tpu.memory_space<hbm>> -> memref<1x632x128xf32, #tpu.memory_space<hbm>>
      %dma_wait3A_30 = tpu.memref_squeeze %dma_wait3A_29 : memref<1x632x128xf32, #tpu.memory_space<hbm>> -> memref<632x128xf32, #tpu.memory_space<hbm>>
      %dma_wait3A_31 = arith.constant 0 : i32
      %dma_wait3A_32 = tpu.memref_slice %arg11[%mul3A_0, %dma_wait3A_31] : memref<10112x128xf32, #tpu.memory_space<vmem_shared>> -> memref<632x128xf32, #tpu.memory_space<vmem_shared>>
      tpu.wait_dma2 semaphore(%run_scoped3A : memref<!tpu.dma_semaphore, #tpu.memory_space<semaphore_mem>>) src(%dma_wait3A_32 : memref<632x128xf32, #tpu.memory_space<vmem_shared>>) dst(%dma_wait3A_30 : memref<632x128xf32, #tpu.memory_space<hbm>>)
      tpu.yield
    }) : () -> ()
    return
  }
}

#map = affine_map<(d0, d1) -> (0, 0)>
#map1 = affine_map<(d0, d1) -> (0, 0, 0, 0)>
#map2 = affine_map<(d0, d1) -> (0, 0, 0)>
module attributes {stable_mosaic.version = 14 : i64} {
  func.func @seg(%arg0: i32, %arg1: i32, %arg2: memref<10000x128xf32, #tpu.memory_space<hbm>>, %arg3: memref<2x16x80x128xi32, #tpu.memory_space<hbm>>, %arg4: memref<2x16x80x128xi32, #tpu.memory_space<hbm>>, %arg5: memref<10112x128xf32, #tpu.memory_space<hbm>>, %arg6: memref<2x10112x128xf32, #tpu.memory_space<hbm>>, %arg7: memref<40x128xi32, #tpu.memory_space<vmem>>, %arg8: memref<40x128xi32, #tpu.memory_space<vmem>>, %arg9: memref<128x128xf32, #tpu.memory_space<vmem>>, %arg10: memref<128x128xf32, #tpu.memory_space<vmem>>, %arg11: memref<10112x128xf32, #tpu.memory_space<vmem_shared>>, %arg12: memref<!tpu.dma_semaphore, #tpu.memory_space<semaphore_mem>>, %arg13: memref<!tpu.dma_semaphore, #tpu.memory_space<semaphore_mem>>) attributes {dimension_semantics = [#tpu.dimension_semantics<core_parallel>, #tpu.dimension_semantics<subcore_parallel>], iteration_bounds = array<i64: 2, 16>, scalar_prefetch = 0 : i64, scratch_operands = 7 : i64, tpu.core_type = #tpu.core_type<sc_vector_subcore>, window_params = [{transform_indices = #map}, {transform_indices = #map1}, {transform_indices = #map1}, {transform_indices = #map}, {transform_indices = #map2}]} {
    %mul3A = arith.constant 632 : i32
    %mul3A_0 = arith.muli %arg1, %mul3A : i32
    "tpu.region"() ({
      %run_scoped3A = tpu.sem_alloc : memref<!tpu.dma_semaphore, #tpu.memory_space<semaphore_mem>>
      %dma_start3A = arith.constant 0 : i32
      %dma_start3A_13 = tpu.memref_slice %arg11[%mul3A_0, %dma_start3A] : memref<10112x128xf32, #tpu.memory_space<vmem_shared>> -> memref<632x128xf32, #tpu.memory_space<vmem_shared>>
      %dma_start3A_14 = arith.constant 0 : i32
      %dma_start3A_15 = tpu.memref_slice %arg5[%mul3A_0, %dma_start3A_14] : memref<10112x128xf32, #tpu.memory_space<hbm>> -> memref<632x128xf32, #tpu.memory_space<hbm>>
      tpu.enqueue_dma source(%dma_start3A_15 : memref<632x128xf32, #tpu.memory_space<hbm>>) target(%dma_start3A_13 : memref<632x128xf32, #tpu.memory_space<vmem_shared>>) target_semaphore(%run_scoped3A : memref<!tpu.dma_semaphore, #tpu.memory_space<semaphore_mem>>)
      %dma_wait3A = arith.constant 0 : i32
      %dma_wait3A_16 = tpu.memref_slice %arg11[%mul3A_0, %dma_wait3A] : memref<10112x128xf32, #tpu.memory_space<vmem_shared>> -> memref<632x128xf32, #tpu.memory_space<vmem_shared>>
      %dma_wait3A_17 = arith.constant 0 : i32
      %dma_wait3A_18 = tpu.memref_slice %arg5[%mul3A_0, %dma_wait3A_17] : memref<10112x128xf32, #tpu.memory_space<hbm>> -> memref<632x128xf32, #tpu.memory_space<hbm>>
      tpu.wait_dma2 semaphore(%run_scoped3A : memref<!tpu.dma_semaphore, #tpu.memory_space<semaphore_mem>>) src(%dma_wait3A_18 : memref<632x128xf32, #tpu.memory_space<hbm>>) dst(%dma_wait3A_16 : memref<632x128xf32, #tpu.memory_space<vmem_shared>>)
      tpu.yield
    }) : () -> ()
    %barrier3A = arith.constant 0 : index
    tpu.barrier barrier_id(%barrier3A)
    "tpu.region"() ({
      %run_scoped3A = tpu.sem_alloc : memref<!tpu.dma_semaphore, #tpu.memory_space<semaphore_mem>>
      %dma_start3A = arith.constant 0 : i32
      %dma_start3A_13 = arith.constant 0 : i32
      %dma_start3A_14 = tpu.memref_slice %arg3[%arg0, %arg1, %dma_start3A, %dma_start3A_13] : memref<2x16x80x128xi32, #tpu.memory_space<hbm>> -> memref<1x1x40x128xi32, #tpu.memory_space<hbm>>
      %dma_start3A_15 = tpu.memref_squeeze %dma_start3A_14 : memref<1x1x40x128xi32, #tpu.memory_space<hbm>> -> memref<40x128xi32, #tpu.memory_space<hbm>>
      %dma_start3A_16 = arith.constant 0 : i32
      %dma_start3A_17 = arith.constant 0 : i32
      %dma_start3A_18 = tpu.memref_slice %arg3[%arg0, %arg1, %dma_start3A_16, %dma_start3A_17] : memref<2x16x80x128xi32, #tpu.memory_space<hbm>> -> memref<1x1x40x128xi32, #tpu.memory_space<hbm>>
      %dma_start3A_19 = tpu.memref_squeeze %dma_start3A_18 : memref<1x1x40x128xi32, #tpu.memory_space<hbm>> -> memref<40x128xi32, #tpu.memory_space<hbm>>
      tpu.enqueue_dma source(%dma_start3A_19 : memref<40x128xi32, #tpu.memory_space<hbm>>) target(%arg7 : memref<40x128xi32, #tpu.memory_space<vmem>>) target_semaphore(%run_scoped3A : memref<!tpu.dma_semaphore, #tpu.memory_space<semaphore_mem>>)
      %dma_wait3A = arith.constant 0 : i32
      %dma_wait3A_20 = arith.constant 0 : i32
      %dma_wait3A_21 = tpu.memref_slice %arg3[%arg0, %arg1, %dma_wait3A, %dma_wait3A_20] : memref<2x16x80x128xi32, #tpu.memory_space<hbm>> -> memref<1x1x40x128xi32, #tpu.memory_space<hbm>>
      %dma_wait3A_22 = tpu.memref_squeeze %dma_wait3A_21 : memref<1x1x40x128xi32, #tpu.memory_space<hbm>> -> memref<40x128xi32, #tpu.memory_space<hbm>>
      %dma_wait3A_23 = arith.constant 0 : i32
      %dma_wait3A_24 = arith.constant 0 : i32
      %dma_wait3A_25 = tpu.memref_slice %arg3[%arg0, %arg1, %dma_wait3A_23, %dma_wait3A_24] : memref<2x16x80x128xi32, #tpu.memory_space<hbm>> -> memref<1x1x40x128xi32, #tpu.memory_space<hbm>>
      %dma_wait3A_26 = tpu.memref_squeeze %dma_wait3A_25 : memref<1x1x40x128xi32, #tpu.memory_space<hbm>> -> memref<40x128xi32, #tpu.memory_space<hbm>>
      tpu.wait_dma2 semaphore(%run_scoped3A : memref<!tpu.dma_semaphore, #tpu.memory_space<semaphore_mem>>) src(%dma_wait3A_26 : memref<40x128xi32, #tpu.memory_space<hbm>>) dst(%arg7 : memref<40x128xi32, #tpu.memory_space<vmem>>)
      tpu.yield
    }) : () -> ()
    "tpu.region"() ({
      %run_scoped3A = tpu.sem_alloc : memref<!tpu.dma_semaphore, #tpu.memory_space<semaphore_mem>>
      %dma_start3A = arith.constant 0 : i32
      %dma_start3A_13 = arith.constant 0 : i32
      %dma_start3A_14 = tpu.memref_slice %arg4[%arg0, %arg1, %dma_start3A, %dma_start3A_13] : memref<2x16x80x128xi32, #tpu.memory_space<hbm>> -> memref<1x1x40x128xi32, #tpu.memory_space<hbm>>
      %dma_start3A_15 = tpu.memref_squeeze %dma_start3A_14 : memref<1x1x40x128xi32, #tpu.memory_space<hbm>> -> memref<40x128xi32, #tpu.memory_space<hbm>>
      %dma_start3A_16 = arith.constant 0 : i32
      %dma_start3A_17 = arith.constant 0 : i32
      %dma_start3A_18 = tpu.memref_slice %arg4[%arg0, %arg1, %dma_start3A_16, %dma_start3A_17] : memref<2x16x80x128xi32, #tpu.memory_space<hbm>> -> memref<1x1x40x128xi32, #tpu.memory_space<hbm>>
      %dma_start3A_19 = tpu.memref_squeeze %dma_start3A_18 : memref<1x1x40x128xi32, #tpu.memory_space<hbm>> -> memref<40x128xi32, #tpu.memory_space<hbm>>
      tpu.enqueue_dma source(%dma_start3A_19 : memref<40x128xi32, #tpu.memory_space<hbm>>) target(%arg8 : memref<40x128xi32, #tpu.memory_space<vmem>>) target_semaphore(%run_scoped3A : memref<!tpu.dma_semaphore, #tpu.memory_space<semaphore_mem>>)
      %dma_wait3A = arith.constant 0 : i32
      %dma_wait3A_20 = arith.constant 0 : i32
      %dma_wait3A_21 = tpu.memref_slice %arg4[%arg0, %arg1, %dma_wait3A, %dma_wait3A_20] : memref<2x16x80x128xi32, #tpu.memory_space<hbm>> -> memref<1x1x40x128xi32, #tpu.memory_space<hbm>>
      %dma_wait3A_22 = tpu.memref_squeeze %dma_wait3A_21 : memref<1x1x40x128xi32, #tpu.memory_space<hbm>> -> memref<40x128xi32, #tpu.memory_space<hbm>>
      %dma_wait3A_23 = arith.constant 0 : i32
      %dma_wait3A_24 = arith.constant 0 : i32
      %dma_wait3A_25 = tpu.memref_slice %arg4[%arg0, %arg1, %dma_wait3A_23, %dma_wait3A_24] : memref<2x16x80x128xi32, #tpu.memory_space<hbm>> -> memref<1x1x40x128xi32, #tpu.memory_space<hbm>>
      %dma_wait3A_26 = tpu.memref_squeeze %dma_wait3A_25 : memref<1x1x40x128xi32, #tpu.memory_space<hbm>> -> memref<40x128xi32, #tpu.memory_space<hbm>>
      tpu.wait_dma2 semaphore(%run_scoped3A : memref<!tpu.dma_semaphore, #tpu.memory_space<semaphore_mem>>) src(%dma_wait3A_26 : memref<40x128xi32, #tpu.memory_space<hbm>>) dst(%arg8 : memref<40x128xi32, #tpu.memory_space<vmem>>)
      tpu.yield
    }) : () -> ()
    %scan3A = arith.constant 0 : i32
    %scan3A_1 = arith.constant 0 : i32
    %scan3A_2 = arith.constant 20 : i32
    %scan3A_3 = arith.addi %scan3A_1, %scan3A_2 : i32
    %scan3A_4 = arith.constant 1 : i32
    scf.for %scan3A_13 = %scan3A_1 to %scan3A_3 step %scan3A_4  : i32 {
      %mul3A_14 = arith.constant 2 : i32
      %mul3A_15 = arith.muli %mul3A_14, %scan3A_13 : i32
      %add3A = arith.constant 1 : i32
      %add3A_16 = arith.addi %mul3A_15, %add3A : i32
      %dma_start3A = arith.constant 0 : i32
      %dma_start3A_17 = tpu.memref_slice %arg7[%mul3A_15, %dma_start3A] : memref<40x128xi32, #tpu.memory_space<vmem>> -> memref<1x128xi32, #tpu.memory_space<vmem>>
      %dma_start3A_18 = tpu.memref_squeeze %dma_start3A_17 : memref<1x128xi32, #tpu.memory_space<vmem>> -> memref<128xi32, #tpu.memory_space<vmem>>
      %dma_start3A_19 = arith.constant 0 : i32
      %dma_start3A_20 = arith.constant 0 : i32
      %dma_start3A_21 = tpu.memref_slice %arg2[%dma_start3A_19, %dma_start3A_20] : memref<10000x128xf32, #tpu.memory_space<hbm>> -> memref<10000x128xf32, #tpu.memory_space<hbm>>
      tpu.enqueue_indirect_dma source(%dma_start3A_21 : memref<10000x128xf32, #tpu.memory_space<hbm>>) target(%arg9 : memref<128x128xf32, #tpu.memory_space<vmem>>) offsets(%dma_start3A_18 : memref<128xi32, #tpu.memory_space<vmem>>) semaphore(%arg12 : memref<!tpu.dma_semaphore, #tpu.memory_space<semaphore_mem>>)
      %dma_start3A_22 = arith.constant 0 : i32
      %dma_start3A_23 = tpu.memref_slice %arg7[%add3A_16, %dma_start3A_22] : memref<40x128xi32, #tpu.memory_space<vmem>> -> memref<1x128xi32, #tpu.memory_space<vmem>>
      %dma_start3A_24 = tpu.memref_squeeze %dma_start3A_23 : memref<1x128xi32, #tpu.memory_space<vmem>> -> memref<128xi32, #tpu.memory_space<vmem>>
      %dma_start3A_25 = arith.constant 0 : i32
      %dma_start3A_26 = arith.constant 0 : i32
      %dma_start3A_27 = tpu.memref_slice %arg2[%dma_start3A_25, %dma_start3A_26] : memref<10000x128xf32, #tpu.memory_space<hbm>> -> memref<10000x128xf32, #tpu.memory_space<hbm>>
      tpu.enqueue_indirect_dma source(%dma_start3A_27 : memref<10000x128xf32, #tpu.memory_space<hbm>>) target(%arg10 : memref<128x128xf32, #tpu.memory_space<vmem>>) offsets(%dma_start3A_24 : memref<128xi32, #tpu.memory_space<vmem>>) semaphore(%arg13 : memref<!tpu.dma_semaphore, #tpu.memory_space<semaphore_mem>>)
      %dma_wait3A = arith.constant 0 : i32
      %dma_wait3A_28 = tpu.memref_slice %arg7[%mul3A_15, %dma_wait3A] : memref<40x128xi32, #tpu.memory_space<vmem>> -> memref<1x128xi32, #tpu.memory_space<vmem>>
      %dma_wait3A_29 = tpu.memref_squeeze %dma_wait3A_28 : memref<1x128xi32, #tpu.memory_space<vmem>> -> memref<128xi32, #tpu.memory_space<vmem>>
      %dma_wait3A_30 = arith.constant 0 : i32
      %dma_wait3A_31 = arith.constant 0 : i32
      %dma_wait3A_32 = tpu.memref_slice %arg2[%dma_wait3A_30, %dma_wait3A_31] : memref<10000x128xf32, #tpu.memory_space<hbm>> -> memref<10000x128xf32, #tpu.memory_space<hbm>>
      tpu.wait_indirect_dma semaphore(%arg12 : memref<!tpu.dma_semaphore, #tpu.memory_space<semaphore_mem>>) src(%dma_wait3A_32 : memref<10000x128xf32, #tpu.memory_space<hbm>>) dst(%arg9 : memref<128x128xf32, #tpu.memory_space<vmem>>)
      "tpu.region"() ({
        %run_scoped3A = tpu.sem_alloc : memref<!tpu.dma_semaphore, #tpu.memory_space<semaphore_mem>>
        %dma_start3A_39 = arith.constant 0 : i32
        %dma_start3A_40 = tpu.memref_slice %arg8[%mul3A_15, %dma_start3A_39] : memref<40x128xi32, #tpu.memory_space<vmem>> -> memref<1x128xi32, #tpu.memory_space<vmem>>
        %dma_start3A_41 = tpu.memref_squeeze %dma_start3A_40 : memref<1x128xi32, #tpu.memory_space<vmem>> -> memref<128xi32, #tpu.memory_space<vmem>>
        %dma_start3A_42 = arith.constant 0 : i32
        %dma_start3A_43 = arith.constant 0 : i32
        %dma_start3A_44 = tpu.memref_slice %arg11[%dma_start3A_42, %dma_start3A_43] : memref<10112x128xf32, #tpu.memory_space<vmem_shared>> -> memref<10112x128xf32, #tpu.memory_space<vmem_shared>>
        tpu.enqueue_indirect_dma source(%arg9 : memref<128x128xf32, #tpu.memory_space<vmem>>) target(%dma_start3A_44 : memref<10112x128xf32, #tpu.memory_space<vmem_shared>>) offsets(%dma_start3A_41 : memref<128xi32, #tpu.memory_space<vmem>>) semaphore(%run_scoped3A : memref<!tpu.dma_semaphore, #tpu.memory_space<semaphore_mem>>) {add = true}
        %dma_wait3A_45 = arith.constant 0 : i32
        %dma_wait3A_46 = tpu.memref_slice %arg8[%mul3A_15, %dma_wait3A_45] : memref<40x128xi32, #tpu.memory_space<vmem>> -> memref<1x128xi32, #tpu.memory_space<vmem>>
        %dma_wait3A_47 = tpu.memref_squeeze %dma_wait3A_46 : memref<1x128xi32, #tpu.memory_space<vmem>> -> memref<128xi32, #tpu.memory_space<vmem>>
        %dma_wait3A_48 = arith.constant 0 : i32
        %dma_wait3A_49 = arith.constant 0 : i32
        %dma_wait3A_50 = tpu.memref_slice %arg11[%dma_wait3A_48, %dma_wait3A_49] : memref<10112x128xf32, #tpu.memory_space<vmem_shared>> -> memref<10112x128xf32, #tpu.memory_space<vmem_shared>>
        tpu.wait_indirect_dma semaphore(%run_scoped3A : memref<!tpu.dma_semaphore, #tpu.memory_space<semaphore_mem>>) src(%arg9 : memref<128x128xf32, #tpu.memory_space<vmem>>) dst(%dma_wait3A_50 : memref<10112x128xf32, #tpu.memory_space<vmem_shared>>)
        tpu.yield
      }) : () -> ()
      %dma_wait3A_33 = arith.constant 0 : i32
      %dma_wait3A_34 = tpu.memref_slice %arg7[%add3A_16, %dma_wait3A_33] : memref<40x128xi32, #tpu.memory_space<vmem>> -> memref<1x128xi32, #tpu.memory_space<vmem>>
      %dma_wait3A_35 = tpu.memref_squeeze %dma_wait3A_34 : memref<1x128xi32, #tpu.memory_space<vmem>> -> memref<128xi32, #tpu.memory_space<vmem>>
      %dma_wait3A_36 = arith.constant 0 : i32
      %dma_wait3A_37 = arith.constant 0 : i32
      %dma_wait3A_38 = tpu.memref_slice %arg2[%dma_wait3A_36, %dma_wait3A_37] : memref<10000x128xf32, #tpu.memory_space<hbm>> -> memref<10000x128xf32, #tpu.memory_space<hbm>>
      tpu.wait_indirect_dma semaphore(%arg13 : memref<!tpu.dma_semaphore, #tpu.memory_space<semaphore_mem>>) src(%dma_wait3A_38 : memref<10000x128xf32, #tpu.memory_space<hbm>>) dst(%arg10 : memref<128x128xf32, #tpu.memory_space<vmem>>)
      "tpu.region"() ({
        %run_scoped3A = tpu.sem_alloc : memref<!tpu.dma_semaphore, #tpu.memory_space<semaphore_mem>>
        %dma_start3A_39 = arith.constant 0 : i32
        %dma_start3A_40 = tpu.memref_slice %arg8[%add3A_16, %dma_start3A_39] : memref<40x128xi32, #tpu.memory_space<vmem>> -> memref<1x128xi32, #tpu.memory_space<vmem>>
        %dma_start3A_41 = tpu.memref_squeeze %dma_start3A_40 : memref<1x128xi32, #tpu.memory_space<vmem>> -> memref<128xi32, #tpu.memory_space<vmem>>
        %dma_start3A_42 = arith.constant 0 : i32
        %dma_start3A_43 = arith.constant 0 : i32
        %dma_start3A_44 = tpu.memref_slice %arg11[%dma_start3A_42, %dma_start3A_43] : memref<10112x128xf32, #tpu.memory_space<vmem_shared>> -> memref<10112x128xf32, #tpu.memory_space<vmem_shared>>
        tpu.enqueue_indirect_dma source(%arg10 : memref<128x128xf32, #tpu.memory_space<vmem>>) target(%dma_start3A_44 : memref<10112x128xf32, #tpu.memory_space<vmem_shared>>) offsets(%dma_start3A_41 : memref<128xi32, #tpu.memory_space<vmem>>) semaphore(%run_scoped3A : memref<!tpu.dma_semaphore, #tpu.memory_space<semaphore_mem>>) {add = true}
        %dma_wait3A_45 = arith.constant 0 : i32
        %dma_wait3A_46 = tpu.memref_slice %arg8[%add3A_16, %dma_wait3A_45] : memref<40x128xi32, #tpu.memory_space<vmem>> -> memref<1x128xi32, #tpu.memory_space<vmem>>
        %dma_wait3A_47 = tpu.memref_squeeze %dma_wait3A_46 : memref<1x128xi32, #tpu.memory_space<vmem>> -> memref<128xi32, #tpu.memory_space<vmem>>
        %dma_wait3A_48 = arith.constant 0 : i32
        %dma_wait3A_49 = arith.constant 0 : i32
        %dma_wait3A_50 = tpu.memref_slice %arg11[%dma_wait3A_48, %dma_wait3A_49] : memref<10112x128xf32, #tpu.memory_space<vmem_shared>> -> memref<10112x128xf32, #tpu.memory_space<vmem_shared>>
        tpu.wait_indirect_dma semaphore(%run_scoped3A : memref<!tpu.dma_semaphore, #tpu.memory_space<semaphore_mem>>) src(%arg10 : memref<128x128xf32, #tpu.memory_space<vmem>>) dst(%dma_wait3A_50 : memref<10112x128xf32, #tpu.memory_space<vmem_shared>>)
        tpu.yield
      }) : () -> ()
    }
    %scan3A_5 = arith.constant 20 : i32
    "tpu.region"() ({
      %run_scoped3A = tpu.sem_alloc : memref<!tpu.dma_semaphore, #tpu.memory_space<semaphore_mem>>
      %dma_start3A = arith.constant 40 : i32
      %dma_start3A_13 = arith.constant 0 : i32
      %dma_start3A_14 = tpu.memref_slice %arg3[%arg0, %arg1, %dma_start3A, %dma_start3A_13] : memref<2x16x80x128xi32, #tpu.memory_space<hbm>> -> memref<1x1x40x128xi32, #tpu.memory_space<hbm>>
      %dma_start3A_15 = tpu.memref_squeeze %dma_start3A_14 : memref<1x1x40x128xi32, #tpu.memory_space<hbm>> -> memref<40x128xi32, #tpu.memory_space<hbm>>
      %dma_start3A_16 = arith.constant 40 : i32
      %dma_start3A_17 = arith.constant 0 : i32
      %dma_start3A_18 = tpu.memref_slice %arg3[%arg0, %arg1, %dma_start3A_16, %dma_start3A_17] : memref<2x16x80x128xi32, #tpu.memory_space<hbm>> -> memref<1x1x40x128xi32, #tpu.memory_space<hbm>>
      %dma_start3A_19 = tpu.memref_squeeze %dma_start3A_18 : memref<1x1x40x128xi32, #tpu.memory_space<hbm>> -> memref<40x128xi32, #tpu.memory_space<hbm>>
      tpu.enqueue_dma source(%dma_start3A_19 : memref<40x128xi32, #tpu.memory_space<hbm>>) target(%arg7 : memref<40x128xi32, #tpu.memory_space<vmem>>) target_semaphore(%run_scoped3A : memref<!tpu.dma_semaphore, #tpu.memory_space<semaphore_mem>>)
      %dma_wait3A = arith.constant 40 : i32
      %dma_wait3A_20 = arith.constant 0 : i32
      %dma_wait3A_21 = tpu.memref_slice %arg3[%arg0, %arg1, %dma_wait3A, %dma_wait3A_20] : memref<2x16x80x128xi32, #tpu.memory_space<hbm>> -> memref<1x1x40x128xi32, #tpu.memory_space<hbm>>
      %dma_wait3A_22 = tpu.memref_squeeze %dma_wait3A_21 : memref<1x1x40x128xi32, #tpu.memory_space<hbm>> -> memref<40x128xi32, #tpu.memory_space<hbm>>
      %dma_wait3A_23 = arith.constant 40 : i32
      %dma_wait3A_24 = arith.constant 0 : i32
      %dma_wait3A_25 = tpu.memref_slice %arg3[%arg0, %arg1, %dma_wait3A_23, %dma_wait3A_24] : memref<2x16x80x128xi32, #tpu.memory_space<hbm>> -> memref<1x1x40x128xi32, #tpu.memory_space<hbm>>
      %dma_wait3A_26 = tpu.memref_squeeze %dma_wait3A_25 : memref<1x1x40x128xi32, #tpu.memory_space<hbm>> -> memref<40x128xi32, #tpu.memory_space<hbm>>
      tpu.wait_dma2 semaphore(%run_scoped3A : memref<!tpu.dma_semaphore, #tpu.memory_space<semaphore_mem>>) src(%dma_wait3A_26 : memref<40x128xi32, #tpu.memory_space<hbm>>) dst(%arg7 : memref<40x128xi32, #tpu.memory_space<vmem>>)
      tpu.yield
    }) : () -> ()
    "tpu.region"() ({
      %run_scoped3A = tpu.sem_alloc : memref<!tpu.dma_semaphore, #tpu.memory_space<semaphore_mem>>
      %dma_start3A = arith.constant 40 : i32
      %dma_start3A_13 = arith.constant 0 : i32
      %dma_start3A_14 = tpu.memref_slice %arg4[%arg0, %arg1, %dma_start3A, %dma_start3A_13] : memref<2x16x80x128xi32, #tpu.memory_space<hbm>> -> memref<1x1x40x128xi32, #tpu.memory_space<hbm>>
      %dma_start3A_15 = tpu.memref_squeeze %dma_start3A_14 : memref<1x1x40x128xi32, #tpu.memory_space<hbm>> -> memref<40x128xi32, #tpu.memory_space<hbm>>
      %dma_start3A_16 = arith.constant 40 : i32
      %dma_start3A_17 = arith.constant 0 : i32
      %dma_start3A_18 = tpu.memref_slice %arg4[%arg0, %arg1, %dma_start3A_16, %dma_start3A_17] : memref<2x16x80x128xi32, #tpu.memory_space<hbm>> -> memref<1x1x40x128xi32, #tpu.memory_space<hbm>>
      %dma_start3A_19 = tpu.memref_squeeze %dma_start3A_18 : memref<1x1x40x128xi32, #tpu.memory_space<hbm>> -> memref<40x128xi32, #tpu.memory_space<hbm>>
      tpu.enqueue_dma source(%dma_start3A_19 : memref<40x128xi32, #tpu.memory_space<hbm>>) target(%arg8 : memref<40x128xi32, #tpu.memory_space<vmem>>) target_semaphore(%run_scoped3A : memref<!tpu.dma_semaphore, #tpu.memory_space<semaphore_mem>>)
      %dma_wait3A = arith.constant 40 : i32
      %dma_wait3A_20 = arith.constant 0 : i32
      %dma_wait3A_21 = tpu.memref_slice %arg4[%arg0, %arg1, %dma_wait3A, %dma_wait3A_20] : memref<2x16x80x128xi32, #tpu.memory_space<hbm>> -> memref<1x1x40x128xi32, #tpu.memory_space<hbm>>
      %dma_wait3A_22 = tpu.memref_squeeze %dma_wait3A_21 : memref<1x1x40x128xi32, #tpu.memory_space<hbm>> -> memref<40x128xi32, #tpu.memory_space<hbm>>
      %dma_wait3A_23 = arith.constant 40 : i32
      %dma_wait3A_24 = arith.constant 0 : i32
      %dma_wait3A_25 = tpu.memref_slice %arg4[%arg0, %arg1, %dma_wait3A_23, %dma_wait3A_24] : memref<2x16x80x128xi32, #tpu.memory_space<hbm>> -> memref<1x1x40x128xi32, #tpu.memory_space<hbm>>
      %dma_wait3A_26 = tpu.memref_squeeze %dma_wait3A_25 : memref<1x1x40x128xi32, #tpu.memory_space<hbm>> -> memref<40x128xi32, #tpu.memory_space<hbm>>
      tpu.wait_dma2 semaphore(%run_scoped3A : memref<!tpu.dma_semaphore, #tpu.memory_space<semaphore_mem>>) src(%dma_wait3A_26 : memref<40x128xi32, #tpu.memory_space<hbm>>) dst(%arg8 : memref<40x128xi32, #tpu.memory_space<vmem>>)
      tpu.yield
    }) : () -> ()
    %scan3A_6 = arith.constant 0 : i32
    %scan3A_7 = arith.constant 0 : i32
    %scan3A_8 = arith.constant 20 : i32
    %scan3A_9 = arith.addi %scan3A_7, %scan3A_8 : i32
    %scan3A_10 = arith.constant 1 : i32
    scf.for %scan3A_13 = %scan3A_7 to %scan3A_9 step %scan3A_10  : i32 {
      %mul3A_14 = arith.constant 2 : i32
      %mul3A_15 = arith.muli %mul3A_14, %scan3A_13 : i32
      %add3A = arith.constant 1 : i32
      %add3A_16 = arith.addi %mul3A_15, %add3A : i32
      %dma_start3A = arith.constant 0 : i32
      %dma_start3A_17 = tpu.memref_slice %arg7[%mul3A_15, %dma_start3A] : memref<40x128xi32, #tpu.memory_space<vmem>> -> memref<1x128xi32, #tpu.memory_space<vmem>>
      %dma_start3A_18 = tpu.memref_squeeze %dma_start3A_17 : memref<1x128xi32, #tpu.memory_space<vmem>> -> memref<128xi32, #tpu.memory_space<vmem>>
      %dma_start3A_19 = arith.constant 0 : i32
      %dma_start3A_20 = arith.constant 0 : i32
      %dma_start3A_21 = tpu.memref_slice %arg2[%dma_start3A_19, %dma_start3A_20] : memref<10000x128xf32, #tpu.memory_space<hbm>> -> memref<10000x128xf32, #tpu.memory_space<hbm>>
      tpu.enqueue_indirect_dma source(%dma_start3A_21 : memref<10000x128xf32, #tpu.memory_space<hbm>>) target(%arg9 : memref<128x128xf32, #tpu.memory_space<vmem>>) offsets(%dma_start3A_18 : memref<128xi32, #tpu.memory_space<vmem>>) semaphore(%arg12 : memref<!tpu.dma_semaphore, #tpu.memory_space<semaphore_mem>>)
      %dma_start3A_22 = arith.constant 0 : i32
      %dma_start3A_23 = tpu.memref_slice %arg7[%add3A_16, %dma_start3A_22] : memref<40x128xi32, #tpu.memory_space<vmem>> -> memref<1x128xi32, #tpu.memory_space<vmem>>
      %dma_start3A_24 = tpu.memref_squeeze %dma_start3A_23 : memref<1x128xi32, #tpu.memory_space<vmem>> -> memref<128xi32, #tpu.memory_space<vmem>>
      %dma_start3A_25 = arith.constant 0 : i32
      %dma_start3A_26 = arith.constant 0 : i32
      %dma_start3A_27 = tpu.memref_slice %arg2[%dma_start3A_25, %dma_start3A_26] : memref<10000x128xf32, #tpu.memory_space<hbm>> -> memref<10000x128xf32, #tpu.memory_space<hbm>>
      tpu.enqueue_indirect_dma source(%dma_start3A_27 : memref<10000x128xf32, #tpu.memory_space<hbm>>) target(%arg10 : memref<128x128xf32, #tpu.memory_space<vmem>>) offsets(%dma_start3A_24 : memref<128xi32, #tpu.memory_space<vmem>>) semaphore(%arg13 : memref<!tpu.dma_semaphore, #tpu.memory_space<semaphore_mem>>)
      %dma_wait3A = arith.constant 0 : i32
      %dma_wait3A_28 = tpu.memref_slice %arg7[%mul3A_15, %dma_wait3A] : memref<40x128xi32, #tpu.memory_space<vmem>> -> memref<1x128xi32, #tpu.memory_space<vmem>>
      %dma_wait3A_29 = tpu.memref_squeeze %dma_wait3A_28 : memref<1x128xi32, #tpu.memory_space<vmem>> -> memref<128xi32, #tpu.memory_space<vmem>>
      %dma_wait3A_30 = arith.constant 0 : i32
      %dma_wait3A_31 = arith.constant 0 : i32
      %dma_wait3A_32 = tpu.memref_slice %arg2[%dma_wait3A_30, %dma_wait3A_31] : memref<10000x128xf32, #tpu.memory_space<hbm>> -> memref<10000x128xf32, #tpu.memory_space<hbm>>
      tpu.wait_indirect_dma semaphore(%arg12 : memref<!tpu.dma_semaphore, #tpu.memory_space<semaphore_mem>>) src(%dma_wait3A_32 : memref<10000x128xf32, #tpu.memory_space<hbm>>) dst(%arg9 : memref<128x128xf32, #tpu.memory_space<vmem>>)
      "tpu.region"() ({
        %run_scoped3A = tpu.sem_alloc : memref<!tpu.dma_semaphore, #tpu.memory_space<semaphore_mem>>
        %dma_start3A_39 = arith.constant 0 : i32
        %dma_start3A_40 = tpu.memref_slice %arg8[%mul3A_15, %dma_start3A_39] : memref<40x128xi32, #tpu.memory_space<vmem>> -> memref<1x128xi32, #tpu.memory_space<vmem>>
        %dma_start3A_41 = tpu.memref_squeeze %dma_start3A_40 : memref<1x128xi32, #tpu.memory_space<vmem>> -> memref<128xi32, #tpu.memory_space<vmem>>
        %dma_start3A_42 = arith.constant 0 : i32
        %dma_start3A_43 = arith.constant 0 : i32
        %dma_start3A_44 = tpu.memref_slice %arg11[%dma_start3A_42, %dma_start3A_43] : memref<10112x128xf32, #tpu.memory_space<vmem_shared>> -> memref<10112x128xf32, #tpu.memory_space<vmem_shared>>
        tpu.enqueue_indirect_dma source(%arg9 : memref<128x128xf32, #tpu.memory_space<vmem>>) target(%dma_start3A_44 : memref<10112x128xf32, #tpu.memory_space<vmem_shared>>) offsets(%dma_start3A_41 : memref<128xi32, #tpu.memory_space<vmem>>) semaphore(%run_scoped3A : memref<!tpu.dma_semaphore, #tpu.memory_space<semaphore_mem>>) {add = true}
        %dma_wait3A_45 = arith.constant 0 : i32
        %dma_wait3A_46 = tpu.memref_slice %arg8[%mul3A_15, %dma_wait3A_45] : memref<40x128xi32, #tpu.memory_space<vmem>> -> memref<1x128xi32, #tpu.memory_space<vmem>>
        %dma_wait3A_47 = tpu.memref_squeeze %dma_wait3A_46 : memref<1x128xi32, #tpu.memory_space<vmem>> -> memref<128xi32, #tpu.memory_space<vmem>>
        %dma_wait3A_48 = arith.constant 0 : i32
        %dma_wait3A_49 = arith.constant 0 : i32
        %dma_wait3A_50 = tpu.memref_slice %arg11[%dma_wait3A_48, %dma_wait3A_49] : memref<10112x128xf32, #tpu.memory_space<vmem_shared>> -> memref<10112x128xf32, #tpu.memory_space<vmem_shared>>
        tpu.wait_indirect_dma semaphore(%run_scoped3A : memref<!tpu.dma_semaphore, #tpu.memory_space<semaphore_mem>>) src(%arg9 : memref<128x128xf32, #tpu.memory_space<vmem>>) dst(%dma_wait3A_50 : memref<10112x128xf32, #tpu.memory_space<vmem_shared>>)
        tpu.yield
      }) : () -> ()
      %dma_wait3A_33 = arith.constant 0 : i32
      %dma_wait3A_34 = tpu.memref_slice %arg7[%add3A_16, %dma_wait3A_33] : memref<40x128xi32, #tpu.memory_space<vmem>> -> memref<1x128xi32, #tpu.memory_space<vmem>>
      %dma_wait3A_35 = tpu.memref_squeeze %dma_wait3A_34 : memref<1x128xi32, #tpu.memory_space<vmem>> -> memref<128xi32, #tpu.memory_space<vmem>>
      %dma_wait3A_36 = arith.constant 0 : i32
      %dma_wait3A_37 = arith.constant 0 : i32
      %dma_wait3A_38 = tpu.memref_slice %arg2[%dma_wait3A_36, %dma_wait3A_37] : memref<10000x128xf32, #tpu.memory_space<hbm>> -> memref<10000x128xf32, #tpu.memory_space<hbm>>
      tpu.wait_indirect_dma semaphore(%arg13 : memref<!tpu.dma_semaphore, #tpu.memory_space<semaphore_mem>>) src(%dma_wait3A_38 : memref<10000x128xf32, #tpu.memory_space<hbm>>) dst(%arg10 : memref<128x128xf32, #tpu.memory_space<vmem>>)
      "tpu.region"() ({
        %run_scoped3A = tpu.sem_alloc : memref<!tpu.dma_semaphore, #tpu.memory_space<semaphore_mem>>
        %dma_start3A_39 = arith.constant 0 : i32
        %dma_start3A_40 = tpu.memref_slice %arg8[%add3A_16, %dma_start3A_39] : memref<40x128xi32, #tpu.memory_space<vmem>> -> memref<1x128xi32, #tpu.memory_space<vmem>>
        %dma_start3A_41 = tpu.memref_squeeze %dma_start3A_40 : memref<1x128xi32, #tpu.memory_space<vmem>> -> memref<128xi32, #tpu.memory_space<vmem>>
        %dma_start3A_42 = arith.constant 0 : i32
        %dma_start3A_43 = arith.constant 0 : i32
        %dma_start3A_44 = tpu.memref_slice %arg11[%dma_start3A_42, %dma_start3A_43] : memref<10112x128xf32, #tpu.memory_space<vmem_shared>> -> memref<10112x128xf32, #tpu.memory_space<vmem_shared>>
        tpu.enqueue_indirect_dma source(%arg10 : memref<128x128xf32, #tpu.memory_space<vmem>>) target(%dma_start3A_44 : memref<10112x128xf32, #tpu.memory_space<vmem_shared>>) offsets(%dma_start3A_41 : memref<128xi32, #tpu.memory_space<vmem>>) semaphore(%run_scoped3A : memref<!tpu.dma_semaphore, #tpu.memory_space<semaphore_mem>>) {add = true}
        %dma_wait3A_45 = arith.constant 0 : i32
        %dma_wait3A_46 = tpu.memref_slice %arg8[%add3A_16, %dma_wait3A_45] : memref<40x128xi32, #tpu.memory_space<vmem>> -> memref<1x128xi32, #tpu.memory_space<vmem>>
        %dma_wait3A_47 = tpu.memref_squeeze %dma_wait3A_46 : memref<1x128xi32, #tpu.memory_space<vmem>> -> memref<128xi32, #tpu.memory_space<vmem>>
        %dma_wait3A_48 = arith.constant 0 : i32
        %dma_wait3A_49 = arith.constant 0 : i32
        %dma_wait3A_50 = tpu.memref_slice %arg11[%dma_wait3A_48, %dma_wait3A_49] : memref<10112x128xf32, #tpu.memory_space<vmem_shared>> -> memref<10112x128xf32, #tpu.memory_space<vmem_shared>>
        tpu.wait_indirect_dma semaphore(%run_scoped3A : memref<!tpu.dma_semaphore, #tpu.memory_space<semaphore_mem>>) src(%arg10 : memref<128x128xf32, #tpu.memory_space<vmem>>) dst(%dma_wait3A_50 : memref<10112x128xf32, #tpu.memory_space<vmem_shared>>)
        tpu.yield
      }) : () -> ()
    }
    %scan3A_11 = arith.constant 20 : i32
    %barrier3A_12 = arith.constant 0 : index
    tpu.barrier barrier_id(%barrier3A_12)
    "tpu.region"() ({
      %run_scoped3A = tpu.sem_alloc : memref<!tpu.dma_semaphore, #tpu.memory_space<semaphore_mem>>
      %dma_start3A = arith.constant 0 : i32
      %dma_start3A_13 = tpu.memref_slice %arg6[%arg0, %mul3A_0, %dma_start3A] : memref<2x10112x128xf32, #tpu.memory_space<hbm>> -> memref<1x632x128xf32, #tpu.memory_space<hbm>>
      %dma_start3A_14 = tpu.memref_squeeze %dma_start3A_13 : memref<1x632x128xf32, #tpu.memory_space<hbm>> -> memref<632x128xf32, #tpu.memory_space<hbm>>
      %dma_start3A_15 = arith.constant 0 : i32
      %dma_start3A_16 = tpu.memref_slice %arg11[%mul3A_0, %dma_start3A_15] : memref<10112x128xf32, #tpu.memory_space<vmem_shared>> -> memref<632x128xf32, #tpu.memory_space<vmem_shared>>
      tpu.enqueue_dma source(%dma_start3A_16 : memref<632x128xf32, #tpu.memory_space<vmem_shared>>) target(%dma_start3A_14 : memref<632x128xf32, #tpu.memory_space<hbm>>) target_semaphore(%run_scoped3A : memref<!tpu.dma_semaphore, #tpu.memory_space<semaphore_mem>>)
      %dma_wait3A = arith.constant 0 : i32
      %dma_wait3A_17 = tpu.memref_slice %arg6[%arg0, %mul3A_0, %dma_wait3A] : memref<2x10112x128xf32, #tpu.memory_space<hbm>> -> memref<1x632x128xf32, #tpu.memory_space<hbm>>
      %dma_wait3A_18 = tpu.memref_squeeze %dma_wait3A_17 : memref<1x632x128xf32, #tpu.memory_space<hbm>> -> memref<632x128xf32, #tpu.memory_space<hbm>>
      %dma_wait3A_19 = arith.constant 0 : i32
      %dma_wait3A_20 = tpu.memref_slice %arg11[%mul3A_0, %dma_wait3A_19] : memref<10112x128xf32, #tpu.memory_space<vmem_shared>> -> memref<632x128xf32, #tpu.memory_space<vmem_shared>>
      tpu.wait_dma2 semaphore(%run_scoped3A : memref<!tpu.dma_semaphore, #tpu.memory_space<semaphore_mem>>) src(%dma_wait3A_20 : memref<632x128xf32, #tpu.memory_space<vmem_shared>>) dst(%dma_wait3A_18 : memref<632x128xf32, #tpu.memory_space<hbm>>)
      tpu.yield
    }) : () -> ()
    return
  }
}

#map = affine_map<(d0, d1) -> (0, 0)>
#map1 = affine_map<(d0, d1) -> (0, 0, 0, 0)>
#map2 = affine_map<(d0, d1) -> (0, 0, 0)>
module attributes {stable_mosaic.version = 14 : i64} {
  func.func @seg(%arg0: i32, %arg1: i32, %arg2: memref<20000x128xf32, #tpu.memory_space<hbm>>, %arg3: memref<2x16x160x128xi32, #tpu.memory_space<hbm>>, %arg4: memref<2x16x160x128xi32, #tpu.memory_space<hbm>>, %arg5: memref<10112x128xf32, #tpu.memory_space<hbm>>, %arg6: memref<2x10112x128xf32, #tpu.memory_space<hbm>>, %arg7: memref<40x128xi32, #tpu.memory_space<vmem>>, %arg8: memref<40x128xi32, #tpu.memory_space<vmem>>, %arg9: memref<128x128xf32, #tpu.memory_space<vmem>>, %arg10: memref<128x128xf32, #tpu.memory_space<vmem>>, %arg11: memref<10112x128xf32, #tpu.memory_space<vmem_shared>>, %arg12: memref<!tpu.dma_semaphore, #tpu.memory_space<semaphore_mem>>, %arg13: memref<!tpu.dma_semaphore, #tpu.memory_space<semaphore_mem>>) attributes {dimension_semantics = [#tpu.dimension_semantics<core_parallel>, #tpu.dimension_semantics<subcore_parallel>], iteration_bounds = array<i64: 2, 16>, scalar_prefetch = 0 : i64, scratch_operands = 7 : i64, tpu.core_type = #tpu.core_type<sc_vector_subcore>, window_params = [{transform_indices = #map}, {transform_indices = #map1}, {transform_indices = #map1}, {transform_indices = #map}, {transform_indices = #map2}]} {
    %mul3A = arith.constant 632 : i32
    %mul3A_0 = arith.muli %arg1, %mul3A : i32
    "tpu.region"() ({
      %run_scoped3A = tpu.sem_alloc : memref<!tpu.dma_semaphore, #tpu.memory_space<semaphore_mem>>
      %dma_start3A = arith.constant 0 : i32
      %dma_start3A_25 = tpu.memref_slice %arg11[%mul3A_0, %dma_start3A] : memref<10112x128xf32, #tpu.memory_space<vmem_shared>> -> memref<632x128xf32, #tpu.memory_space<vmem_shared>>
      %dma_start3A_26 = arith.constant 0 : i32
      %dma_start3A_27 = tpu.memref_slice %arg5[%mul3A_0, %dma_start3A_26] : memref<10112x128xf32, #tpu.memory_space<hbm>> -> memref<632x128xf32, #tpu.memory_space<hbm>>
      tpu.enqueue_dma source(%dma_start3A_27 : memref<632x128xf32, #tpu.memory_space<hbm>>) target(%dma_start3A_25 : memref<632x128xf32, #tpu.memory_space<vmem_shared>>) target_semaphore(%run_scoped3A : memref<!tpu.dma_semaphore, #tpu.memory_space<semaphore_mem>>)
      %dma_wait3A = arith.constant 0 : i32
      %dma_wait3A_28 = tpu.memref_slice %arg11[%mul3A_0, %dma_wait3A] : memref<10112x128xf32, #tpu.memory_space<vmem_shared>> -> memref<632x128xf32, #tpu.memory_space<vmem_shared>>
      %dma_wait3A_29 = arith.constant 0 : i32
      %dma_wait3A_30 = tpu.memref_slice %arg5[%mul3A_0, %dma_wait3A_29] : memref<10112x128xf32, #tpu.memory_space<hbm>> -> memref<632x128xf32, #tpu.memory_space<hbm>>
      tpu.wait_dma2 semaphore(%run_scoped3A : memref<!tpu.dma_semaphore, #tpu.memory_space<semaphore_mem>>) src(%dma_wait3A_30 : memref<632x128xf32, #tpu.memory_space<hbm>>) dst(%dma_wait3A_28 : memref<632x128xf32, #tpu.memory_space<vmem_shared>>)
      tpu.yield
    }) : () -> ()
    %barrier3A = arith.constant 0 : index
    tpu.barrier barrier_id(%barrier3A)
    "tpu.region"() ({
      %run_scoped3A = tpu.sem_alloc : memref<!tpu.dma_semaphore, #tpu.memory_space<semaphore_mem>>
      %dma_start3A = arith.constant 0 : i32
      %dma_start3A_25 = arith.constant 0 : i32
      %dma_start3A_26 = tpu.memref_slice %arg3[%arg0, %arg1, %dma_start3A, %dma_start3A_25] : memref<2x16x160x128xi32, #tpu.memory_space<hbm>> -> memref<1x1x40x128xi32, #tpu.memory_space<hbm>>
      %dma_start3A_27 = tpu.memref_squeeze %dma_start3A_26 : memref<1x1x40x128xi32, #tpu.memory_space<hbm>> -> memref<40x128xi32, #tpu.memory_space<hbm>>
      %dma_start3A_28 = arith.constant 0 : i32
      %dma_start3A_29 = arith.constant 0 : i32
      %dma_start3A_30 = tpu.memref_slice %arg3[%arg0, %arg1, %dma_start3A_28, %dma_start3A_29] : memref<2x16x160x128xi32, #tpu.memory_space<hbm>> -> memref<1x1x40x128xi32, #tpu.memory_space<hbm>>
      %dma_start3A_31 = tpu.memref_squeeze %dma_start3A_30 : memref<1x1x40x128xi32, #tpu.memory_space<hbm>> -> memref<40x128xi32, #tpu.memory_space<hbm>>
      tpu.enqueue_dma source(%dma_start3A_31 : memref<40x128xi32, #tpu.memory_space<hbm>>) target(%arg7 : memref<40x128xi32, #tpu.memory_space<vmem>>) target_semaphore(%run_scoped3A : memref<!tpu.dma_semaphore, #tpu.memory_space<semaphore_mem>>)
      %dma_wait3A = arith.constant 0 : i32
      %dma_wait3A_32 = arith.constant 0 : i32
      %dma_wait3A_33 = tpu.memref_slice %arg3[%arg0, %arg1, %dma_wait3A, %dma_wait3A_32] : memref<2x16x160x128xi32, #tpu.memory_space<hbm>> -> memref<1x1x40x128xi32, #tpu.memory_space<hbm>>
      %dma_wait3A_34 = tpu.memref_squeeze %dma_wait3A_33 : memref<1x1x40x128xi32, #tpu.memory_space<hbm>> -> memref<40x128xi32, #tpu.memory_space<hbm>>
      %dma_wait3A_35 = arith.constant 0 : i32
      %dma_wait3A_36 = arith.constant 0 : i32
      %dma_wait3A_37 = tpu.memref_slice %arg3[%arg0, %arg1, %dma_wait3A_35, %dma_wait3A_36] : memref<2x16x160x128xi32, #tpu.memory_space<hbm>> -> memref<1x1x40x128xi32, #tpu.memory_space<hbm>>
      %dma_wait3A_38 = tpu.memref_squeeze %dma_wait3A_37 : memref<1x1x40x128xi32, #tpu.memory_space<hbm>> -> memref<40x128xi32, #tpu.memory_space<hbm>>
      tpu.wait_dma2 semaphore(%run_scoped3A : memref<!tpu.dma_semaphore, #tpu.memory_space<semaphore_mem>>) src(%dma_wait3A_38 : memref<40x128xi32, #tpu.memory_space<hbm>>) dst(%arg7 : memref<40x128xi32, #tpu.memory_space<vmem>>)
      tpu.yield
    }) : () -> ()
    "tpu.region"() ({
      %run_scoped3A = tpu.sem_alloc : memref<!tpu.dma_semaphore, #tpu.memory_space<semaphore_mem>>
      %dma_start3A = arith.constant 0 : i32
      %dma_start3A_25 = arith.constant 0 : i32
      %dma_start3A_26 = tpu.memref_slice %arg4[%arg0, %arg1, %dma_start3A, %dma_start3A_25] : memref<2x16x160x128xi32, #tpu.memory_space<hbm>> -> memref<1x1x40x128xi32, #tpu.memory_space<hbm>>
      %dma_start3A_27 = tpu.memref_squeeze %dma_start3A_26 : memref<1x1x40x128xi32, #tpu.memory_space<hbm>> -> memref<40x128xi32, #tpu.memory_space<hbm>>
      %dma_start3A_28 = arith.constant 0 : i32
      %dma_start3A_29 = arith.constant 0 : i32
      %dma_start3A_30 = tpu.memref_slice %arg4[%arg0, %arg1, %dma_start3A_28, %dma_start3A_29] : memref<2x16x160x128xi32, #tpu.memory_space<hbm>> -> memref<1x1x40x128xi32, #tpu.memory_space<hbm>>
      %dma_start3A_31 = tpu.memref_squeeze %dma_start3A_30 : memref<1x1x40x128xi32, #tpu.memory_space<hbm>> -> memref<40x128xi32, #tpu.memory_space<hbm>>
      tpu.enqueue_dma source(%dma_start3A_31 : memref<40x128xi32, #tpu.memory_space<hbm>>) target(%arg8 : memref<40x128xi32, #tpu.memory_space<vmem>>) target_semaphore(%run_scoped3A : memref<!tpu.dma_semaphore, #tpu.memory_space<semaphore_mem>>)
      %dma_wait3A = arith.constant 0 : i32
      %dma_wait3A_32 = arith.constant 0 : i32
      %dma_wait3A_33 = tpu.memref_slice %arg4[%arg0, %arg1, %dma_wait3A, %dma_wait3A_32] : memref<2x16x160x128xi32, #tpu.memory_space<hbm>> -> memref<1x1x40x128xi32, #tpu.memory_space<hbm>>
      %dma_wait3A_34 = tpu.memref_squeeze %dma_wait3A_33 : memref<1x1x40x128xi32, #tpu.memory_space<hbm>> -> memref<40x128xi32, #tpu.memory_space<hbm>>
      %dma_wait3A_35 = arith.constant 0 : i32
      %dma_wait3A_36 = arith.constant 0 : i32
      %dma_wait3A_37 = tpu.memref_slice %arg4[%arg0, %arg1, %dma_wait3A_35, %dma_wait3A_36] : memref<2x16x160x128xi32, #tpu.memory_space<hbm>> -> memref<1x1x40x128xi32, #tpu.memory_space<hbm>>
      %dma_wait3A_38 = tpu.memref_squeeze %dma_wait3A_37 : memref<1x1x40x128xi32, #tpu.memory_space<hbm>> -> memref<40x128xi32, #tpu.memory_space<hbm>>
      tpu.wait_dma2 semaphore(%run_scoped3A : memref<!tpu.dma_semaphore, #tpu.memory_space<semaphore_mem>>) src(%dma_wait3A_38 : memref<40x128xi32, #tpu.memory_space<hbm>>) dst(%arg8 : memref<40x128xi32, #tpu.memory_space<vmem>>)
      tpu.yield
    }) : () -> ()
    %scan3A = arith.constant 0 : i32
    %scan3A_1 = arith.constant 0 : i32
    %scan3A_2 = arith.constant 20 : i32
    %scan3A_3 = arith.addi %scan3A_1, %scan3A_2 : i32
    %scan3A_4 = arith.constant 1 : i32
    scf.for %scan3A_25 = %scan3A_1 to %scan3A_3 step %scan3A_4  : i32 {
      %mul3A_26 = arith.constant 2 : i32
      %mul3A_27 = arith.muli %mul3A_26, %scan3A_25 : i32
      %add3A = arith.constant 1 : i32
      %add3A_28 = arith.addi %mul3A_27, %add3A : i32
      %dma_start3A = arith.constant 0 : i32
      %dma_start3A_29 = tpu.memref_slice %arg7[%mul3A_27, %dma_start3A] : memref<40x128xi32, #tpu.memory_space<vmem>> -> memref<1x128xi32, #tpu.memory_space<vmem>>
      %dma_start3A_30 = tpu.memref_squeeze %dma_start3A_29 : memref<1x128xi32, #tpu.memory_space<vmem>> -> memref<128xi32, #tpu.memory_space<vmem>>
      %dma_start3A_31 = arith.constant 0 : i32
      %dma_start3A_32 = arith.constant 0 : i32
      %dma_start3A_33 = tpu.memref_slice %arg2[%dma_start3A_31, %dma_start3A_32] : memref<20000x128xf32, #tpu.memory_space<hbm>> -> memref<20000x128xf32, #tpu.memory_space<hbm>>
      tpu.enqueue_indirect_dma source(%dma_start3A_33 : memref<20000x128xf32, #tpu.memory_space<hbm>>) target(%arg9 : memref<128x128xf32, #tpu.memory_space<vmem>>) offsets(%dma_start3A_30 : memref<128xi32, #tpu.memory_space<vmem>>) semaphore(%arg12 : memref<!tpu.dma_semaphore, #tpu.memory_space<semaphore_mem>>)
      %dma_start3A_34 = arith.constant 0 : i32
      %dma_start3A_35 = tpu.memref_slice %arg7[%add3A_28, %dma_start3A_34] : memref<40x128xi32, #tpu.memory_space<vmem>> -> memref<1x128xi32, #tpu.memory_space<vmem>>
      %dma_start3A_36 = tpu.memref_squeeze %dma_start3A_35 : memref<1x128xi32, #tpu.memory_space<vmem>> -> memref<128xi32, #tpu.memory_space<vmem>>
      %dma_start3A_37 = arith.constant 0 : i32
      %dma_start3A_38 = arith.constant 0 : i32
      %dma_start3A_39 = tpu.memref_slice %arg2[%dma_start3A_37, %dma_start3A_38] : memref<20000x128xf32, #tpu.memory_space<hbm>> -> memref<20000x128xf32, #tpu.memory_space<hbm>>
      tpu.enqueue_indirect_dma source(%dma_start3A_39 : memref<20000x128xf32, #tpu.memory_space<hbm>>) target(%arg10 : memref<128x128xf32, #tpu.memory_space<vmem>>) offsets(%dma_start3A_36 : memref<128xi32, #tpu.memory_space<vmem>>) semaphore(%arg13 : memref<!tpu.dma_semaphore, #tpu.memory_space<semaphore_mem>>)
      %dma_wait3A = arith.constant 0 : i32
      %dma_wait3A_40 = tpu.memref_slice %arg7[%mul3A_27, %dma_wait3A] : memref<40x128xi32, #tpu.memory_space<vmem>> -> memref<1x128xi32, #tpu.memory_space<vmem>>
      %dma_wait3A_41 = tpu.memref_squeeze %dma_wait3A_40 : memref<1x128xi32, #tpu.memory_space<vmem>> -> memref<128xi32, #tpu.memory_space<vmem>>
      %dma_wait3A_42 = arith.constant 0 : i32
      %dma_wait3A_43 = arith.constant 0 : i32
      %dma_wait3A_44 = tpu.memref_slice %arg2[%dma_wait3A_42, %dma_wait3A_43] : memref<20000x128xf32, #tpu.memory_space<hbm>> -> memref<20000x128xf32, #tpu.memory_space<hbm>>
      tpu.wait_indirect_dma semaphore(%arg12 : memref<!tpu.dma_semaphore, #tpu.memory_space<semaphore_mem>>) src(%dma_wait3A_44 : memref<20000x128xf32, #tpu.memory_space<hbm>>) dst(%arg9 : memref<128x128xf32, #tpu.memory_space<vmem>>)
      "tpu.region"() ({
        %run_scoped3A = tpu.sem_alloc : memref<!tpu.dma_semaphore, #tpu.memory_space<semaphore_mem>>
        %dma_start3A_51 = arith.constant 0 : i32
        %dma_start3A_52 = tpu.memref_slice %arg8[%mul3A_27, %dma_start3A_51] : memref<40x128xi32, #tpu.memory_space<vmem>> -> memref<1x128xi32, #tpu.memory_space<vmem>>
        %dma_start3A_53 = tpu.memref_squeeze %dma_start3A_52 : memref<1x128xi32, #tpu.memory_space<vmem>> -> memref<128xi32, #tpu.memory_space<vmem>>
        %dma_start3A_54 = arith.constant 0 : i32
        %dma_start3A_55 = arith.constant 0 : i32
        %dma_start3A_56 = tpu.memref_slice %arg11[%dma_start3A_54, %dma_start3A_55] : memref<10112x128xf32, #tpu.memory_space<vmem_shared>> -> memref<10112x128xf32, #tpu.memory_space<vmem_shared>>
        tpu.enqueue_indirect_dma source(%arg9 : memref<128x128xf32, #tpu.memory_space<vmem>>) target(%dma_start3A_56 : memref<10112x128xf32, #tpu.memory_space<vmem_shared>>) offsets(%dma_start3A_53 : memref<128xi32, #tpu.memory_space<vmem>>) semaphore(%run_scoped3A : memref<!tpu.dma_semaphore, #tpu.memory_space<semaphore_mem>>) {add = true}
        %dma_wait3A_57 = arith.constant 0 : i32
        %dma_wait3A_58 = tpu.memref_slice %arg8[%mul3A_27, %dma_wait3A_57] : memref<40x128xi32, #tpu.memory_space<vmem>> -> memref<1x128xi32, #tpu.memory_space<vmem>>
        %dma_wait3A_59 = tpu.memref_squeeze %dma_wait3A_58 : memref<1x128xi32, #tpu.memory_space<vmem>> -> memref<128xi32, #tpu.memory_space<vmem>>
        %dma_wait3A_60 = arith.constant 0 : i32
        %dma_wait3A_61 = arith.constant 0 : i32
        %dma_wait3A_62 = tpu.memref_slice %arg11[%dma_wait3A_60, %dma_wait3A_61] : memref<10112x128xf32, #tpu.memory_space<vmem_shared>> -> memref<10112x128xf32, #tpu.memory_space<vmem_shared>>
        tpu.wait_indirect_dma semaphore(%run_scoped3A : memref<!tpu.dma_semaphore, #tpu.memory_space<semaphore_mem>>) src(%arg9 : memref<128x128xf32, #tpu.memory_space<vmem>>) dst(%dma_wait3A_62 : memref<10112x128xf32, #tpu.memory_space<vmem_shared>>)
        tpu.yield
      }) : () -> ()
      %dma_wait3A_45 = arith.constant 0 : i32
      %dma_wait3A_46 = tpu.memref_slice %arg7[%add3A_28, %dma_wait3A_45] : memref<40x128xi32, #tpu.memory_space<vmem>> -> memref<1x128xi32, #tpu.memory_space<vmem>>
      %dma_wait3A_47 = tpu.memref_squeeze %dma_wait3A_46 : memref<1x128xi32, #tpu.memory_space<vmem>> -> memref<128xi32, #tpu.memory_space<vmem>>
      %dma_wait3A_48 = arith.constant 0 : i32
      %dma_wait3A_49 = arith.constant 0 : i32
      %dma_wait3A_50 = tpu.memref_slice %arg2[%dma_wait3A_48, %dma_wait3A_49] : memref<20000x128xf32, #tpu.memory_space<hbm>> -> memref<20000x128xf32, #tpu.memory_space<hbm>>
      tpu.wait_indirect_dma semaphore(%arg13 : memref<!tpu.dma_semaphore, #tpu.memory_space<semaphore_mem>>) src(%dma_wait3A_50 : memref<20000x128xf32, #tpu.memory_space<hbm>>) dst(%arg10 : memref<128x128xf32, #tpu.memory_space<vmem>>)
      "tpu.region"() ({
        %run_scoped3A = tpu.sem_alloc : memref<!tpu.dma_semaphore, #tpu.memory_space<semaphore_mem>>
        %dma_start3A_51 = arith.constant 0 : i32
        %dma_start3A_52 = tpu.memref_slice %arg8[%add3A_28, %dma_start3A_51] : memref<40x128xi32, #tpu.memory_space<vmem>> -> memref<1x128xi32, #tpu.memory_space<vmem>>
        %dma_start3A_53 = tpu.memref_squeeze %dma_start3A_52 : memref<1x128xi32, #tpu.memory_space<vmem>> -> memref<128xi32, #tpu.memory_space<vmem>>
        %dma_start3A_54 = arith.constant 0 : i32
        %dma_start3A_55 = arith.constant 0 : i32
        %dma_start3A_56 = tpu.memref_slice %arg11[%dma_start3A_54, %dma_start3A_55] : memref<10112x128xf32, #tpu.memory_space<vmem_shared>> -> memref<10112x128xf32, #tpu.memory_space<vmem_shared>>
        tpu.enqueue_indirect_dma source(%arg10 : memref<128x128xf32, #tpu.memory_space<vmem>>) target(%dma_start3A_56 : memref<10112x128xf32, #tpu.memory_space<vmem_shared>>) offsets(%dma_start3A_53 : memref<128xi32, #tpu.memory_space<vmem>>) semaphore(%run_scoped3A : memref<!tpu.dma_semaphore, #tpu.memory_space<semaphore_mem>>) {add = true}
        %dma_wait3A_57 = arith.constant 0 : i32
        %dma_wait3A_58 = tpu.memref_slice %arg8[%add3A_28, %dma_wait3A_57] : memref<40x128xi32, #tpu.memory_space<vmem>> -> memref<1x128xi32, #tpu.memory_space<vmem>>
        %dma_wait3A_59 = tpu.memref_squeeze %dma_wait3A_58 : memref<1x128xi32, #tpu.memory_space<vmem>> -> memref<128xi32, #tpu.memory_space<vmem>>
        %dma_wait3A_60 = arith.constant 0 : i32
        %dma_wait3A_61 = arith.constant 0 : i32
        %dma_wait3A_62 = tpu.memref_slice %arg11[%dma_wait3A_60, %dma_wait3A_61] : memref<10112x128xf32, #tpu.memory_space<vmem_shared>> -> memref<10112x128xf32, #tpu.memory_space<vmem_shared>>
        tpu.wait_indirect_dma semaphore(%run_scoped3A : memref<!tpu.dma_semaphore, #tpu.memory_space<semaphore_mem>>) src(%arg10 : memref<128x128xf32, #tpu.memory_space<vmem>>) dst(%dma_wait3A_62 : memref<10112x128xf32, #tpu.memory_space<vmem_shared>>)
        tpu.yield
      }) : () -> ()
    }
    %scan3A_5 = arith.constant 20 : i32
    "tpu.region"() ({
      %run_scoped3A = tpu.sem_alloc : memref<!tpu.dma_semaphore, #tpu.memory_space<semaphore_mem>>
      %dma_start3A = arith.constant 40 : i32
      %dma_start3A_25 = arith.constant 0 : i32
      %dma_start3A_26 = tpu.memref_slice %arg3[%arg0, %arg1, %dma_start3A, %dma_start3A_25] : memref<2x16x160x128xi32, #tpu.memory_space<hbm>> -> memref<1x1x40x128xi32, #tpu.memory_space<hbm>>
      %dma_start3A_27 = tpu.memref_squeeze %dma_start3A_26 : memref<1x1x40x128xi32, #tpu.memory_space<hbm>> -> memref<40x128xi32, #tpu.memory_space<hbm>>
      %dma_start3A_28 = arith.constant 40 : i32
      %dma_start3A_29 = arith.constant 0 : i32
      %dma_start3A_30 = tpu.memref_slice %arg3[%arg0, %arg1, %dma_start3A_28, %dma_start3A_29] : memref<2x16x160x128xi32, #tpu.memory_space<hbm>> -> memref<1x1x40x128xi32, #tpu.memory_space<hbm>>
      %dma_start3A_31 = tpu.memref_squeeze %dma_start3A_30 : memref<1x1x40x128xi32, #tpu.memory_space<hbm>> -> memref<40x128xi32, #tpu.memory_space<hbm>>
      tpu.enqueue_dma source(%dma_start3A_31 : memref<40x128xi32, #tpu.memory_space<hbm>>) target(%arg7 : memref<40x128xi32, #tpu.memory_space<vmem>>) target_semaphore(%run_scoped3A : memref<!tpu.dma_semaphore, #tpu.memory_space<semaphore_mem>>)
      %dma_wait3A = arith.constant 40 : i32
      %dma_wait3A_32 = arith.constant 0 : i32
      %dma_wait3A_33 = tpu.memref_slice %arg3[%arg0, %arg1, %dma_wait3A, %dma_wait3A_32] : memref<2x16x160x128xi32, #tpu.memory_space<hbm>> -> memref<1x1x40x128xi32, #tpu.memory_space<hbm>>
      %dma_wait3A_34 = tpu.memref_squeeze %dma_wait3A_33 : memref<1x1x40x128xi32, #tpu.memory_space<hbm>> -> memref<40x128xi32, #tpu.memory_space<hbm>>
      %dma_wait3A_35 = arith.constant 40 : i32
      %dma_wait3A_36 = arith.constant 0 : i32
      %dma_wait3A_37 = tpu.memref_slice %arg3[%arg0, %arg1, %dma_wait3A_35, %dma_wait3A_36] : memref<2x16x160x128xi32, #tpu.memory_space<hbm>> -> memref<1x1x40x128xi32, #tpu.memory_space<hbm>>
      %dma_wait3A_38 = tpu.memref_squeeze %dma_wait3A_37 : memref<1x1x40x128xi32, #tpu.memory_space<hbm>> -> memref<40x128xi32, #tpu.memory_space<hbm>>
      tpu.wait_dma2 semaphore(%run_scoped3A : memref<!tpu.dma_semaphore, #tpu.memory_space<semaphore_mem>>) src(%dma_wait3A_38 : memref<40x128xi32, #tpu.memory_space<hbm>>) dst(%arg7 : memref<40x128xi32, #tpu.memory_space<vmem>>)
      tpu.yield
    }) : () -> ()
    "tpu.region"() ({
      %run_scoped3A = tpu.sem_alloc : memref<!tpu.dma_semaphore, #tpu.memory_space<semaphore_mem>>
      %dma_start3A = arith.constant 40 : i32
      %dma_start3A_25 = arith.constant 0 : i32
      %dma_start3A_26 = tpu.memref_slice %arg4[%arg0, %arg1, %dma_start3A, %dma_start3A_25] : memref<2x16x160x128xi32, #tpu.memory_space<hbm>> -> memref<1x1x40x128xi32, #tpu.memory_space<hbm>>
      %dma_start3A_27 = tpu.memref_squeeze %dma_start3A_26 : memref<1x1x40x128xi32, #tpu.memory_space<hbm>> -> memref<40x128xi32, #tpu.memory_space<hbm>>
      %dma_start3A_28 = arith.constant 40 : i32
      %dma_start3A_29 = arith.constant 0 : i32
      %dma_start3A_30 = tpu.memref_slice %arg4[%arg0, %arg1, %dma_start3A_28, %dma_start3A_29] : memref<2x16x160x128xi32, #tpu.memory_space<hbm>> -> memref<1x1x40x128xi32, #tpu.memory_space<hbm>>
      %dma_start3A_31 = tpu.memref_squeeze %dma_start3A_30 : memref<1x1x40x128xi32, #tpu.memory_space<hbm>> -> memref<40x128xi32, #tpu.memory_space<hbm>>
      tpu.enqueue_dma source(%dma_start3A_31 : memref<40x128xi32, #tpu.memory_space<hbm>>) target(%arg8 : memref<40x128xi32, #tpu.memory_space<vmem>>) target_semaphore(%run_scoped3A : memref<!tpu.dma_semaphore, #tpu.memory_space<semaphore_mem>>)
      %dma_wait3A = arith.constant 40 : i32
      %dma_wait3A_32 = arith.constant 0 : i32
      %dma_wait3A_33 = tpu.memref_slice %arg4[%arg0, %arg1, %dma_wait3A, %dma_wait3A_32] : memref<2x16x160x128xi32, #tpu.memory_space<hbm>> -> memref<1x1x40x128xi32, #tpu.memory_space<hbm>>
      %dma_wait3A_34 = tpu.memref_squeeze %dma_wait3A_33 : memref<1x1x40x128xi32, #tpu.memory_space<hbm>> -> memref<40x128xi32, #tpu.memory_space<hbm>>
      %dma_wait3A_35 = arith.constant 40 : i32
      %dma_wait3A_36 = arith.constant 0 : i32
      %dma_wait3A_37 = tpu.memref_slice %arg4[%arg0, %arg1, %dma_wait3A_35, %dma_wait3A_36] : memref<2x16x160x128xi32, #tpu.memory_space<hbm>> -> memref<1x1x40x128xi32, #tpu.memory_space<hbm>>
      %dma_wait3A_38 = tpu.memref_squeeze %dma_wait3A_37 : memref<1x1x40x128xi32, #tpu.memory_space<hbm>> -> memref<40x128xi32, #tpu.memory_space<hbm>>
      tpu.wait_dma2 semaphore(%run_scoped3A : memref<!tpu.dma_semaphore, #tpu.memory_space<semaphore_mem>>) src(%dma_wait3A_38 : memref<40x128xi32, #tpu.memory_space<hbm>>) dst(%arg8 : memref<40x128xi32, #tpu.memory_space<vmem>>)
      tpu.yield
    }) : () -> ()
    %scan3A_6 = arith.constant 0 : i32
    %scan3A_7 = arith.constant 0 : i32
    %scan3A_8 = arith.constant 20 : i32
    %scan3A_9 = arith.addi %scan3A_7, %scan3A_8 : i32
    %scan3A_10 = arith.constant 1 : i32
    scf.for %scan3A_25 = %scan3A_7 to %scan3A_9 step %scan3A_10  : i32 {
      %mul3A_26 = arith.constant 2 : i32
      %mul3A_27 = arith.muli %mul3A_26, %scan3A_25 : i32
      %add3A = arith.constant 1 : i32
      %add3A_28 = arith.addi %mul3A_27, %add3A : i32
      %dma_start3A = arith.constant 0 : i32
      %dma_start3A_29 = tpu.memref_slice %arg7[%mul3A_27, %dma_start3A] : memref<40x128xi32, #tpu.memory_space<vmem>> -> memref<1x128xi32, #tpu.memory_space<vmem>>
      %dma_start3A_30 = tpu.memref_squeeze %dma_start3A_29 : memref<1x128xi32, #tpu.memory_space<vmem>> -> memref<128xi32, #tpu.memory_space<vmem>>
      %dma_start3A_31 = arith.constant 0 : i32
      %dma_start3A_32 = arith.constant 0 : i32
      %dma_start3A_33 = tpu.memref_slice %arg2[%dma_start3A_31, %dma_start3A_32] : memref<20000x128xf32, #tpu.memory_space<hbm>> -> memref<20000x128xf32, #tpu.memory_space<hbm>>
      tpu.enqueue_indirect_dma source(%dma_start3A_33 : memref<20000x128xf32, #tpu.memory_space<hbm>>) target(%arg9 : memref<128x128xf32, #tpu.memory_space<vmem>>) offsets(%dma_start3A_30 : memref<128xi32, #tpu.memory_space<vmem>>) semaphore(%arg12 : memref<!tpu.dma_semaphore, #tpu.memory_space<semaphore_mem>>)
      %dma_start3A_34 = arith.constant 0 : i32
      %dma_start3A_35 = tpu.memref_slice %arg7[%add3A_28, %dma_start3A_34] : memref<40x128xi32, #tpu.memory_space<vmem>> -> memref<1x128xi32, #tpu.memory_space<vmem>>
      %dma_start3A_36 = tpu.memref_squeeze %dma_start3A_35 : memref<1x128xi32, #tpu.memory_space<vmem>> -> memref<128xi32, #tpu.memory_space<vmem>>
      %dma_start3A_37 = arith.constant 0 : i32
      %dma_start3A_38 = arith.constant 0 : i32
      %dma_start3A_39 = tpu.memref_slice %arg2[%dma_start3A_37, %dma_start3A_38] : memref<20000x128xf32, #tpu.memory_space<hbm>> -> memref<20000x128xf32, #tpu.memory_space<hbm>>
      tpu.enqueue_indirect_dma source(%dma_start3A_39 : memref<20000x128xf32, #tpu.memory_space<hbm>>) target(%arg10 : memref<128x128xf32, #tpu.memory_space<vmem>>) offsets(%dma_start3A_36 : memref<128xi32, #tpu.memory_space<vmem>>) semaphore(%arg13 : memref<!tpu.dma_semaphore, #tpu.memory_space<semaphore_mem>>)
      %dma_wait3A = arith.constant 0 : i32
      %dma_wait3A_40 = tpu.memref_slice %arg7[%mul3A_27, %dma_wait3A] : memref<40x128xi32, #tpu.memory_space<vmem>> -> memref<1x128xi32, #tpu.memory_space<vmem>>
      %dma_wait3A_41 = tpu.memref_squeeze %dma_wait3A_40 : memref<1x128xi32, #tpu.memory_space<vmem>> -> memref<128xi32, #tpu.memory_space<vmem>>
      %dma_wait3A_42 = arith.constant 0 : i32
      %dma_wait3A_43 = arith.constant 0 : i32
      %dma_wait3A_44 = tpu.memref_slice %arg2[%dma_wait3A_42, %dma_wait3A_43] : memref<20000x128xf32, #tpu.memory_space<hbm>> -> memref<20000x128xf32, #tpu.memory_space<hbm>>
      tpu.wait_indirect_dma semaphore(%arg12 : memref<!tpu.dma_semaphore, #tpu.memory_space<semaphore_mem>>) src(%dma_wait3A_44 : memref<20000x128xf32, #tpu.memory_space<hbm>>) dst(%arg9 : memref<128x128xf32, #tpu.memory_space<vmem>>)
      "tpu.region"() ({
        %run_scoped3A = tpu.sem_alloc : memref<!tpu.dma_semaphore, #tpu.memory_space<semaphore_mem>>
        %dma_start3A_51 = arith.constant 0 : i32
        %dma_start3A_52 = tpu.memref_slice %arg8[%mul3A_27, %dma_start3A_51] : memref<40x128xi32, #tpu.memory_space<vmem>> -> memref<1x128xi32, #tpu.memory_space<vmem>>
        %dma_start3A_53 = tpu.memref_squeeze %dma_start3A_52 : memref<1x128xi32, #tpu.memory_space<vmem>> -> memref<128xi32, #tpu.memory_space<vmem>>
        %dma_start3A_54 = arith.constant 0 : i32
        %dma_start3A_55 = arith.constant 0 : i32
        %dma_start3A_56 = tpu.memref_slice %arg11[%dma_start3A_54, %dma_start3A_55] : memref<10112x128xf32, #tpu.memory_space<vmem_shared>> -> memref<10112x128xf32, #tpu.memory_space<vmem_shared>>
        tpu.enqueue_indirect_dma source(%arg9 : memref<128x128xf32, #tpu.memory_space<vmem>>) target(%dma_start3A_56 : memref<10112x128xf32, #tpu.memory_space<vmem_shared>>) offsets(%dma_start3A_53 : memref<128xi32, #tpu.memory_space<vmem>>) semaphore(%run_scoped3A : memref<!tpu.dma_semaphore, #tpu.memory_space<semaphore_mem>>) {add = true}
        %dma_wait3A_57 = arith.constant 0 : i32
        %dma_wait3A_58 = tpu.memref_slice %arg8[%mul3A_27, %dma_wait3A_57] : memref<40x128xi32, #tpu.memory_space<vmem>> -> memref<1x128xi32, #tpu.memory_space<vmem>>
        %dma_wait3A_59 = tpu.memref_squeeze %dma_wait3A_58 : memref<1x128xi32, #tpu.memory_space<vmem>> -> memref<128xi32, #tpu.memory_space<vmem>>
        %dma_wait3A_60 = arith.constant 0 : i32
        %dma_wait3A_61 = arith.constant 0 : i32
        %dma_wait3A_62 = tpu.memref_slice %arg11[%dma_wait3A_60, %dma_wait3A_61] : memref<10112x128xf32, #tpu.memory_space<vmem_shared>> -> memref<10112x128xf32, #tpu.memory_space<vmem_shared>>
        tpu.wait_indirect_dma semaphore(%run_scoped3A : memref<!tpu.dma_semaphore, #tpu.memory_space<semaphore_mem>>) src(%arg9 : memref<128x128xf32, #tpu.memory_space<vmem>>) dst(%dma_wait3A_62 : memref<10112x128xf32, #tpu.memory_space<vmem_shared>>)
        tpu.yield
      }) : () -> ()
      %dma_wait3A_45 = arith.constant 0 : i32
      %dma_wait3A_46 = tpu.memref_slice %arg7[%add3A_28, %dma_wait3A_45] : memref<40x128xi32, #tpu.memory_space<vmem>> -> memref<1x128xi32, #tpu.memory_space<vmem>>
      %dma_wait3A_47 = tpu.memref_squeeze %dma_wait3A_46 : memref<1x128xi32, #tpu.memory_space<vmem>> -> memref<128xi32, #tpu.memory_space<vmem>>
      %dma_wait3A_48 = arith.constant 0 : i32
      %dma_wait3A_49 = arith.constant 0 : i32
      %dma_wait3A_50 = tpu.memref_slice %arg2[%dma_wait3A_48, %dma_wait3A_49] : memref<20000x128xf32, #tpu.memory_space<hbm>> -> memref<20000x128xf32, #tpu.memory_space<hbm>>
      tpu.wait_indirect_dma semaphore(%arg13 : memref<!tpu.dma_semaphore, #tpu.memory_space<semaphore_mem>>) src(%dma_wait3A_50 : memref<20000x128xf32, #tpu.memory_space<hbm>>) dst(%arg10 : memref<128x128xf32, #tpu.memory_space<vmem>>)
      "tpu.region"() ({
        %run_scoped3A = tpu.sem_alloc : memref<!tpu.dma_semaphore, #tpu.memory_space<semaphore_mem>>
        %dma_start3A_51 = arith.constant 0 : i32
        %dma_start3A_52 = tpu.memref_slice %arg8[%add3A_28, %dma_start3A_51] : memref<40x128xi32, #tpu.memory_space<vmem>> -> memref<1x128xi32, #tpu.memory_space<vmem>>
        %dma_start3A_53 = tpu.memref_squeeze %dma_start3A_52 : memref<1x128xi32, #tpu.memory_space<vmem>> -> memref<128xi32, #tpu.memory_space<vmem>>
        %dma_start3A_54 = arith.constant 0 : i32
        %dma_start3A_55 = arith.constant 0 : i32
        %dma_start3A_56 = tpu.memref_slice %arg11[%dma_start3A_54, %dma_start3A_55] : memref<10112x128xf32, #tpu.memory_space<vmem_shared>> -> memref<10112x128xf32, #tpu.memory_space<vmem_shared>>
        tpu.enqueue_indirect_dma source(%arg10 : memref<128x128xf32, #tpu.memory_space<vmem>>) target(%dma_start3A_56 : memref<10112x128xf32, #tpu.memory_space<vmem_shared>>) offsets(%dma_start3A_53 : memref<128xi32, #tpu.memory_space<vmem>>) semaphore(%run_scoped3A : memref<!tpu.dma_semaphore, #tpu.memory_space<semaphore_mem>>) {add = true}
        %dma_wait3A_57 = arith.constant 0 : i32
        %dma_wait3A_58 = tpu.memref_slice %arg8[%add3A_28, %dma_wait3A_57] : memref<40x128xi32, #tpu.memory_space<vmem>> -> memref<1x128xi32, #tpu.memory_space<vmem>>
        %dma_wait3A_59 = tpu.memref_squeeze %dma_wait3A_58 : memref<1x128xi32, #tpu.memory_space<vmem>> -> memref<128xi32, #tpu.memory_space<vmem>>
        %dma_wait3A_60 = arith.constant 0 : i32
        %dma_wait3A_61 = arith.constant 0 : i32
        %dma_wait3A_62 = tpu.memref_slice %arg11[%dma_wait3A_60, %dma_wait3A_61] : memref<10112x128xf32, #tpu.memory_space<vmem_shared>> -> memref<10112x128xf32, #tpu.memory_space<vmem_shared>>
        tpu.wait_indirect_dma semaphore(%run_scoped3A : memref<!tpu.dma_semaphore, #tpu.memory_space<semaphore_mem>>) src(%arg10 : memref<128x128xf32, #tpu.memory_space<vmem>>) dst(%dma_wait3A_62 : memref<10112x128xf32, #tpu.memory_space<vmem_shared>>)
        tpu.yield
      }) : () -> ()
    }
    %scan3A_11 = arith.constant 20 : i32
    "tpu.region"() ({
      %run_scoped3A = tpu.sem_alloc : memref<!tpu.dma_semaphore, #tpu.memory_space<semaphore_mem>>
      %dma_start3A = arith.constant 80 : i32
      %dma_start3A_25 = arith.constant 0 : i32
      %dma_start3A_26 = tpu.memref_slice %arg3[%arg0, %arg1, %dma_start3A, %dma_start3A_25] : memref<2x16x160x128xi32, #tpu.memory_space<hbm>> -> memref<1x1x40x128xi32, #tpu.memory_space<hbm>>
      %dma_start3A_27 = tpu.memref_squeeze %dma_start3A_26 : memref<1x1x40x128xi32, #tpu.memory_space<hbm>> -> memref<40x128xi32, #tpu.memory_space<hbm>>
      %dma_start3A_28 = arith.constant 80 : i32
      %dma_start3A_29 = arith.constant 0 : i32
      %dma_start3A_30 = tpu.memref_slice %arg3[%arg0, %arg1, %dma_start3A_28, %dma_start3A_29] : memref<2x16x160x128xi32, #tpu.memory_space<hbm>> -> memref<1x1x40x128xi32, #tpu.memory_space<hbm>>
      %dma_start3A_31 = tpu.memref_squeeze %dma_start3A_30 : memref<1x1x40x128xi32, #tpu.memory_space<hbm>> -> memref<40x128xi32, #tpu.memory_space<hbm>>
      tpu.enqueue_dma source(%dma_start3A_31 : memref<40x128xi32, #tpu.memory_space<hbm>>) target(%arg7 : memref<40x128xi32, #tpu.memory_space<vmem>>) target_semaphore(%run_scoped3A : memref<!tpu.dma_semaphore, #tpu.memory_space<semaphore_mem>>)
      %dma_wait3A = arith.constant 80 : i32
      %dma_wait3A_32 = arith.constant 0 : i32
      %dma_wait3A_33 = tpu.memref_slice %arg3[%arg0, %arg1, %dma_wait3A, %dma_wait3A_32] : memref<2x16x160x128xi32, #tpu.memory_space<hbm>> -> memref<1x1x40x128xi32, #tpu.memory_space<hbm>>
      %dma_wait3A_34 = tpu.memref_squeeze %dma_wait3A_33 : memref<1x1x40x128xi32, #tpu.memory_space<hbm>> -> memref<40x128xi32, #tpu.memory_space<hbm>>
      %dma_wait3A_35 = arith.constant 80 : i32
      %dma_wait3A_36 = arith.constant 0 : i32
      %dma_wait3A_37 = tpu.memref_slice %arg3[%arg0, %arg1, %dma_wait3A_35, %dma_wait3A_36] : memref<2x16x160x128xi32, #tpu.memory_space<hbm>> -> memref<1x1x40x128xi32, #tpu.memory_space<hbm>>
      %dma_wait3A_38 = tpu.memref_squeeze %dma_wait3A_37 : memref<1x1x40x128xi32, #tpu.memory_space<hbm>> -> memref<40x128xi32, #tpu.memory_space<hbm>>
      tpu.wait_dma2 semaphore(%run_scoped3A : memref<!tpu.dma_semaphore, #tpu.memory_space<semaphore_mem>>) src(%dma_wait3A_38 : memref<40x128xi32, #tpu.memory_space<hbm>>) dst(%arg7 : memref<40x128xi32, #tpu.memory_space<vmem>>)
      tpu.yield
    }) : () -> ()
    "tpu.region"() ({
      %run_scoped3A = tpu.sem_alloc : memref<!tpu.dma_semaphore, #tpu.memory_space<semaphore_mem>>
      %dma_start3A = arith.constant 80 : i32
      %dma_start3A_25 = arith.constant 0 : i32
      %dma_start3A_26 = tpu.memref_slice %arg4[%arg0, %arg1, %dma_start3A, %dma_start3A_25] : memref<2x16x160x128xi32, #tpu.memory_space<hbm>> -> memref<1x1x40x128xi32, #tpu.memory_space<hbm>>
      %dma_start3A_27 = tpu.memref_squeeze %dma_start3A_26 : memref<1x1x40x128xi32, #tpu.memory_space<hbm>> -> memref<40x128xi32, #tpu.memory_space<hbm>>
      %dma_start3A_28 = arith.constant 80 : i32
      %dma_start3A_29 = arith.constant 0 : i32
      %dma_start3A_30 = tpu.memref_slice %arg4[%arg0, %arg1, %dma_start3A_28, %dma_start3A_29] : memref<2x16x160x128xi32, #tpu.memory_space<hbm>> -> memref<1x1x40x128xi32, #tpu.memory_space<hbm>>
      %dma_start3A_31 = tpu.memref_squeeze %dma_start3A_30 : memref<1x1x40x128xi32, #tpu.memory_space<hbm>> -> memref<40x128xi32, #tpu.memory_space<hbm>>
      tpu.enqueue_dma source(%dma_start3A_31 : memref<40x128xi32, #tpu.memory_space<hbm>>) target(%arg8 : memref<40x128xi32, #tpu.memory_space<vmem>>) target_semaphore(%run_scoped3A : memref<!tpu.dma_semaphore, #tpu.memory_space<semaphore_mem>>)
      %dma_wait3A = arith.constant 80 : i32
      %dma_wait3A_32 = arith.constant 0 : i32
      %dma_wait3A_33 = tpu.memref_slice %arg4[%arg0, %arg1, %dma_wait3A, %dma_wait3A_32] : memref<2x16x160x128xi32, #tpu.memory_space<hbm>> -> memref<1x1x40x128xi32, #tpu.memory_space<hbm>>
      %dma_wait3A_34 = tpu.memref_squeeze %dma_wait3A_33 : memref<1x1x40x128xi32, #tpu.memory_space<hbm>> -> memref<40x128xi32, #tpu.memory_space<hbm>>
      %dma_wait3A_35 = arith.constant 80 : i32
      %dma_wait3A_36 = arith.constant 0 : i32
      %dma_wait3A_37 = tpu.memref_slice %arg4[%arg0, %arg1, %dma_wait3A_35, %dma_wait3A_36] : memref<2x16x160x128xi32, #tpu.memory_space<hbm>> -> memref<1x1x40x128xi32, #tpu.memory_space<hbm>>
      %dma_wait3A_38 = tpu.memref_squeeze %dma_wait3A_37 : memref<1x1x40x128xi32, #tpu.memory_space<hbm>> -> memref<40x128xi32, #tpu.memory_space<hbm>>
      tpu.wait_dma2 semaphore(%run_scoped3A : memref<!tpu.dma_semaphore, #tpu.memory_space<semaphore_mem>>) src(%dma_wait3A_38 : memref<40x128xi32, #tpu.memory_space<hbm>>) dst(%arg8 : memref<40x128xi32, #tpu.memory_space<vmem>>)
      tpu.yield
    }) : () -> ()
    %scan3A_12 = arith.constant 0 : i32
    %scan3A_13 = arith.constant 0 : i32
    %scan3A_14 = arith.constant 20 : i32
    %scan3A_15 = arith.addi %scan3A_13, %scan3A_14 : i32
    %scan3A_16 = arith.constant 1 : i32
    scf.for %scan3A_25 = %scan3A_13 to %scan3A_15 step %scan3A_16  : i32 {
      %mul3A_26 = arith.constant 2 : i32
      %mul3A_27 = arith.muli %mul3A_26, %scan3A_25 : i32
      %add3A = arith.constant 1 : i32
      %add3A_28 = arith.addi %mul3A_27, %add3A : i32
      %dma_start3A = arith.constant 0 : i32
      %dma_start3A_29 = tpu.memref_slice %arg7[%mul3A_27, %dma_start3A] : memref<40x128xi32, #tpu.memory_space<vmem>> -> memref<1x128xi32, #tpu.memory_space<vmem>>
      %dma_start3A_30 = tpu.memref_squeeze %dma_start3A_29 : memref<1x128xi32, #tpu.memory_space<vmem>> -> memref<128xi32, #tpu.memory_space<vmem>>
      %dma_start3A_31 = arith.constant 0 : i32
      %dma_start3A_32 = arith.constant 0 : i32
      %dma_start3A_33 = tpu.memref_slice %arg2[%dma_start3A_31, %dma_start3A_32] : memref<20000x128xf32, #tpu.memory_space<hbm>> -> memref<20000x128xf32, #tpu.memory_space<hbm>>
      tpu.enqueue_indirect_dma source(%dma_start3A_33 : memref<20000x128xf32, #tpu.memory_space<hbm>>) target(%arg9 : memref<128x128xf32, #tpu.memory_space<vmem>>) offsets(%dma_start3A_30 : memref<128xi32, #tpu.memory_space<vmem>>) semaphore(%arg12 : memref<!tpu.dma_semaphore, #tpu.memory_space<semaphore_mem>>)
      %dma_start3A_34 = arith.constant 0 : i32
      %dma_start3A_35 = tpu.memref_slice %arg7[%add3A_28, %dma_start3A_34] : memref<40x128xi32, #tpu.memory_space<vmem>> -> memref<1x128xi32, #tpu.memory_space<vmem>>
      %dma_start3A_36 = tpu.memref_squeeze %dma_start3A_35 : memref<1x128xi32, #tpu.memory_space<vmem>> -> memref<128xi32, #tpu.memory_space<vmem>>
      %dma_start3A_37 = arith.constant 0 : i32
      %dma_start3A_38 = arith.constant 0 : i32
      %dma_start3A_39 = tpu.memref_slice %arg2[%dma_start3A_37, %dma_start3A_38] : memref<20000x128xf32, #tpu.memory_space<hbm>> -> memref<20000x128xf32, #tpu.memory_space<hbm>>
      tpu.enqueue_indirect_dma source(%dma_start3A_39 : memref<20000x128xf32, #tpu.memory_space<hbm>>) target(%arg10 : memref<128x128xf32, #tpu.memory_space<vmem>>) offsets(%dma_start3A_36 : memref<128xi32, #tpu.memory_space<vmem>>) semaphore(%arg13 : memref<!tpu.dma_semaphore, #tpu.memory_space<semaphore_mem>>)
      %dma_wait3A = arith.constant 0 : i32
      %dma_wait3A_40 = tpu.memref_slice %arg7[%mul3A_27, %dma_wait3A] : memref<40x128xi32, #tpu.memory_space<vmem>> -> memref<1x128xi32, #tpu.memory_space<vmem>>
      %dma_wait3A_41 = tpu.memref_squeeze %dma_wait3A_40 : memref<1x128xi32, #tpu.memory_space<vmem>> -> memref<128xi32, #tpu.memory_space<vmem>>
      %dma_wait3A_42 = arith.constant 0 : i32
      %dma_wait3A_43 = arith.constant 0 : i32
      %dma_wait3A_44 = tpu.memref_slice %arg2[%dma_wait3A_42, %dma_wait3A_43] : memref<20000x128xf32, #tpu.memory_space<hbm>> -> memref<20000x128xf32, #tpu.memory_space<hbm>>
      tpu.wait_indirect_dma semaphore(%arg12 : memref<!tpu.dma_semaphore, #tpu.memory_space<semaphore_mem>>) src(%dma_wait3A_44 : memref<20000x128xf32, #tpu.memory_space<hbm>>) dst(%arg9 : memref<128x128xf32, #tpu.memory_space<vmem>>)
      "tpu.region"() ({
        %run_scoped3A = tpu.sem_alloc : memref<!tpu.dma_semaphore, #tpu.memory_space<semaphore_mem>>
        %dma_start3A_51 = arith.constant 0 : i32
        %dma_start3A_52 = tpu.memref_slice %arg8[%mul3A_27, %dma_start3A_51] : memref<40x128xi32, #tpu.memory_space<vmem>> -> memref<1x128xi32, #tpu.memory_space<vmem>>
        %dma_start3A_53 = tpu.memref_squeeze %dma_start3A_52 : memref<1x128xi32, #tpu.memory_space<vmem>> -> memref<128xi32, #tpu.memory_space<vmem>>
        %dma_start3A_54 = arith.constant 0 : i32
        %dma_start3A_55 = arith.constant 0 : i32
        %dma_start3A_56 = tpu.memref_slice %arg11[%dma_start3A_54, %dma_start3A_55] : memref<10112x128xf32, #tpu.memory_space<vmem_shared>> -> memref<10112x128xf32, #tpu.memory_space<vmem_shared>>
        tpu.enqueue_indirect_dma source(%arg9 : memref<128x128xf32, #tpu.memory_space<vmem>>) target(%dma_start3A_56 : memref<10112x128xf32, #tpu.memory_space<vmem_shared>>) offsets(%dma_start3A_53 : memref<128xi32, #tpu.memory_space<vmem>>) semaphore(%run_scoped3A : memref<!tpu.dma_semaphore, #tpu.memory_space<semaphore_mem>>) {add = true}
        %dma_wait3A_57 = arith.constant 0 : i32
        %dma_wait3A_58 = tpu.memref_slice %arg8[%mul3A_27, %dma_wait3A_57] : memref<40x128xi32, #tpu.memory_space<vmem>> -> memref<1x128xi32, #tpu.memory_space<vmem>>
        %dma_wait3A_59 = tpu.memref_squeeze %dma_wait3A_58 : memref<1x128xi32, #tpu.memory_space<vmem>> -> memref<128xi32, #tpu.memory_space<vmem>>
        %dma_wait3A_60 = arith.constant 0 : i32
        %dma_wait3A_61 = arith.constant 0 : i32
        %dma_wait3A_62 = tpu.memref_slice %arg11[%dma_wait3A_60, %dma_wait3A_61] : memref<10112x128xf32, #tpu.memory_space<vmem_shared>> -> memref<10112x128xf32, #tpu.memory_space<vmem_shared>>
        tpu.wait_indirect_dma semaphore(%run_scoped3A : memref<!tpu.dma_semaphore, #tpu.memory_space<semaphore_mem>>) src(%arg9 : memref<128x128xf32, #tpu.memory_space<vmem>>) dst(%dma_wait3A_62 : memref<10112x128xf32, #tpu.memory_space<vmem_shared>>)
        tpu.yield
      }) : () -> ()
      %dma_wait3A_45 = arith.constant 0 : i32
      %dma_wait3A_46 = tpu.memref_slice %arg7[%add3A_28, %dma_wait3A_45] : memref<40x128xi32, #tpu.memory_space<vmem>> -> memref<1x128xi32, #tpu.memory_space<vmem>>
      %dma_wait3A_47 = tpu.memref_squeeze %dma_wait3A_46 : memref<1x128xi32, #tpu.memory_space<vmem>> -> memref<128xi32, #tpu.memory_space<vmem>>
      %dma_wait3A_48 = arith.constant 0 : i32
      %dma_wait3A_49 = arith.constant 0 : i32
      %dma_wait3A_50 = tpu.memref_slice %arg2[%dma_wait3A_48, %dma_wait3A_49] : memref<20000x128xf32, #tpu.memory_space<hbm>> -> memref<20000x128xf32, #tpu.memory_space<hbm>>
      tpu.wait_indirect_dma semaphore(%arg13 : memref<!tpu.dma_semaphore, #tpu.memory_space<semaphore_mem>>) src(%dma_wait3A_50 : memref<20000x128xf32, #tpu.memory_space<hbm>>) dst(%arg10 : memref<128x128xf32, #tpu.memory_space<vmem>>)
      "tpu.region"() ({
        %run_scoped3A = tpu.sem_alloc : memref<!tpu.dma_semaphore, #tpu.memory_space<semaphore_mem>>
        %dma_start3A_51 = arith.constant 0 : i32
        %dma_start3A_52 = tpu.memref_slice %arg8[%add3A_28, %dma_start3A_51] : memref<40x128xi32, #tpu.memory_space<vmem>> -> memref<1x128xi32, #tpu.memory_space<vmem>>
        %dma_start3A_53 = tpu.memref_squeeze %dma_start3A_52 : memref<1x128xi32, #tpu.memory_space<vmem>> -> memref<128xi32, #tpu.memory_space<vmem>>
        %dma_start3A_54 = arith.constant 0 : i32
        %dma_start3A_55 = arith.constant 0 : i32
        %dma_start3A_56 = tpu.memref_slice %arg11[%dma_start3A_54, %dma_start3A_55] : memref<10112x128xf32, #tpu.memory_space<vmem_shared>> -> memref<10112x128xf32, #tpu.memory_space<vmem_shared>>
        tpu.enqueue_indirect_dma source(%arg10 : memref<128x128xf32, #tpu.memory_space<vmem>>) target(%dma_start3A_56 : memref<10112x128xf32, #tpu.memory_space<vmem_shared>>) offsets(%dma_start3A_53 : memref<128xi32, #tpu.memory_space<vmem>>) semaphore(%run_scoped3A : memref<!tpu.dma_semaphore, #tpu.memory_space<semaphore_mem>>) {add = true}
        %dma_wait3A_57 = arith.constant 0 : i32
        %dma_wait3A_58 = tpu.memref_slice %arg8[%add3A_28, %dma_wait3A_57] : memref<40x128xi32, #tpu.memory_space<vmem>> -> memref<1x128xi32, #tpu.memory_space<vmem>>
        %dma_wait3A_59 = tpu.memref_squeeze %dma_wait3A_58 : memref<1x128xi32, #tpu.memory_space<vmem>> -> memref<128xi32, #tpu.memory_space<vmem>>
        %dma_wait3A_60 = arith.constant 0 : i32
        %dma_wait3A_61 = arith.constant 0 : i32
        %dma_wait3A_62 = tpu.memref_slice %arg11[%dma_wait3A_60, %dma_wait3A_61] : memref<10112x128xf32, #tpu.memory_space<vmem_shared>> -> memref<10112x128xf32, #tpu.memory_space<vmem_shared>>
        tpu.wait_indirect_dma semaphore(%run_scoped3A : memref<!tpu.dma_semaphore, #tpu.memory_space<semaphore_mem>>) src(%arg10 : memref<128x128xf32, #tpu.memory_space<vmem>>) dst(%dma_wait3A_62 : memref<10112x128xf32, #tpu.memory_space<vmem_shared>>)
        tpu.yield
      }) : () -> ()
    }
    %scan3A_17 = arith.constant 20 : i32
    "tpu.region"() ({
      %run_scoped3A = tpu.sem_alloc : memref<!tpu.dma_semaphore, #tpu.memory_space<semaphore_mem>>
      %dma_start3A = arith.constant 120 : i32
      %dma_start3A_25 = arith.constant 0 : i32
      %dma_start3A_26 = tpu.memref_slice %arg3[%arg0, %arg1, %dma_start3A, %dma_start3A_25] : memref<2x16x160x128xi32, #tpu.memory_space<hbm>> -> memref<1x1x40x128xi32, #tpu.memory_space<hbm>>
      %dma_start3A_27 = tpu.memref_squeeze %dma_start3A_26 : memref<1x1x40x128xi32, #tpu.memory_space<hbm>> -> memref<40x128xi32, #tpu.memory_space<hbm>>
      %dma_start3A_28 = arith.constant 120 : i32
      %dma_start3A_29 = arith.constant 0 : i32
      %dma_start3A_30 = tpu.memref_slice %arg3[%arg0, %arg1, %dma_start3A_28, %dma_start3A_29] : memref<2x16x160x128xi32, #tpu.memory_space<hbm>> -> memref<1x1x40x128xi32, #tpu.memory_space<hbm>>
      %dma_start3A_31 = tpu.memref_squeeze %dma_start3A_30 : memref<1x1x40x128xi32, #tpu.memory_space<hbm>> -> memref<40x128xi32, #tpu.memory_space<hbm>>
      tpu.enqueue_dma source(%dma_start3A_31 : memref<40x128xi32, #tpu.memory_space<hbm>>) target(%arg7 : memref<40x128xi32, #tpu.memory_space<vmem>>) target_semaphore(%run_scoped3A : memref<!tpu.dma_semaphore, #tpu.memory_space<semaphore_mem>>)
      %dma_wait3A = arith.constant 120 : i32
      %dma_wait3A_32 = arith.constant 0 : i32
      %dma_wait3A_33 = tpu.memref_slice %arg3[%arg0, %arg1, %dma_wait3A, %dma_wait3A_32] : memref<2x16x160x128xi32, #tpu.memory_space<hbm>> -> memref<1x1x40x128xi32, #tpu.memory_space<hbm>>
      %dma_wait3A_34 = tpu.memref_squeeze %dma_wait3A_33 : memref<1x1x40x128xi32, #tpu.memory_space<hbm>> -> memref<40x128xi32, #tpu.memory_space<hbm>>
      %dma_wait3A_35 = arith.constant 120 : i32
      %dma_wait3A_36 = arith.constant 0 : i32
      %dma_wait3A_37 = tpu.memref_slice %arg3[%arg0, %arg1, %dma_wait3A_35, %dma_wait3A_36] : memref<2x16x160x128xi32, #tpu.memory_space<hbm>> -> memref<1x1x40x128xi32, #tpu.memory_space<hbm>>
      %dma_wait3A_38 = tpu.memref_squeeze %dma_wait3A_37 : memref<1x1x40x128xi32, #tpu.memory_space<hbm>> -> memref<40x128xi32, #tpu.memory_space<hbm>>
      tpu.wait_dma2 semaphore(%run_scoped3A : memref<!tpu.dma_semaphore, #tpu.memory_space<semaphore_mem>>) src(%dma_wait3A_38 : memref<40x128xi32, #tpu.memory_space<hbm>>) dst(%arg7 : memref<40x128xi32, #tpu.memory_space<vmem>>)
      tpu.yield
    }) : () -> ()
    "tpu.region"() ({
      %run_scoped3A = tpu.sem_alloc : memref<!tpu.dma_semaphore, #tpu.memory_space<semaphore_mem>>
      %dma_start3A = arith.constant 120 : i32
      %dma_start3A_25 = arith.constant 0 : i32
      %dma_start3A_26 = tpu.memref_slice %arg4[%arg0, %arg1, %dma_start3A, %dma_start3A_25] : memref<2x16x160x128xi32, #tpu.memory_space<hbm>> -> memref<1x1x40x128xi32, #tpu.memory_space<hbm>>
      %dma_start3A_27 = tpu.memref_squeeze %dma_start3A_26 : memref<1x1x40x128xi32, #tpu.memory_space<hbm>> -> memref<40x128xi32, #tpu.memory_space<hbm>>
      %dma_start3A_28 = arith.constant 120 : i32
      %dma_start3A_29 = arith.constant 0 : i32
      %dma_start3A_30 = tpu.memref_slice %arg4[%arg0, %arg1, %dma_start3A_28, %dma_start3A_29] : memref<2x16x160x128xi32, #tpu.memory_space<hbm>> -> memref<1x1x40x128xi32, #tpu.memory_space<hbm>>
      %dma_start3A_31 = tpu.memref_squeeze %dma_start3A_30 : memref<1x1x40x128xi32, #tpu.memory_space<hbm>> -> memref<40x128xi32, #tpu.memory_space<hbm>>
      tpu.enqueue_dma source(%dma_start3A_31 : memref<40x128xi32, #tpu.memory_space<hbm>>) target(%arg8 : memref<40x128xi32, #tpu.memory_space<vmem>>) target_semaphore(%run_scoped3A : memref<!tpu.dma_semaphore, #tpu.memory_space<semaphore_mem>>)
      %dma_wait3A = arith.constant 120 : i32
      %dma_wait3A_32 = arith.constant 0 : i32
      %dma_wait3A_33 = tpu.memref_slice %arg4[%arg0, %arg1, %dma_wait3A, %dma_wait3A_32] : memref<2x16x160x128xi32, #tpu.memory_space<hbm>> -> memref<1x1x40x128xi32, #tpu.memory_space<hbm>>
      %dma_wait3A_34 = tpu.memref_squeeze %dma_wait3A_33 : memref<1x1x40x128xi32, #tpu.memory_space<hbm>> -> memref<40x128xi32, #tpu.memory_space<hbm>>
      %dma_wait3A_35 = arith.constant 120 : i32
      %dma_wait3A_36 = arith.constant 0 : i32
      %dma_wait3A_37 = tpu.memref_slice %arg4[%arg0, %arg1, %dma_wait3A_35, %dma_wait3A_36] : memref<2x16x160x128xi32, #tpu.memory_space<hbm>> -> memref<1x1x40x128xi32, #tpu.memory_space<hbm>>
      %dma_wait3A_38 = tpu.memref_squeeze %dma_wait3A_37 : memref<1x1x40x128xi32, #tpu.memory_space<hbm>> -> memref<40x128xi32, #tpu.memory_space<hbm>>
      tpu.wait_dma2 semaphore(%run_scoped3A : memref<!tpu.dma_semaphore, #tpu.memory_space<semaphore_mem>>) src(%dma_wait3A_38 : memref<40x128xi32, #tpu.memory_space<hbm>>) dst(%arg8 : memref<40x128xi32, #tpu.memory_space<vmem>>)
      tpu.yield
    }) : () -> ()
    %scan3A_18 = arith.constant 0 : i32
    %scan3A_19 = arith.constant 0 : i32
    %scan3A_20 = arith.constant 20 : i32
    %scan3A_21 = arith.addi %scan3A_19, %scan3A_20 : i32
    %scan3A_22 = arith.constant 1 : i32
    scf.for %scan3A_25 = %scan3A_19 to %scan3A_21 step %scan3A_22  : i32 {
      %mul3A_26 = arith.constant 2 : i32
      %mul3A_27 = arith.muli %mul3A_26, %scan3A_25 : i32
      %add3A = arith.constant 1 : i32
      %add3A_28 = arith.addi %mul3A_27, %add3A : i32
      %dma_start3A = arith.constant 0 : i32
      %dma_start3A_29 = tpu.memref_slice %arg7[%mul3A_27, %dma_start3A] : memref<40x128xi32, #tpu.memory_space<vmem>> -> memref<1x128xi32, #tpu.memory_space<vmem>>
      %dma_start3A_30 = tpu.memref_squeeze %dma_start3A_29 : memref<1x128xi32, #tpu.memory_space<vmem>> -> memref<128xi32, #tpu.memory_space<vmem>>
      %dma_start3A_31 = arith.constant 0 : i32
      %dma_start3A_32 = arith.constant 0 : i32
      %dma_start3A_33 = tpu.memref_slice %arg2[%dma_start3A_31, %dma_start3A_32] : memref<20000x128xf32, #tpu.memory_space<hbm>> -> memref<20000x128xf32, #tpu.memory_space<hbm>>
      tpu.enqueue_indirect_dma source(%dma_start3A_33 : memref<20000x128xf32, #tpu.memory_space<hbm>>) target(%arg9 : memref<128x128xf32, #tpu.memory_space<vmem>>) offsets(%dma_start3A_30 : memref<128xi32, #tpu.memory_space<vmem>>) semaphore(%arg12 : memref<!tpu.dma_semaphore, #tpu.memory_space<semaphore_mem>>)
      %dma_start3A_34 = arith.constant 0 : i32
      %dma_start3A_35 = tpu.memref_slice %arg7[%add3A_28, %dma_start3A_34] : memref<40x128xi32, #tpu.memory_space<vmem>> -> memref<1x128xi32, #tpu.memory_space<vmem>>
      %dma_start3A_36 = tpu.memref_squeeze %dma_start3A_35 : memref<1x128xi32, #tpu.memory_space<vmem>> -> memref<128xi32, #tpu.memory_space<vmem>>
      %dma_start3A_37 = arith.constant 0 : i32
      %dma_start3A_38 = arith.constant 0 : i32
      %dma_start3A_39 = tpu.memref_slice %arg2[%dma_start3A_37, %dma_start3A_38] : memref<20000x128xf32, #tpu.memory_space<hbm>> -> memref<20000x128xf32, #tpu.memory_space<hbm>>
      tpu.enqueue_indirect_dma source(%dma_start3A_39 : memref<20000x128xf32, #tpu.memory_space<hbm>>) target(%arg10 : memref<128x128xf32, #tpu.memory_space<vmem>>) offsets(%dma_start3A_36 : memref<128xi32, #tpu.memory_space<vmem>>) semaphore(%arg13 : memref<!tpu.dma_semaphore, #tpu.memory_space<semaphore_mem>>)
      %dma_wait3A = arith.constant 0 : i32
      %dma_wait3A_40 = tpu.memref_slice %arg7[%mul3A_27, %dma_wait3A] : memref<40x128xi32, #tpu.memory_space<vmem>> -> memref<1x128xi32, #tpu.memory_space<vmem>>
      %dma_wait3A_41 = tpu.memref_squeeze %dma_wait3A_40 : memref<1x128xi32, #tpu.memory_space<vmem>> -> memref<128xi32, #tpu.memory_space<vmem>>
      %dma_wait3A_42 = arith.constant 0 : i32
      %dma_wait3A_43 = arith.constant 0 : i32
      %dma_wait3A_44 = tpu.memref_slice %arg2[%dma_wait3A_42, %dma_wait3A_43] : memref<20000x128xf32, #tpu.memory_space<hbm>> -> memref<20000x128xf32, #tpu.memory_space<hbm>>
      tpu.wait_indirect_dma semaphore(%arg12 : memref<!tpu.dma_semaphore, #tpu.memory_space<semaphore_mem>>) src(%dma_wait3A_44 : memref<20000x128xf32, #tpu.memory_space<hbm>>) dst(%arg9 : memref<128x128xf32, #tpu.memory_space<vmem>>)
      "tpu.region"() ({
        %run_scoped3A = tpu.sem_alloc : memref<!tpu.dma_semaphore, #tpu.memory_space<semaphore_mem>>
        %dma_start3A_51 = arith.constant 0 : i32
        %dma_start3A_52 = tpu.memref_slice %arg8[%mul3A_27, %dma_start3A_51] : memref<40x128xi32, #tpu.memory_space<vmem>> -> memref<1x128xi32, #tpu.memory_space<vmem>>
        %dma_start3A_53 = tpu.memref_squeeze %dma_start3A_52 : memref<1x128xi32, #tpu.memory_space<vmem>> -> memref<128xi32, #tpu.memory_space<vmem>>
        %dma_start3A_54 = arith.constant 0 : i32
        %dma_start3A_55 = arith.constant 0 : i32
        %dma_start3A_56 = tpu.memref_slice %arg11[%dma_start3A_54, %dma_start3A_55] : memref<10112x128xf32, #tpu.memory_space<vmem_shared>> -> memref<10112x128xf32, #tpu.memory_space<vmem_shared>>
        tpu.enqueue_indirect_dma source(%arg9 : memref<128x128xf32, #tpu.memory_space<vmem>>) target(%dma_start3A_56 : memref<10112x128xf32, #tpu.memory_space<vmem_shared>>) offsets(%dma_start3A_53 : memref<128xi32, #tpu.memory_space<vmem>>) semaphore(%run_scoped3A : memref<!tpu.dma_semaphore, #tpu.memory_space<semaphore_mem>>) {add = true}
        %dma_wait3A_57 = arith.constant 0 : i32
        %dma_wait3A_58 = tpu.memref_slice %arg8[%mul3A_27, %dma_wait3A_57] : memref<40x128xi32, #tpu.memory_space<vmem>> -> memref<1x128xi32, #tpu.memory_space<vmem>>
        %dma_wait3A_59 = tpu.memref_squeeze %dma_wait3A_58 : memref<1x128xi32, #tpu.memory_space<vmem>> -> memref<128xi32, #tpu.memory_space<vmem>>
        %dma_wait3A_60 = arith.constant 0 : i32
        %dma_wait3A_61 = arith.constant 0 : i32
        %dma_wait3A_62 = tpu.memref_slice %arg11[%dma_wait3A_60, %dma_wait3A_61] : memref<10112x128xf32, #tpu.memory_space<vmem_shared>> -> memref<10112x128xf32, #tpu.memory_space<vmem_shared>>
        tpu.wait_indirect_dma semaphore(%run_scoped3A : memref<!tpu.dma_semaphore, #tpu.memory_space<semaphore_mem>>) src(%arg9 : memref<128x128xf32, #tpu.memory_space<vmem>>) dst(%dma_wait3A_62 : memref<10112x128xf32, #tpu.memory_space<vmem_shared>>)
        tpu.yield
      }) : () -> ()
      %dma_wait3A_45 = arith.constant 0 : i32
      %dma_wait3A_46 = tpu.memref_slice %arg7[%add3A_28, %dma_wait3A_45] : memref<40x128xi32, #tpu.memory_space<vmem>> -> memref<1x128xi32, #tpu.memory_space<vmem>>
      %dma_wait3A_47 = tpu.memref_squeeze %dma_wait3A_46 : memref<1x128xi32, #tpu.memory_space<vmem>> -> memref<128xi32, #tpu.memory_space<vmem>>
      %dma_wait3A_48 = arith.constant 0 : i32
      %dma_wait3A_49 = arith.constant 0 : i32
      %dma_wait3A_50 = tpu.memref_slice %arg2[%dma_wait3A_48, %dma_wait3A_49] : memref<20000x128xf32, #tpu.memory_space<hbm>> -> memref<20000x128xf32, #tpu.memory_space<hbm>>
      tpu.wait_indirect_dma semaphore(%arg13 : memref<!tpu.dma_semaphore, #tpu.memory_space<semaphore_mem>>) src(%dma_wait3A_50 : memref<20000x128xf32, #tpu.memory_space<hbm>>) dst(%arg10 : memref<128x128xf32, #tpu.memory_space<vmem>>)
      "tpu.region"() ({
        %run_scoped3A = tpu.sem_alloc : memref<!tpu.dma_semaphore, #tpu.memory_space<semaphore_mem>>
        %dma_start3A_51 = arith.constant 0 : i32
        %dma_start3A_52 = tpu.memref_slice %arg8[%add3A_28, %dma_start3A_51] : memref<40x128xi32, #tpu.memory_space<vmem>> -> memref<1x128xi32, #tpu.memory_space<vmem>>
        %dma_start3A_53 = tpu.memref_squeeze %dma_start3A_52 : memref<1x128xi32, #tpu.memory_space<vmem>> -> memref<128xi32, #tpu.memory_space<vmem>>
        %dma_start3A_54 = arith.constant 0 : i32
        %dma_start3A_55 = arith.constant 0 : i32
        %dma_start3A_56 = tpu.memref_slice %arg11[%dma_start3A_54, %dma_start3A_55] : memref<10112x128xf32, #tpu.memory_space<vmem_shared>> -> memref<10112x128xf32, #tpu.memory_space<vmem_shared>>
        tpu.enqueue_indirect_dma source(%arg10 : memref<128x128xf32, #tpu.memory_space<vmem>>) target(%dma_start3A_56 : memref<10112x128xf32, #tpu.memory_space<vmem_shared>>) offsets(%dma_start3A_53 : memref<128xi32, #tpu.memory_space<vmem>>) semaphore(%run_scoped3A : memref<!tpu.dma_semaphore, #tpu.memory_space<semaphore_mem>>) {add = true}
        %dma_wait3A_57 = arith.constant 0 : i32
        %dma_wait3A_58 = tpu.memref_slice %arg8[%add3A_28, %dma_wait3A_57] : memref<40x128xi32, #tpu.memory_space<vmem>> -> memref<1x128xi32, #tpu.memory_space<vmem>>
        %dma_wait3A_59 = tpu.memref_squeeze %dma_wait3A_58 : memref<1x128xi32, #tpu.memory_space<vmem>> -> memref<128xi32, #tpu.memory_space<vmem>>
        %dma_wait3A_60 = arith.constant 0 : i32
        %dma_wait3A_61 = arith.constant 0 : i32
        %dma_wait3A_62 = tpu.memref_slice %arg11[%dma_wait3A_60, %dma_wait3A_61] : memref<10112x128xf32, #tpu.memory_space<vmem_shared>> -> memref<10112x128xf32, #tpu.memory_space<vmem_shared>>
        tpu.wait_indirect_dma semaphore(%run_scoped3A : memref<!tpu.dma_semaphore, #tpu.memory_space<semaphore_mem>>) src(%arg10 : memref<128x128xf32, #tpu.memory_space<vmem>>) dst(%dma_wait3A_62 : memref<10112x128xf32, #tpu.memory_space<vmem_shared>>)
        tpu.yield
      }) : () -> ()
    }
    %scan3A_23 = arith.constant 20 : i32
    %barrier3A_24 = arith.constant 0 : index
    tpu.barrier barrier_id(%barrier3A_24)
    "tpu.region"() ({
      %run_scoped3A = tpu.sem_alloc : memref<!tpu.dma_semaphore, #tpu.memory_space<semaphore_mem>>
      %dma_start3A = arith.constant 0 : i32
      %dma_start3A_25 = tpu.memref_slice %arg6[%arg0, %mul3A_0, %dma_start3A] : memref<2x10112x128xf32, #tpu.memory_space<hbm>> -> memref<1x632x128xf32, #tpu.memory_space<hbm>>
      %dma_start3A_26 = tpu.memref_squeeze %dma_start3A_25 : memref<1x632x128xf32, #tpu.memory_space<hbm>> -> memref<632x128xf32, #tpu.memory_space<hbm>>
      %dma_start3A_27 = arith.constant 0 : i32
      %dma_start3A_28 = tpu.memref_slice %arg11[%mul3A_0, %dma_start3A_27] : memref<10112x128xf32, #tpu.memory_space<vmem_shared>> -> memref<632x128xf32, #tpu.memory_space<vmem_shared>>
      tpu.enqueue_dma source(%dma_start3A_28 : memref<632x128xf32, #tpu.memory_space<vmem_shared>>) target(%dma_start3A_26 : memref<632x128xf32, #tpu.memory_space<hbm>>) target_semaphore(%run_scoped3A : memref<!tpu.dma_semaphore, #tpu.memory_space<semaphore_mem>>)
      %dma_wait3A = arith.constant 0 : i32
      %dma_wait3A_29 = tpu.memref_slice %arg6[%arg0, %mul3A_0, %dma_wait3A] : memref<2x10112x128xf32, #tpu.memory_space<hbm>> -> memref<1x632x128xf32, #tpu.memory_space<hbm>>
      %dma_wait3A_30 = tpu.memref_squeeze %dma_wait3A_29 : memref<1x632x128xf32, #tpu.memory_space<hbm>> -> memref<632x128xf32, #tpu.memory_space<hbm>>
      %dma_wait3A_31 = arith.constant 0 : i32
      %dma_wait3A_32 = tpu.memref_slice %arg11[%mul3A_0, %dma_wait3A_31] : memref<10112x128xf32, #tpu.memory_space<vmem_shared>> -> memref<632x128xf32, #tpu.memory_space<vmem_shared>>
      tpu.wait_dma2 semaphore(%run_scoped3A : memref<!tpu.dma_semaphore, #tpu.memory_space<semaphore_mem>>) src(%dma_wait3A_32 : memref<632x128xf32, #tpu.memory_space<vmem_shared>>) dst(%dma_wait3A_30 : memref<632x128xf32, #tpu.memory_space<hbm>>)
      tpu.yield
    }) : () -> ()
    return
  }
}

module attributes {stable_mosaic.version = 14 : i64} {
  func.func @_bn_body(%arg0: memref<10000x128xf32, #tpu.memory_space<vmem>>, %arg1: memref<1x128xf32, #tpu.memory_space<vmem>>, %arg2: memref<1x128xf32, #tpu.memory_space<vmem>>, %arg3: memref<10000x128xf32, #tpu.memory_space<vmem>>) attributes {dimension_semantics = [], scalar_prefetch = 0 : i64, scratch_operands = 0 : i64, tpu.core_type = #tpu.core_type<tc>} {
    %get3A = arith.constant 0 : index
    %get3A_0 = arith.constant 0 : index
    %get3A_1 = vector.load %arg0[%get3A, %get3A_0] : memref<10000x128xf32, #tpu.memory_space<vmem>>, vector<10000x128xf32>
    %get3A_2 = arith.constant 0 : index
    %get3A_3 = arith.constant 0 : index
    %get3A_4 = vector.load %arg1[%get3A_2, %get3A_3] : memref<1x128xf32, #tpu.memory_space<vmem>>, vector<1x128xf32>
    %mul3A = vector.broadcast %get3A_4 : vector<1x128xf32> to vector<10000x128xf32>
    %mul3A_5 = arith.mulf %get3A_1, %mul3A : vector<10000x128xf32>
    %get3A_6 = arith.constant 0 : index
    %get3A_7 = arith.constant 0 : index
    %get3A_8 = vector.load %arg2[%get3A_6, %get3A_7] : memref<1x128xf32, #tpu.memory_space<vmem>>, vector<1x128xf32>
    %add3A = vector.broadcast %get3A_8 : vector<1x128xf32> to vector<10000x128xf32>
    %add3A_9 = arith.addf %mul3A_5, %add3A : vector<10000x128xf32>
    %swap3A = arith.constant 0 : index
    %swap3A_10 = arith.constant 0 : index
    %swap3A_11 = vector.load %arg3[%swap3A, %swap3A_10] : memref<10000x128xf32, #tpu.memory_space<vmem>>, vector<10000x128xf32>
    tpu.vector_store %arg3[%swap3A, %swap3A_10], %add3A_9 {strides = array<i32>} : memref<10000x128xf32, #tpu.memory_space<vmem>>, vector<10000x128xf32>,
    return
  }
}

module attributes {stable_mosaic.version = 14 : i64} {
  func.func @_layer1_body(%arg0: memref<10000x128xf32, #tpu.memory_space<vmem>>, %arg1: memref<2x10112x128xf32, #tpu.memory_space<vmem>>, %arg2: memref<128x256xf32, #tpu.memory_space<vmem>>, %arg3: memref<1x256xf32, #tpu.memory_space<vmem>>, %arg4: memref<1x1xf32, #tpu.memory_space<smem>>, %arg5: memref<20000x128xf32, #tpu.memory_space<vmem>>) attributes {dimension_semantics = [], scalar_prefetch = 0 : i64, scratch_operands = 0 : i64, tpu.core_type = #tpu.core_type<tc>} {
    %get3A = arith.constant 0 : index
    %get3A_0 = arith.constant 0 : index
    %get3A_1 = memref.load %arg4[%get3A, %get3A_0] : memref<1x1xf32, #tpu.memory_space<smem>>
    %add3A = arith.constant 1.000000e+00 : f32
    %add3A_2 = arith.addf %add3A, %get3A_1 : f32
    %get3A_3 = arith.constant 0 : index
    %get3A_4 = arith.constant 0 : index
    %get3A_5 = vector.load %arg0[%get3A_3, %get3A_4] : memref<10000x128xf32, #tpu.memory_space<vmem>>, vector<10000x128xf32>
    %mul3A = vector.broadcast %add3A_2 : f32 to vector<10000x128xf32>
    %mul3A_6 = arith.mulf %mul3A, %get3A_5 : vector<10000x128xf32>
    %get3A_7 = arith.constant 0 : index
    %get3A_8 = arith.constant 0 : index
    %get3A_9 = arith.constant 0 : index
    %get3A_10 = vector.load %arg1[%get3A_7, %get3A_8, %get3A_9] : memref<2x10112x128xf32, #tpu.memory_space<vmem>>, vector<1x10000x128xf32>
    %get3A_11 = vector.shape_cast %get3A_10 : vector<1x10000x128xf32> to vector<10000x128xf32>
    %add3A_12 = arith.addf %mul3A_6, %get3A_11 : vector<10000x128xf32>
    %get3A_13 = arith.constant 1 : index
    %get3A_14 = arith.constant 0 : index
    %get3A_15 = arith.constant 0 : index
    %get3A_16 = vector.load %arg1[%get3A_13, %get3A_14, %get3A_15] : memref<2x10112x128xf32, #tpu.memory_space<vmem>>, vector<1x10000x128xf32>
    %get3A_17 = vector.shape_cast %get3A_16 : vector<1x10000x128xf32> to vector<10000x128xf32>
    %add3A_18 = arith.addf %add3A_12, %get3A_17 : vector<10000x128xf32>
    %get3A_19 = arith.constant 0 : index
    %get3A_20 = arith.constant 0 : index
    %get3A_21 = vector.load %arg2[%get3A_19, %get3A_20] : memref<128x256xf32, #tpu.memory_space<vmem>>, vector<128x256xf32>
    %dot_general3A = arith.constant dense<0.000000e+00> : vector<10000x256xf32>
    %dot_general3A_22 = tpu.matmul %add3A_18, %get3A_21, %dot_general3A {dimension_numbers = #tpu.dot_dimension_numbers<[1], [0], [0], [1], [0, 0, 1, 1], [], []>, transpose_lhs_hint = false} : vector<10000x128xf32>, vector<128x256xf32>, vector<10000x256xf32> -> vector<10000x256xf32>
    %get3A_23 = arith.constant 0 : index
    %get3A_24 = arith.constant 0 : index
    %get3A_25 = vector.load %arg3[%get3A_23, %get3A_24] : memref<1x256xf32, #tpu.memory_space<vmem>>, vector<1x256xf32>
    %add3A_26 = vector.broadcast %get3A_25 : vector<1x256xf32> to vector<10000x256xf32>
    %add3A_27 = arith.addf %dot_general3A_22, %add3A_26 : vector<10000x256xf32>
    %max3A = arith.constant 0.000000e+00 : f32
    %max3A_28 = vector.broadcast %max3A : f32 to vector<10000x256xf32>
    %max3A_29 = arith.maximumf %add3A_27, %max3A_28 : vector<10000x256xf32>
    %slice3A = vector.extract_strided_slice %max3A_29 {offsets = [0, 0], sizes = [10000, 128], strides = [1, 1]} : vector<10000x256xf32> to vector<10000x128xf32>
    %swap3A = arith.constant 0 : index
    %swap3A_30 = arith.constant 0 : index
    %swap3A_31 = vector.load %arg5[%swap3A, %swap3A_30] : memref<20000x128xf32, #tpu.memory_space<vmem>>, vector<10000x128xf32>
    tpu.vector_store %arg5[%swap3A, %swap3A_30], %slice3A {strides = array<i32>} : memref<20000x128xf32, #tpu.memory_space<vmem>>, vector<10000x128xf32>,
    %slice3A_32 = vector.extract_strided_slice %max3A_29 {offsets = [0, 128], sizes = [10000, 128], strides = [1, 1]} : vector<10000x256xf32> to vector<10000x128xf32>
    %swap3A_33 = arith.constant 10000 : index
    %swap3A_34 = arith.constant 0 : index
    %swap3A_35 = vector.load %arg5[%swap3A_33, %swap3A_34] : memref<20000x128xf32, #tpu.memory_space<vmem>>, vector<10000x128xf32>
    tpu.vector_store %arg5[%swap3A_33, %swap3A_34], %slice3A_32 {strides = array<i32>} : memref<20000x128xf32, #tpu.memory_space<vmem>>, vector<10000x128xf32>,
    return
  }
}

module attributes {stable_mosaic.version = 14 : i64} {
  func.func @_layer2_body(%arg0: memref<20000x128xf32, #tpu.memory_space<vmem>>, %arg1: memref<2x10112x128xf32, #tpu.memory_space<vmem>>, %arg2: memref<256x256xf32, #tpu.memory_space<vmem>>, %arg3: memref<1x256xf32, #tpu.memory_space<vmem>>, %arg4: memref<1x1xf32, #tpu.memory_space<smem>>, %arg5: memref<20000x128xf32, #tpu.memory_space<vmem>>) attributes {dimension_semantics = [], scalar_prefetch = 0 : i64, scratch_operands = 0 : i64, tpu.core_type = #tpu.core_type<tc>} {
    %get3A = arith.constant 0 : index
    %get3A_0 = arith.constant 0 : index
    %get3A_1 = memref.load %arg4[%get3A, %get3A_0] : memref<1x1xf32, #tpu.memory_space<smem>>
    %add3A = arith.constant 1.000000e+00 : f32
    %add3A_2 = arith.addf %add3A, %get3A_1 : f32
    %get3A_3 = arith.constant 0 : index
    %get3A_4 = arith.constant 0 : index
    %get3A_5 = vector.load %arg0[%get3A_3, %get3A_4] : memref<20000x128xf32, #tpu.memory_space<vmem>>, vector<10000x128xf32>
    %mul3A = vector.broadcast %add3A_2 : f32 to vector<10000x128xf32>
    %mul3A_6 = arith.mulf %mul3A, %get3A_5 : vector<10000x128xf32>
    %get3A_7 = arith.constant 0 : index
    %get3A_8 = arith.constant 0 : index
    %get3A_9 = arith.constant 0 : index
    %get3A_10 = vector.load %arg1[%get3A_7, %get3A_8, %get3A_9] : memref<2x10112x128xf32, #tpu.memory_space<vmem>>, vector<1x10000x128xf32>
    %get3A_11 = vector.shape_cast %get3A_10 : vector<1x10000x128xf32> to vector<10000x128xf32>
    %add3A_12 = arith.addf %mul3A_6, %get3A_11 : vector<10000x128xf32>
    %get3A_13 = arith.constant 10000 : index
    %get3A_14 = arith.constant 0 : index
    %get3A_15 = vector.load %arg0[%get3A_13, %get3A_14] : memref<20000x128xf32, #tpu.memory_space<vmem>>, vector<10000x128xf32>
    %mul3A_16 = vector.broadcast %add3A_2 : f32 to vector<10000x128xf32>
    %mul3A_17 = arith.mulf %mul3A_16, %get3A_15 : vector<10000x128xf32>
    %get3A_18 = arith.constant 1 : index
    %get3A_19 = arith.constant 0 : index
    %get3A_20 = arith.constant 0 : index
    %get3A_21 = vector.load %arg1[%get3A_18, %get3A_19, %get3A_20] : memref<2x10112x128xf32, #tpu.memory_space<vmem>>, vector<1x10000x128xf32>
    %get3A_22 = vector.shape_cast %get3A_21 : vector<1x10000x128xf32> to vector<10000x128xf32>
    %add3A_23 = arith.addf %mul3A_17, %get3A_22 : vector<10000x128xf32>
    %get3A_24 = arith.constant 0 : index
    %get3A_25 = arith.constant 0 : index
    %get3A_26 = vector.load %arg2[%get3A_24, %get3A_25] : memref<256x256xf32, #tpu.memory_space<vmem>>, vector<128x256xf32>
    %dot_general3A = arith.constant dense<0.000000e+00> : vector<10000x256xf32>
    %dot_general3A_27 = tpu.matmul %add3A_12, %get3A_26, %dot_general3A {dimension_numbers = #tpu.dot_dimension_numbers<[1], [0], [0], [1], [0, 0, 1, 1], [], []>, transpose_lhs_hint = false} : vector<10000x128xf32>, vector<128x256xf32>, vector<10000x256xf32> -> vector<10000x256xf32>
    %get3A_28 = arith.constant 128 : index
    %get3A_29 = arith.constant 0 : index
    %get3A_30 = vector.load %arg2[%get3A_28, %get3A_29] : memref<256x256xf32, #tpu.memory_space<vmem>>, vector<128x256xf32>
    %dot_general3A_31 = arith.constant dense<0.000000e+00> : vector<10000x256xf32>
    %dot_general3A_32 = tpu.matmul %add3A_23, %get3A_30, %dot_general3A_31 {dimension_numbers = #tpu.dot_dimension_numbers<[1], [0], [0], [1], [0, 0, 1, 1], [], []>, transpose_lhs_hint = false} : vector<10000x128xf32>, vector<128x256xf32>, vector<10000x256xf32> -> vector<10000x256xf32>
    %add3A_33 = arith.addf %dot_general3A_27, %dot_general3A_32 : vector<10000x256xf32>
    %get3A_34 = arith.constant 0 : index
    %get3A_35 = arith.constant 0 : index
    %get3A_36 = vector.load %arg3[%get3A_34, %get3A_35] : memref<1x256xf32, #tpu.memory_space<vmem>>, vector<1x256xf32>
    %add3A_37 = vector.broadcast %get3A_36 : vector<1x256xf32> to vector<10000x256xf32>
    %add3A_38 = arith.addf %add3A_33, %add3A_37 : vector<10000x256xf32>
    %max3A = arith.constant 0.000000e+00 : f32
    %max3A_39 = vector.broadcast %max3A : f32 to vector<10000x256xf32>
    %max3A_40 = arith.maximumf %add3A_38, %max3A_39 : vector<10000x256xf32>
    %slice3A = vector.extract_strided_slice %max3A_40 {offsets = [0, 0], sizes = [10000, 128], strides = [1, 1]} : vector<10000x256xf32> to vector<10000x128xf32>
    %swap3A = arith.constant 0 : index
    %swap3A_41 = arith.constant 0 : index
    %swap3A_42 = vector.load %arg5[%swap3A, %swap3A_41] : memref<20000x128xf32, #tpu.memory_space<vmem>>, vector<10000x128xf32>
    tpu.vector_store %arg5[%swap3A, %swap3A_41], %slice3A {strides = array<i32>} : memref<20000x128xf32, #tpu.memory_space<vmem>>, vector<10000x128xf32>,
    %slice3A_43 = vector.extract_strided_slice %max3A_40 {offsets = [0, 128], sizes = [10000, 128], strides = [1, 1]} : vector<10000x256xf32> to vector<10000x128xf32>
    %swap3A_44 = arith.constant 10000 : index
    %swap3A_45 = arith.constant 0 : index
    %swap3A_46 = vector.load %arg5[%swap3A_44, %swap3A_45] : memref<20000x128xf32, #tpu.memory_space<vmem>>, vector<10000x128xf32>
    tpu.vector_store %arg5[%swap3A_44, %swap3A_45], %slice3A_43 {strides = array<i32>} : memref<20000x128xf32, #tpu.memory_space<vmem>>, vector<10000x128xf32>,
    return
  }
}

module attributes {stable_mosaic.version = 14 : i64} {
  func.func @_layer3_body(%arg0: memref<20000x128xf32, #tpu.memory_space<vmem>>, %arg1: memref<2x10112x128xf32, #tpu.memory_space<vmem>>, %arg2: memref<256x256xf32, #tpu.memory_space<vmem>>, %arg3: memref<1x256xf32, #tpu.memory_space<vmem>>, %arg4: memref<1x1xf32, #tpu.memory_space<smem>>, %arg5: memref<256x128xf32, #tpu.memory_space<vmem>>, %arg6: memref<1x128xf32, #tpu.memory_space<vmem>>, %arg7: memref<10000x128xf32, #tpu.memory_space<vmem>>) attributes {dimension_semantics = [], scalar_prefetch = 0 : i64, scratch_operands = 0 : i64, tpu.core_type = #tpu.core_type<tc>} {
    %get3A = arith.constant 0 : index
    %get3A_0 = arith.constant 0 : index
    %get3A_1 = memref.load %arg4[%get3A, %get3A_0] : memref<1x1xf32, #tpu.memory_space<smem>>
    %add3A = arith.constant 1.000000e+00 : f32
    %add3A_2 = arith.addf %add3A, %get3A_1 : f32
    %get3A_3 = arith.constant 0 : index
    %get3A_4 = arith.constant 0 : index
    %get3A_5 = vector.load %arg0[%get3A_3, %get3A_4] : memref<20000x128xf32, #tpu.memory_space<vmem>>, vector<10000x128xf32>
    %mul3A = vector.broadcast %add3A_2 : f32 to vector<10000x128xf32>
    %mul3A_6 = arith.mulf %mul3A, %get3A_5 : vector<10000x128xf32>
    %get3A_7 = arith.constant 0 : index
    %get3A_8 = arith.constant 0 : index
    %get3A_9 = arith.constant 0 : index
    %get3A_10 = vector.load %arg1[%get3A_7, %get3A_8, %get3A_9] : memref<2x10112x128xf32, #tpu.memory_space<vmem>>, vector<1x10000x128xf32>
    %get3A_11 = vector.shape_cast %get3A_10 : vector<1x10000x128xf32> to vector<10000x128xf32>
    %add3A_12 = arith.addf %mul3A_6, %get3A_11 : vector<10000x128xf32>
    %get3A_13 = arith.constant 10000 : index
    %get3A_14 = arith.constant 0 : index
    %get3A_15 = vector.load %arg0[%get3A_13, %get3A_14] : memref<20000x128xf32, #tpu.memory_space<vmem>>, vector<10000x128xf32>
    %mul3A_16 = vector.broadcast %add3A_2 : f32 to vector<10000x128xf32>
    %mul3A_17 = arith.mulf %mul3A_16, %get3A_15 : vector<10000x128xf32>
    %get3A_18 = arith.constant 1 : index
    %get3A_19 = arith.constant 0 : index
    %get3A_20 = arith.constant 0 : index
    %get3A_21 = vector.load %arg1[%get3A_18, %get3A_19, %get3A_20] : memref<2x10112x128xf32, #tpu.memory_space<vmem>>, vector<1x10000x128xf32>
    %get3A_22 = vector.shape_cast %get3A_21 : vector<1x10000x128xf32> to vector<10000x128xf32>
    %add3A_23 = arith.addf %mul3A_17, %get3A_22 : vector<10000x128xf32>
    %get3A_24 = arith.constant 0 : index
    %get3A_25 = arith.constant 0 : index
    %get3A_26 = vector.load %arg2[%get3A_24, %get3A_25] : memref<256x256xf32, #tpu.memory_space<vmem>>, vector<128x256xf32>
    %dot_general3A = arith.constant dense<0.000000e+00> : vector<10000x256xf32>
    %dot_general3A_27 = tpu.matmul %add3A_12, %get3A_26, %dot_general3A {dimension_numbers = #tpu.dot_dimension_numbers<[1], [0], [0], [1], [0, 0, 1, 1], [], []>, transpose_lhs_hint = false} : vector<10000x128xf32>, vector<128x256xf32>, vector<10000x256xf32> -> vector<10000x256xf32>
    %get3A_28 = arith.constant 128 : index
    %get3A_29 = arith.constant 0 : index
    %get3A_30 = vector.load %arg2[%get3A_28, %get3A_29] : memref<256x256xf32, #tpu.memory_space<vmem>>, vector<128x256xf32>
    %dot_general3A_31 = arith.constant dense<0.000000e+00> : vector<10000x256xf32>
    %dot_general3A_32 = tpu.matmul %add3A_23, %get3A_30, %dot_general3A_31 {dimension_numbers = #tpu.dot_dimension_numbers<[1], [0], [0], [1], [0, 0, 1, 1], [], []>, transpose_lhs_hint = false} : vector<10000x128xf32>, vector<128x256xf32>, vector<10000x256xf32> -> vector<10000x256xf32>
    %add3A_33 = arith.addf %dot_general3A_27, %dot_general3A_32 : vector<10000x256xf32>
    %get3A_34 = arith.constant 0 : index
    %get3A_35 = arith.constant 0 : index
    %get3A_36 = vector.load %arg3[%get3A_34, %get3A_35] : memref<1x256xf32, #tpu.memory_space<vmem>>, vector<1x256xf32>
    %add3A_37 = vector.broadcast %get3A_36 : vector<1x256xf32> to vector<10000x256xf32>
    %add3A_38 = arith.addf %add3A_33, %add3A_37 : vector<10000x256xf32>
    %max3A = arith.constant 0.000000e+00 : f32
    %max3A_39 = vector.broadcast %max3A : f32 to vector<10000x256xf32>
    %max3A_40 = arith.maximumf %add3A_38, %max3A_39 : vector<10000x256xf32>
    %get3A_41 = arith.constant 0 : index
    %get3A_42 = arith.constant 0 : index
    %get3A_43 = vector.load %arg5[%get3A_41, %get3A_42] : memref<256x128xf32, #tpu.memory_space<vmem>>, vector<256x128xf32>
    %dot_general3A_44 = arith.constant dense<0.000000e+00> : vector<10000x128xf32>
    %dot_general3A_45 = tpu.matmul %max3A_40, %get3A_43, %dot_general3A_44 {dimension_numbers = #tpu.dot_dimension_numbers<[1], [0], [0], [1], [0, 0, 1, 1], [], []>, transpose_lhs_hint = false} : vector<10000x256xf32>, vector<256x128xf32>, vector<10000x128xf32> -> vector<10000x128xf32>
    %get3A_46 = arith.constant 0 : index
    %get3A_47 = arith.constant 0 : index
    %get3A_48 = vector.load %arg6[%get3A_46, %get3A_47] : memref<1x128xf32, #tpu.memory_space<vmem>>, vector<1x128xf32>
    %add3A_49 = vector.broadcast %get3A_48 : vector<1x128xf32> to vector<10000x128xf32>
    %add3A_50 = arith.addf %dot_general3A_45, %add3A_49 : vector<10000x128xf32>
    %swap3A = arith.constant 0 : index
    %swap3A_51 = arith.constant 0 : index
    %swap3A_52 = vector.load %arg7[%swap3A, %swap3A_51] : memref<10000x128xf32, #tpu.memory_space<vmem>>, vector<10000x128xf32>
    tpu.vector_store %arg7[%swap3A, %swap3A_51], %add3A_50 {strides = array<i32>} : memref<10000x128xf32, #tpu.memory_space<vmem>>, vector<10000x128xf32>,
    return
  }
}

</mosaic_0001>

<sc_bundles>
// kernel: kernel.12.cloned.1.call-start
scs
__scs_entry_jumppad:
0x0: {  	(pc) =	sbr.rel $0x88, $3  }
0x1: {  	(tag) =	ssettag $0x0;
	lr =	simm.s32 $0x1  }
0x2: {  	[smem:$0x3F92] =	sst lr;
	_ =	strace $0xD0000000  }
0x3: {  	_ = 	snop  }
0x4: {  	_ = 	snop  }
0x5: {  	_ = 	snop  }
0x6: {  	_ = 	snop  }
0x7: {  	_ = 	snop  }
__scs_overlays_trampoline_lowered:
0x8: {  	[smem:$0x3FA1] =	sst s0  }
0x9: {  	[smem:$0x3FA2] =	sst s1  }
0xa: {  	[smem:$0x3FA3] =	sst s2  }
0xb: {  	[smem:$0x3FA4] =	sst s3  }
0xc: {  	[smem:$0x3FA5] =	sst s4  }
0xd: {  	[smem:$0x3FA6] =	sst s5  }
0xe: {  	[smem:$0x3FA7] =	sst s6  }
0xf: {  	[smem:$0x3FA8] =	sst s7  }
0x10: {  	[smem:$0x3FA9] =	sst s8  }
0x11: {  	[smem:$0x3FAA] =	sst s9;
	s0 =	simm.s32 @!p0 $0x0  }
0x12: {  	s1 =	sld [smem:$0x3F90];
	s0 =	simm.s32 @p0 $0x1  }
0x13: {  	[smem:$0x3FAB] =	sst s0;
	s0 =	simm.s32 @!p1 $0x0  }
0x14: {  	s2 =	sld [smem:$0x3F8F];
	s0 =	simm.s32 @p1 $0x1  }
0x15: {  	[smem:$0x3FAC] =	sst s0;
	s0 =	simm.s32 @!p2 $0x0  }
0x16: {  	s3 =	sld [smem:$0x3FDB];
	s0 =	simm.s32 @p2 $0x1  }
0x17: {  	s4 =	simm.s32 $0x1BF5;
	[smem:$0x3FAE] =	sst s0  }
0x18: {  	s0 =	sld [smem:$0x3F91];
	_ =	swait.ge [sflag:s4], $0x0  }
0x19: {  	s7 =	sld [smem:$0x3F92]  }
0x1a: {  	s8 =	sadd.s32 $0xFFFFE003, lr  }
0x1b: {  	s9 =	sadd.s32 $0xFFFFFEF7, lr;
	s5 =	simm.s32 $0xFFFFFFFF;
	p2 =	slt.u32 s8, $0xFFFFF086  }
0x1c: {  	p1 =	slt.u32 s9, $0xF7A;
	s5 =	simm.s32 @!p2 $0x0  }
0x1d: {  	s5 =	simm.s32 @p1 $0x1;
	p0 =	seq.s32 s7, s2  }
0x1e: {  	s7 =	smul.u32 @!p0 $0xF7A, s2;
	p2 =	seq.s32 @!p0 s5, $0x0  }
0x1f: {  	s9 =	smul.u32 $0xF7A, s1;
	s8 =	simm.s32 @!p0 $0x1BF5;
	p2 =	por !p2, p0  }
0x20: {  	[sflag:s8] =	ssyncset.s32 @!p0 $0xFFFFF086;
	s6 =	sadd.s32 @!p0 s3, s7;
	s7 =	simm.s32 @!p0 $0x108  }
0x21: {  	s3 =	sadd.s32 s3, s9;
	s6 =	sadd.s32 @!p0 $0x88, s6;
	s7 =	simm.s32 @p2 $0x1082  }
0x22: {  	[simem:s7], [sflag:s8] =	dma.local @!p0 [hbm:s6], $0xF7A  }
0x23: {  	s9 =	sor.u32 $0xD0000000, s2;
	s6 =	simm.s32 $0x108;
	_ =	swait.ge @!p0 [sflag:s8], $0x0  }
0x24: {  	s3 =	sadd.s32 $0x88, s3;
	s6 =	simm.s32 @!p1 $0x1082;
	[sflag:s4] =	ssyncset.s32 $0xFFFFF086  }
0x25: {  	[simem:s6], [sflag:s4] =	dma.local [hbm:s3], $0xF7A  }
0x26: {  	[smem:$0x3F92] =	sst s1;
	(tag) =	ssettag s2;
	_ =	strace s9  }
0x27: {  	s1 =	sld [smem:$0x3FA2]  }
0x28: {  	s2 =	sld [smem:$0x3FA3]  }
0x29: {  	s4 =	sld [smem:$0x3FA5]  }
0x2a: {  	p0 =	seq.s32 s5, $0x0;
	s5 =	sld [smem:$0x3FA6]  }
0x2b: {  	s6 =	sld [smem:$0x3FA7]  }
0x2c: {  	s7 =	sld [smem:$0x3FA8]  }
0x2d: {  	s3 =	simm.s32 $0x108;
	s8 =	sld [smem:$0x3FA9]  }
0x2e: {  	s3 =	simm.s32 @!p0 $0x1082;
	s9 =	sld [smem:$0x3FAA]  }
0x2f: {  	lr =	sadd.s32 s0, s3;
	s0 =	sld [smem:$0x3FA1]  }
0x30: {  	s3 =	sld [smem:$0x3FA4]  }
0x31: {  	[smem:$0x3FAD] =	sst s10  }
0x32: {  	s10 =	sld [smem:$0x3FAB];
	_ =	sdelay $0x3  }
0x33: {  	p0 =	seq.s32 s10, $0x1;
	s10 =	sld [smem:$0x3FAD];
	_ =	sdelay $0x3  }
0x34: {  	[smem:$0x3FAD] =	sst s10  }
0x35: {  	s10 =	sld [smem:$0x3FAC];
	_ =	sdelay $0x3  }
0x36: {  	p1 =	seq.s32 s10, $0x1;
	s10 =	sld [smem:$0x3FAD];
	_ =	sdelay $0x3  }
0x37: {  	[smem:$0x3FAD] =	sst s10  }
0x38: {  	s10 =	sld [smem:$0x3FAE]  }
0x39: {  	_ = 	snop;
	(pc) =	sbr.ind lr, $3  }
0x3a: {  	_ = 	snop  }
0x3b: {  	_ = 	snop  }
0x3c: {  	p2 =	seq.s32 s10, $0x1;
	s10 =	sld [smem:$0x3FAD]  }
0x3d: {  	_ =	shalt  }
0x3e: {  	_ =	shalt  }
0x3f: {  	_ =	shalt  }
0x40: {  	_ =	shalt  }
0x41: {  	_ =	shalt  }
0x42: {  	_ =	shalt  }
0x43: {  	_ =	shalt  }
0x44: {  	_ =	shalt  }
0x45: {  	_ =	shalt  }
0x46: {  	_ =	shalt  }
0x47: {  	_ =	shalt  }
0x48: {  	_ =	shalt  }
0x49: {  	_ =	shalt  }
0x4a: {  	_ =	shalt  }
0x4b: {  	_ =	shalt  }
0x4c: {  	_ =	shalt  }
0x4d: {  	_ =	shalt  }
0x4e: {  	_ =	shalt  }
0x4f: {  	_ =	shalt  }
0x50: {  	_ =	shalt  }
0x51: {  	_ =	shalt  }
0x52: {  	_ =	shalt  }
0x53: {  	_ =	shalt  }
0x54: {  	_ =	shalt  }
0x55: {  	_ =	shalt  }
0x56: {  	_ =	shalt  }
0x57: {  	_ =	shalt  }
0x58: {  	_ =	shalt  }
0x59: {  	_ =	shalt  }
0x5a: {  	_ =	shalt  }
0x5b: {  	_ =	shalt  }
0x5c: {  	_ =	shalt  }
0x5d: {  	_ =	shalt  }
0x5e: {  	_ =	shalt  }
0x5f: {  	_ =	shalt  }
0x60: {  	_ =	shalt  }
0x61: {  	_ =	shalt  }
0x62: {  	_ =	shalt  }
0x63: {  	_ =	shalt  }
0x64: {  	_ =	shalt  }
0x65: {  	_ =	shalt  }
0x66: {  	_ =	shalt  }
0x67: {  	_ =	shalt  }
0x68: {  	_ =	shalt  }
0x69: {  	_ =	shalt  }
0x6a: {  	_ =	shalt  }
0x6b: {  	_ =	shalt  }
0x6c: {  	_ =	shalt  }
0x6d: {  	_ =	shalt  }
0x6e: {  	_ =	shalt  }
0x6f: {  	_ =	shalt  }
0x70: {  	_ =	shalt  }
0x71: {  	_ =	shalt  }
0x72: {  	_ =	shalt  }
0x73: {  	_ =	shalt  }
0x74: {  	_ =	shalt  }
0x75: {  	_ =	shalt  }
0x76: {  	_ =	shalt  }
0x77: {  	_ =	shalt  }
0x78: {  	_ =	shalt  }
0x79: {  	_ =	shalt  }
0x7a: {  	_ =	shalt  }
0x7b: {  	_ =	shalt  }
0x7c: {  	_ =	shalt  }
0x7d: {  	_ =	shalt  }
0x7e: {  	_ =	shalt  }
0x7f: {  	_ =	shalt  }
0x80: {  	_ =	shalt  }
0x81: {  	_ =	shalt  }
0x82: {  	_ =	shalt  }
0x83: {  	_ =	shalt  }
0x84: {  	_ =	shalt  }
0x85: {  	_ =	shalt  }
0x86: {  	_ =	shalt  }
0x87: {  	_ =	shalt  }
.Lfunc_end0:
.L_simem_size_0:
called_computation.1_lowered:
.L_overlay_start_0:
0x88: {  	s2 =	sld [smem:$0x3FD9]  }
0x89: {  	s3 =	sld [smem:$0x3FFE];
	_ =	sdelay $0x1  }
0x8a: {  	s1 =	srdreg.scid  }
0x8b: {  	s0 =	sand.u32 $0x1, s1  }
0x8c: {  	s16 =	sshll.u32 s0, $0xA;
	s2 =	sadd.s32 s3, s2  }
0x8d: {  	s2 =	sadd.s32 s2, s16  }
0x8e: {  	[smem:$0x3FB9] =	sst s2  }
0x8f: {  	_ = 	snop  }
0x90: {  	(tm) =	ssettm $0x1  }
0x91: {  	s17 =	sld [smem:$0x3FFB];
	_ =	sdelay $0x3  }
0x92: {  	_ =	strace s17  }
0x93: {  	s2 =	sld [smem:$0x3FFC];
	_ =	sdelay $0x3  }
0x94: {  	_ =	strace s2  }
0x95: {  	s2 =	sld [smem:$0x3FFD];
	_ =	sdelay $0x3  }
0x96: {  	_ =	strace s2  }
0x97: {  	_ =	strace $0x8FFFFFFF  }
0x98: {  	s18 =	sld [smem:$0x3FDB];
	_ =	sdelay $0x1  }
0x99: {  	s19 =	simm.s32 $_scs_section_size  }
0x9a: {  	s4 =	simm.s32 $_size__tile_overlayer_lowered;
	s5 =	simm.s32 $_tile_overlayer_lowered  }
0x9b: {  	s22 =	simm.s32 $0x1BFF;
	s21 =	sshll.u32 s5, $0x1;
	s2 =	sadd.s32 s19, s18  }
0x9c: {  	s6 =	simm.s32 $0x0;
	s20 =	sshll.u32 s4, $0x1;
	s4 =	sadd.s32 s21, s2  }
0x9d: {  	[timem:s6], [sflag:s22] =	dma.local [hbm:s4], s20  }
0x9e: {  	_ =	swait.ge [sflag:s22], s20  }
0x9f: {  	s3 =	ssub.s32 $0x0, s20;
	[sflag:s22] =	ssyncset.done $0x0  }
0xa0: {  	[sflag:s22] =	ssyncadd.s32 s3;
	_ =	sdelay $0x1  }
0xa1: {  	s23 =	simm.s32 $0x1B8B  }
0xa2: {  	_ =	swait.ge [sflag:s23], $0x1  }
0xa3: {  	[sflag:s23] =	ssyncset.done $0x0  }
0xa4: {  	s25 =	simm.s32 $0x1B8E;
	s24 =	sld [smem:$0x3FFE];
	[sflag:s23] =	ssyncadd.s32 $0xFFFFFFFF  }
0xa5: {  	s26 =	simm.s32 $execute0_lowered;
	[smem:$0x3FD2] =	sst s25  }
0xa6: {  	s4 =	sshll.u32 s26, $0x1;
	_ =	strace $0x80000049;
	[dreg:$0x1] =	wrdreg $0xFFFFFFFF  }
0xa7: {  	s28 =	simm.s32 $_size_execute0_lowered;
	s2 =	sadd.s32 s2, s4;
	[dreg:$0x0] =	wrdreg $0x0  }
0xa8: {  	s4 =	sshll.u32 s28, $0x1;
	[dreg:$0x2] =	wrdreg s2  }
0xa9: {  	[dreg:$0x3] =	wrdreg s4  }
0xaa: {  	[dreg:$0x4] =	wrdreg $0xC0  }
0xab: {  	_ =	task [dreg:s6], $0x5FFFF  }
0xac: {  	[dreg:$0x1] =	wrdreg $0xFFFFFFFF  }
0xad: {  	[dreg:$0x0] =	wrdreg $0x60  }
0xae: {  	[dreg:$0x2] =	wrdreg s24  }
0xaf: {  	[dreg:$0x3] =	wrdreg $0xA8000  }
0xb0: {  	[dreg:$0x4] =	wrdreg $0x9  }
0xb1: {  	_ =	task.clear_ibuf [dreg:s6], $0x5FFFF;
	_ =	strace $0x90000049  }
0xb2: {  	s29 =	simm.s32 $0x9;
	_ =	strace $0x8000004B  }
0xb3: {  	_ =	swait.ge [sflag:s29], $0x1  }
0xb4: {  	[sflag:s29] =	ssyncadd.s32 $0xFFFFFFFF  }
0xb5: {  	_ =	strace $0x9000004B  }
0xb6: {  	_ =	sfence  }
0xb7: {  	s30 =	sld [smem:$0x0];
	_ =	sdelay $0x2  }
0xb8: {  	s31 =	sshll.u32 s1, $0xD;
	s1 =	sshrl.u32 s1, $0x2  }
0xb9: {  	s3 =	sand.u32 $0x4000, s31;
	s1 =	sadd.s32 s1, s30  }
0xba: {  	s0 =	sor.u32 s3, s0;
	s1 =	sshll.u32 s1, $0x11  }
0xbb: {  	s0 =	sor.u32 s1, s0  }
0xbc: {  	s0 =	sadd.s32 $0x8F2B, s0  }
0xbd: {  	[sflag:s0] =	ssyncadd.remote.s32 $0x1  }
0xbe: {  	_ =	sfence.sel $0xFFFF  }
0xbf: {  	[dreg:$0x0] =	wrdreg $0xFFFFFFFF;
	(pc) =	sbr.abs _section_cstart, $3  }
0xc0: {  	[dreg:$0x1] =	wrdreg $0xFFFFFFFF  }
0xc1: {  	_ =	task.clear_ibuf [dreg:s6], $0x2FFFF;
	_ =	strace $0x9FFFFFFF  }
0xc2: {  	(tm) =	ssettm $0x7FFFFFFF  }
0xc3: {  	_ =	shalt  }
tec
execute0_lowered:
.L_overlay_start_1:
0x0: {  	(tag) =	ssettag $0x1  }
0x1: {  	s5 =	rddreg [dreg:$0x0]  }
0x2: {  	s2 =	rddreg [dreg:$0x1]  }
0x3: {  	s0 =	rddreg [dreg:$0x2]  }
0x4: {  	s3 =	simm.s32 $0x0;
	s1 =	stileid.u32;
	s4 =	srdreg.scid  }
0x5: {  	s19 =	simm.s32 $0x1400;
	s20 =	simm.s32 $0x80;
	s21 =	simm.s32 $0x2800  }
0x6: {  	s22 =	simm.s32 $0x6800;
	s23 =	simm.s32 $0x1;
	s6 =	smul.u32 $0x13C00, s1  }
0x7: {  	s24 =	simm.s32 $0x2;
	[smem:$0x7FF] =	sst s3;
	s9 =	smul.u32 $0x4F000, s1  }
0x8: {  	s7 =	sand.u32 $0x1, s4;
	s4 =	sadd.s32 $0x3F600, s5;
	s11 =	smul.u32 $0x5000, s1  }
0x9: {  	s13 =	sadd.s32 $0x8E800, s5;
	s14 =	sadd.s32 $0xA2800, s5;
	s8 =	smul.u32 $0x13C000, s7  }
0xa: {  	s30 =	sshll.u32 s1, $0x6;
	s25 =	smul.u32 $0x50000, s7;
	s7 =	ssub.s32 $0x2, s7  }
0xb: {  	_ =	strace $0x8000004A;
	s10 =	sshrl.u32 s6, $0x3;
	s26 =	sshrl.u32 s7, $0x1  }
0xc: {  	s28 =	sshrl.u32 s9, $0x2;
	s6 =	sadd.s32 s6, s8;
	s10 =	sadd.s32 s10, s5  }
0xd: {  	s16 =	ssub.s32 s7, s26;
	s29 =	sadd.s32 s11, s25;
	s17 =	sadd.s32 s28, s2  }
0xe: {  	s25 =	simm.s32 $0x0;
	s6 =	sshrl.u32 s6, $0x3;
	s11 =	sshrl.u32 s29, $0x3  }
0xf: {  	s16 =	smax.u32 s16, $0x1;
	s17 =	sshrl.u32 s17, $0x3;
	s15 =	sadd.s32 s6, s5  }
0x10: {  	s5 =	sadd.s32 $0x17E00, s10;
	s6 =	sor.u32 $0x1C03, s30;
	s31 =	sadd.s32 $0x280, s11  }
0x11: {  	s7 =	sadd.s32 s13, s11;
	s8 =	sadd.s32 s14, s11;
	s12 =	sadd.s32 $0x500, s11  }
0x12: {  	s18 =	sadd.s32 $0x780, s11;
	s9 =	sadd.s32 s13, s31;
	s10 =	sadd.s32 s14, s31  }
0x13: {  	s11 =	sadd.s32 s13, s12;
	s12 =	sadd.s32 s14, s12;
	s13 =	sadd.s32 s13, s18  }
0x14: {  	s14 =	sadd.s32 s14, s18;
	s15 =	sadd.s32 $0xB6800, s15;
	s18 =	simm.s32 $0x3  }
.LBB2_1:
0x15: {  	[spmem:s17], [sflag:s6] =	dma.local [hbm:s5], $0x2780  }
0x16: {  	_ =	swait.ge [sflag:s18], $0x2780  }
0x17: {  	[sflag:s18] =	ssyncset.done $0x0  }
0x18: {  	[sflag:s18] =	ssyncadd.s32 $0xFFFFD880  }
0x19: {  	[bflag:$0x0] =	sbarrier.arrive $0xFFFF  }
0x1a: {  	[tilespmem:s3], [sflag:$0x3] =	stream.linear.gather [hbm4b:s7+s3], $0x1400, $0x38;
	[tilespmem:$0x1E400] =	vst v63  }
0x1b: {  	_ =	swait.ge [sflag:s18], $0x1400  }
0x1c: {  	[sflag:s18] =	ssyncset.done $0x0  }
0x1d: {  	[sflag:s18] =	ssyncadd.s32 $0xFFFFEC00  }
0x1e: {  	[tilespmem:s19], [sflag:$0x3] =	stream.linear.gather [hbm4b:s8+s3], $0x1400, $0x38;
	[tilespmem:$0x1E400] =	vst v63  }
0x1f: {  	_ =	swait.ge [sflag:s18], $0x1400  }
0x20: {  	[sflag:s18] =	ssyncset.done $0x0  }
0x21: {  	s26 =	simm.s32 $0x0;
	[sflag:s18] =	ssyncadd.s32 $0xFFFFEC00  }
0x22: {  	[tilespmem:s21], [sflag:$0x1] =	stream.indirect.gather [hbm4b:s4+s20], $0x80, s26, s20, $0xb8;
	[tilespmem:$0x1E400] =	vst v63  }
0x23: {  	s29 =	simm.s32 $0x80  }
0x24: {  	[tilespmem:s22], [sflag:$0x2] =	stream.indirect.gather [hbm4b:s4+s20], $0x80, s29, s20, $0xb8;
	[tilespmem:$0x1E400] =	vst v63  }
0x25: {  	_ =	swait.ge [sflag:s23], $0x4000  }
0x26: {  	[sflag:s23] =	ssyncset.done $0x0  }
0x27: {  	s30 =	simm.s32 $0x1400;
	[sflag:s23] =	ssyncadd.s32 $0xFFFFC000  }
0x28: {  	[spmem:s2] =	stream.indirect.scatter.add.f32 [tilespmem:s21], [sflag:$0x3], $0x80, s30, s20, $0xb8;
	[tilespmem:$0x1E400] =	vst v63  }
0x29: {  	_ =	swait.ge [sflag:s18], $0x4000  }
0x2a: {  	[sflag:s18] =	ssyncset.done $0x0  }
0x2b: {  	[sflag:s18] =	ssyncadd.s32 $0xFFFFC000  }
0x2c: {  	_ =	swait.ge [sflag:s24], $0x4000  }
0x2d: {  	[sflag:s24] =	ssyncset.done $0x0  }
0x2e: {  	s31 =	simm.s32 $0x1480;
	[sflag:s24] =	ssyncadd.s32 $0xFFFFC000  }
0x2f: {  	[spmem:s2] =	stream.indirect.scatter.add.f32 [tilespmem:s22], [sflag:$0x3], $0x80, s31, s20, $0xb8;
	[tilespmem:$0x1E400] =	vst v63  }
0x30: {  	_ =	swait.ge [sflag:s18], $0x4000  }
0x31: {  	s28 =	simm.s32 $0x800;
	s26 =	simm.s32 $0x400;
	[sflag:s18] =	ssyncset.done $0x0  }
.LBB2_2:
0x32: {  	s29 =	sshra.s32 s26, $0x2  }
0x33: {  	[sflag:s18] =	ssyncadd.s32 $0xFFFFC000;
	s26 =	smov.u32 s28;
	s30 =	sadd.s32 $0x400, s28  }
0x34: {  	[tilespmem:s21], [sflag:$0x1] =	stream.indirect.gather [hbm4b:s4+s20], $0x80, s29, s20, $0xb8;
	[tilespmem:$0x1E400] =	vst v63  }
0x35: {  	p0 =	sne.s32 s28, $0x4C00;
	s28 =	sadd.s32 $0x80, s29  }
0x36: {  	[tilespmem:s22], [sflag:$0x2] =	stream.indirect.gather [hbm4b:s4+s20], $0x80, s28, s20, $0xb8;
	[tilespmem:$0x1E400] =	vst v63  }
0x37: {  	_ =	swait.ge [sflag:s23], $0x4000  }
0x38: {  	[sflag:s23] =	ssyncset.done $0x0  }
0x39: {  	s28 =	sadd.s32 $0x1400, s29;
	[sflag:s23] =	ssyncadd.s32 $0xFFFFC000  }
0x3a: {  	[spmem:s2] =	stream.indirect.scatter.add.f32 [tilespmem:s21], [sflag:$0x3], $0x80, s28, s20, $0xb8;
	[tilespmem:$0x1E400] =	vst v63  }
0x3b: {  	_ =	swait.ge [sflag:s18], $0x4000  }
0x3c: {  	[sflag:s18] =	ssyncset.done $0x0  }
0x3d: {  	[sflag:s18] =	ssyncadd.s32 $0xFFFFC000  }
0x3e: {  	_ =	swait.ge [sflag:s24], $0x4000  }
.Ltmp0:
0x3f: {  	[sflag:s24] =	ssyncset.done $0x0;
	(pc) =	sbr.rel @p0 .LBB2_2-.Ltmp0, $4  }
0x40: {  	s28 =	sadd.s32 $0x1480, s29;
	[sflag:s24] =	ssyncadd.s32 $0xFFFFC000  }
0x41: {  	[spmem:s2] =	stream.indirect.scatter.add.f32 [tilespmem:s22], [sflag:$0x3], $0x80, s28, s20, $0xb8;
	[tilespmem:$0x1E400] =	vst v63  }
0x42: {  	_ =	swait.ge [sflag:s18], $0x4000  }
0x43: {  	s28 =	smov.u32 s30;
	[sflag:s18] =	ssyncset.done $0x0  }
0x44: {  	s26 =	sshra.s32 s26, $0x2;
	[sflag:s18] =	ssyncadd.s32 $0xFFFFC000  }
0x45: {  	[tilespmem:s21], [sflag:$0x1] =	stream.indirect.gather [hbm4b:s4+s20], $0x80, s26, s20, $0xb8;
	[tilespmem:$0x1E400] =	vst v63  }
0x46: {  	s28 =	sadd.s32 $0x80, s26  }
0x47: {  	[tilespmem:s22], [sflag:$0x2] =	stream.indirect.gather [hbm4b:s4+s20], $0x80, s28, s20, $0xb8;
	[tilespmem:$0x1E400] =	vst v63  }
0x48: {  	_ =	swait.ge [sflag:s23], $0x4000  }
0x49: {  	[sflag:s23] =	ssyncset.done $0x0  }
0x4a: {  	s28 =	sadd.s32 $0x1400, s26;
	[sflag:s23] =	ssyncadd.s32 $0xFFFFC000  }
0x4b: {  	[spmem:s2] =	stream.indirect.scatter.add.f32 [tilespmem:s21], [sflag:$0x3], $0x80, s28, s20, $0xb8;
	[tilespmem:$0x1E400] =	vst v63  }
0x4c: {  	_ =	swait.ge [sflag:s18], $0x4000  }
0x4d: {  	[sflag:s18] =	ssyncset.done $0x0  }
0x4e: {  	[sflag:s18] =	ssyncadd.s32 $0xFFFFC000  }
0x4f: {  	_ =	swait.ge [sflag:s24], $0x4000  }
0x50: {  	[sflag:s24] =	ssyncset.done $0x0  }
0x51: {  	s26 =	sadd.s32 $0x1480, s26;
	[sflag:s24] =	ssyncadd.s32 $0xFFFFC000  }
0x52: {  	[spmem:s2] =	stream.indirect.scatter.add.f32 [tilespmem:s22], [sflag:$0x3], $0x80, s26, s20, $0xb8;
	[tilespmem:$0x1E400] =	vst v63  }
0x53: {  	_ =	swait.ge [sflag:s18], $0x4000  }
0x54: {  	[sflag:s18] =	ssyncset.done $0x0  }
0x55: {  	s30 =	simm.s32 $0x0;
	[sflag:s18] =	ssyncadd.s32 $0xFFFFC000  }
0x56: {  	[tilespmem:s30], [sflag:$0x3] =	stream.linear.gather [hbm4b:s9+s30], $0x1400, $0x38;
	[tilespmem:$0x1E400] =	vst v63  }
0x57: {  	_ =	swait.ge [sflag:s18], $0x1400  }
0x58: {  	[sflag:s18] =	ssyncset.done $0x0  }
0x59: {  	[sflag:s18] =	ssyncadd.s32 $0xFFFFEC00  }
0x5a: {  	[tilespmem:s19], [sflag:$0x3] =	stream.linear.gather [hbm4b:s10+s30], $0x1400, $0x38;
	[tilespmem:$0x1E400] =	vst v63  }
0x5b: {  	_ =	swait.ge [sflag:s18], $0x1400  }
0x5c: {  	[sflag:s18] =	ssyncset.done $0x0  }
0x5d: {  	s31 =	simm.s32 $0x0;
	[sflag:s18] =	ssyncadd.s32 $0xFFFFEC00  }
0x5e: {  	[tilespmem:s21], [sflag:$0x1] =	stream.indirect.gather [hbm4b:s4+s20], $0x80, s31, s20, $0xb8;
	[tilespmem:$0x1E400] =	vst v63  }
0x5f: {  	s29 =	simm.s32 $0x80  }
0x60: {  	[tilespmem:s22], [sflag:$0x2] =	stream.indirect.gather [hbm4b:s4+s20], $0x80, s29, s20, $0xb8;
	[tilespmem:$0x1E400] =	vst v63  }
0x61: {  	_ =	swait.ge [sflag:s23], $0x4000  }
0x62: {  	[sflag:s23] =	ssyncset.done $0x0  }
0x63: {  	s30 =	simm.s32 $0x1400;
	[sflag:s23] =	ssyncadd.s32 $0xFFFFC000  }
0x64: {  	[spmem:s2] =	stream.indirect.scatter.add.f32 [tilespmem:s21], [sflag:$0x3], $0x80, s30, s20, $0xb8;
	[tilespmem:$0x1E400] =	vst v63  }
0x65: {  	_ =	swait.ge [sflag:s18], $0x4000  }
0x66: {  	[sflag:s18] =	ssyncset.done $0x0  }
0x67: {  	[sflag:s18] =	ssyncadd.s32 $0xFFFFC000  }
0x68: {  	_ =	swait.ge [sflag:s24], $0x4000  }
0x69: {  	[sflag:s24] =	ssyncset.done $0x0  }
0x6a: {  	s31 =	simm.s32 $0x1480;
	[sflag:s24] =	ssyncadd.s32 $0xFFFFC000  }
0x6b: {  	[spmem:s2] =	stream.indirect.scatter.add.f32 [tilespmem:s22], [sflag:$0x3], $0x80, s31, s20, $0xb8;
	[tilespmem:$0x1E400] =	vst v63  }
0x6c: {  	_ =	swait.ge [sflag:s18], $0x4000  }
0x6d: {  	s28 =	simm.s32 $0x800;
	s26 =	simm.s32 $0x400;
	[sflag:s18] =	ssyncset.done $0x0  }
.LBB2_4:
0x6e: {  	s29 =	sshra.s32 s26, $0x2  }
0x6f: {  	[sflag:s18] =	ssyncadd.s32 $0xFFFFC000;
	s26 =	smov.u32 s28;
	s30 =	sadd.s32 $0x400, s28  }
0x70: {  	[tilespmem:s21], [sflag:$0x1] =	stream.indirect.gather [hbm4b:s4+s20], $0x80, s29, s20, $0xb8;
	[tilespmem:$0x1E400] =	vst v63  }
0x71: {  	p0 =	sne.s32 s28, $0x4C00;
	s28 =	sadd.s32 $0x80, s29  }
0x72: {  	[tilespmem:s22], [sflag:$0x2] =	stream.indirect.gather [hbm4b:s4+s20], $0x80, s28, s20, $0xb8;
	[tilespmem:$0x1E400] =	vst v63  }
0x73: {  	_ =	swait.ge [sflag:s23], $0x4000  }
0x74: {  	[sflag:s23] =	ssyncset.done $0x0  }
0x75: {  	s28 =	sadd.s32 $0x1400, s29;
	[sflag:s23] =	ssyncadd.s32 $0xFFFFC000  }
0x76: {  	[spmem:s2] =	stream.indirect.scatter.add.f32 [tilespmem:s21], [sflag:$0x3], $0x80, s28, s20, $0xb8;
	[tilespmem:$0x1E400] =	vst v63  }
0x77: {  	_ =	swait.ge [sflag:s18], $0x4000  }
0x78: {  	[sflag:s18] =	ssyncset.done $0x0  }
0x79: {  	[sflag:s18] =	ssyncadd.s32 $0xFFFFC000  }
0x7a: {  	_ =	swait.ge [sflag:s24], $0x4000  }
.Ltmp1:
0x7b: {  	[sflag:s24] =	ssyncset.done $0x0;
	(pc) =	sbr.rel @p0 .LBB2_4-.Ltmp1, $4  }
0x7c: {  	s28 =	sadd.s32 $0x1480, s29;
	[sflag:s24] =	ssyncadd.s32 $0xFFFFC000  }
0x7d: {  	[spmem:s2] =	stream.indirect.scatter.add.f32 [tilespmem:s22], [sflag:$0x3], $0x80, s28, s20, $0xb8;
	[tilespmem:$0x1E400] =	vst v63  }
0x7e: {  	_ =	swait.ge [sflag:s18], $0x4000  }
0x7f: {  	s28 =	smov.u32 s30;
	[sflag:s18] =	ssyncset.done $0x0  }
0x80: {  	s26 =	sshra.s32 s26, $0x2;
	[sflag:s18] =	ssyncadd.s32 $0xFFFFC000  }
0x81: {  	[tilespmem:s21], [sflag:$0x1] =	stream.indirect.gather [hbm4b:s4+s20], $0x80, s26, s20, $0xb8;
	[tilespmem:$0x1E400] =	vst v63  }
0x82: {  	s28 =	sadd.s32 $0x80, s26  }
0x83: {  	[tilespmem:s22], [sflag:$0x2] =	stream.indirect.gather [hbm4b:s4+s20], $0x80, s28, s20, $0xb8;
	[tilespmem:$0x1E400] =	vst v63  }
0x84: {  	_ =	swait.ge [sflag:s23], $0x4000  }
0x85: {  	[sflag:s23] =	ssyncset.done $0x0  }
0x86: {  	s28 =	sadd.s32 $0x1400, s26;
	[sflag:s23] =	ssyncadd.s32 $0xFFFFC000  }
0x87: {  	[spmem:s2] =	stream.indirect.scatter.add.f32 [tilespmem:s21], [sflag:$0x3], $0x80, s28, s20, $0xb8;
	[tilespmem:$0x1E400] =	vst v63  }
0x88: {  	_ =	swait.ge [sflag:s18], $0x4000  }
0x89: {  	[sflag:s18] =	ssyncset.done $0x0  }
0x8a: {  	[sflag:s18] =	ssyncadd.s32 $0xFFFFC000  }
0x8b: {  	_ =	swait.ge [sflag:s24], $0x4000  }
0x8c: {  	[sflag:s24] =	ssyncset.done $0x0  }
0x8d: {  	s26 =	sadd.s32 $0x1480, s26;
	[sflag:s24] =	ssyncadd.s32 $0xFFFFC000  }
0x8e: {  	[spmem:s2] =	stream.indirect.scatter.add.f32 [tilespmem:s22], [sflag:$0x3], $0x80, s26, s20, $0xb8;
	[tilespmem:$0x1E400] =	vst v63  }
0x8f: {  	_ =	swait.ge [sflag:s18], $0x4000  }
0x90: {  	[sflag:s18] =	ssyncset.done $0x0  }
0x91: {  	s30 =	simm.s32 $0x0;
	[sflag:s18] =	ssyncadd.s32 $0xFFFFC000  }
0x92: {  	[tilespmem:s30], [sflag:$0x3] =	stream.linear.gather [hbm4b:s11+s30], $0x1400, $0x38;
	[tilespmem:$0x1E400] =	vst v63  }
0x93: {  	_ =	swait.ge [sflag:s18], $0x1400  }
0x94: {  	[sflag:s18] =	ssyncset.done $0x0  }
0x95: {  	[sflag:s18] =	ssyncadd.s32 $0xFFFFEC00  }
0x96: {  	[tilespmem:s19], [sflag:$0x3] =	stream.linear.gather [hbm4b:s12+s30], $0x1400, $0x38;
	[tilespmem:$0x1E400] =	vst v63  }
0x97: {  	_ =	swait.ge [sflag:s18], $0x1400  }
0x98: {  	[sflag:s18] =	ssyncset.done $0x0  }
0x99: {  	s31 =	simm.s32 $0x0;
	[sflag:s18] =	ssyncadd.s32 $0xFFFFEC00  }
0x9a: {  	[tilespmem:s21], [sflag:$0x1] =	stream.indirect.gather [hbm4b:s4+s20], $0x80, s31, s20, $0xb8;
	[tilespmem:$0x1E400] =	vst v63  }
0x9b: {  	s29 =	simm.s32 $0x80  }
0x9c: {  	[tilespmem:s22], [sflag:$0x2] =	stream.indirect.gather [hbm4b:s4+s20], $0x80, s29, s20, $0xb8;
	[tilespmem:$0x1E400] =	vst v63  }
0x9d: {  	_ =	swait.ge [sflag:s23], $0x4000  }
0x9e: {  	[sflag:s23] =	ssyncset.done $0x0  }
0x9f: {  	s30 =	simm.s32 $0x1400;
	[sflag:s23] =	ssyncadd.s32 $0xFFFFC000  }
0xa0: {  	[spmem:s2] =	stream.indirect.scatter.add.f32 [tilespmem:s21], [sflag:$0x3], $0x80, s30, s20, $0xb8;
	[tilespmem:$0x1E400] =	vst v63  }
0xa1: {  	_ =	swait.ge [sflag:s18], $0x4000  }
0xa2: {  	[sflag:s18] =	ssyncset.done $0x0  }
0xa3: {  	[sflag:s18] =	ssyncadd.s32 $0xFFFFC000  }
0xa4: {  	_ =	swait.ge [sflag:s24], $0x4000  }
0xa5: {  	[sflag:s24] =	ssyncset.done $0x0  }
0xa6: {  	s31 =	simm.s32 $0x1480;
	[sflag:s24] =	ssyncadd.s32 $0xFFFFC000  }
0xa7: {  	[spmem:s2] =	stream.indirect.scatter.add.f32 [tilespmem:s22], [sflag:$0x3], $0x80, s31, s20, $0xb8;
	[tilespmem:$0x1E400] =	vst v63  }
0xa8: {  	_ =	swait.ge [sflag:s18], $0x4000  }
0xa9: {  	s28 =	simm.s32 $0x800;
	s26 =	simm.s32 $0x400;
	[sflag:s18] =	ssyncset.done $0x0  }
.LBB2_6:
0xaa: {  	s29 =	sshra.s32 s26, $0x2  }
0xab: {  	[sflag:s18] =	ssyncadd.s32 $0xFFFFC000;
	s26 =	smov.u32 s28;
	s30 =	sadd.s32 $0x400, s28  }
0xac: {  	[tilespmem:s21], [sflag:$0x1] =	stream.indirect.gather [hbm4b:s4+s20], $0x80, s29, s20, $0xb8;
	[tilespmem:$0x1E400] =	vst v63  }
0xad: {  	p0 =	sne.s32 s28, $0x4C00;
	s28 =	sadd.s32 $0x80, s29  }
0xae: {  	[tilespmem:s22], [sflag:$0x2] =	stream.indirect.gather [hbm4b:s4+s20], $0x80, s28, s20, $0xb8;
	[tilespmem:$0x1E400] =	vst v63  }
0xaf: {  	_ =	swait.ge [sflag:s23], $0x4000  }
0xb0: {  	[sflag:s23] =	ssyncset.done $0x0  }
0xb1: {  	s28 =	sadd.s32 $0x1400, s29;
	[sflag:s23] =	ssyncadd.s32 $0xFFFFC000  }
0xb2: {  	[spmem:s2] =	stream.indirect.scatter.add.f32 [tilespmem:s21], [sflag:$0x3], $0x80, s28, s20, $0xb8;
	[tilespmem:$0x1E400] =	vst v63  }
0xb3: {  	_ =	swait.ge [sflag:s18], $0x4000  }
0xb4: {  	[sflag:s18] =	ssyncset.done $0x0  }
0xb5: {  	[sflag:s18] =	ssyncadd.s32 $0xFFFFC000  }
0xb6: {  	_ =	swait.ge [sflag:s24], $0x4000  }
.Ltmp2:
0xb7: {  	[sflag:s24] =	ssyncset.done $0x0;
	(pc) =	sbr.rel @p0 .LBB2_6-.Ltmp2, $4  }
0xb8: {  	s28 =	sadd.s32 $0x1480, s29;
	[sflag:s24] =	ssyncadd.s32 $0xFFFFC000  }
0xb9: {  	[spmem:s2] =	stream.indirect.scatter.add.f32 [tilespmem:s22], [sflag:$0x3], $0x80, s28, s20, $0xb8;
	[tilespmem:$0x1E400] =	vst v63  }
0xba: {  	_ =	swait.ge [sflag:s18], $0x4000  }
0xbb: {  	s28 =	smov.u32 s30;
	[sflag:s18] =	ssyncset.done $0x0  }
0xbc: {  	s26 =	sshra.s32 s26, $0x2;
	[sflag:s18] =	ssyncadd.s32 $0xFFFFC000  }
0xbd: {  	[tilespmem:s21], [sflag:$0x1] =	stream.indirect.gather [hbm4b:s4+s20], $0x80, s26, s20, $0xb8;
	[tilespmem:$0x1E400] =	vst v63  }
0xbe: {  	s28 =	sadd.s32 $0x80, s26  }
0xbf: {  	[tilespmem:s22], [sflag:$0x2] =	stream.indirect.gather [hbm4b:s4+s20], $0x80, s28, s20, $0xb8;
	[tilespmem:$0x1E400] =	vst v63  }
0xc0: {  	_ =	swait.ge [sflag:s23], $0x4000  }
0xc1: {  	[sflag:s23] =	ssyncset.done $0x0  }
0xc2: {  	s28 =	sadd.s32 $0x1400, s26;
	[sflag:s23] =	ssyncadd.s32 $0xFFFFC000  }
0xc3: {  	[spmem:s2] =	stream.indirect.scatter.add.f32 [tilespmem:s21], [sflag:$0x3], $0x80, s28, s20, $0xb8;
	[tilespmem:$0x1E400] =	vst v63  }
0xc4: {  	_ =	swait.ge [sflag:s18], $0x4000  }
0xc5: {  	[sflag:s18] =	ssyncset.done $0x0  }
0xc6: {  	[sflag:s18] =	ssyncadd.s32 $0xFFFFC000  }
0xc7: {  	_ =	swait.ge [sflag:s24], $0x4000  }
0xc8: {  	[sflag:s24] =	ssyncset.done $0x0  }
0xc9: {  	s26 =	sadd.s32 $0x1480, s26;
	[sflag:s24] =	ssyncadd.s32 $0xFFFFC000  }
0xca: {  	[spmem:s2] =	stream.indirect.scatter.add.f32 [tilespmem:s22], [sflag:$0x3], $0x80, s26, s20, $0xb8;
	[tilespmem:$0x1E400] =	vst v63  }
0xcb: {  	_ =	swait.ge [sflag:s18], $0x4000  }
0xcc: {  	[sflag:s18] =	ssyncset.done $0x0  }
0xcd: {  	s30 =	simm.s32 $0x0;
	[sflag:s18] =	ssyncadd.s32 $0xFFFFC000  }
0xce: {  	[tilespmem:s30], [sflag:$0x3] =	stream.linear.gather [hbm4b:s13+s30], $0x1400, $0x38;
	[tilespmem:$0x1E400] =	vst v63  }
0xcf: {  	_ =	swait.ge [sflag:s18], $0x1400  }
0xd0: {  	[sflag:s18] =	ssyncset.done $0x0  }
0xd1: {  	[sflag:s18] =	ssyncadd.s32 $0xFFFFEC00  }
0xd2: {  	[tilespmem:s19], [sflag:$0x3] =	stream.linear.gather [hbm4b:s14+s30], $0x1400, $0x38;
	[tilespmem:$0x1E400] =	vst v63  }
0xd3: {  	_ =	swait.ge [sflag:s18], $0x1400  }
0xd4: {  	[sflag:s18] =	ssyncset.done $0x0  }
0xd5: {  	s31 =	simm.s32 $0x0;
	[sflag:s18] =	ssyncadd.s32 $0xFFFFEC00  }
0xd6: {  	[tilespmem:s21], [sflag:$0x1] =	stream.indirect.gather [hbm4b:s4+s20], $0x80, s31, s20, $0xb8;
	[tilespmem:$0x1E400] =	vst v63  }
0xd7: {  	s29 =	simm.s32 $0x80  }
0xd8: {  	[tilespmem:s22], [sflag:$0x2] =	stream.indirect.gather [hbm4b:s4+s20], $0x80, s29, s20, $0xb8;
	[tilespmem:$0x1E400] =	vst v63  }
0xd9: {  	_ =	swait.ge [sflag:s23], $0x4000  }
0xda: {  	[sflag:s23] =	ssyncset.done $0x0  }
0xdb: {  	s30 =	simm.s32 $0x1400;
	[sflag:s23] =	ssyncadd.s32 $0xFFFFC000  }
0xdc: {  	[spmem:s2] =	stream.indirect.scatter.add.f32 [tilespmem:s21], [sflag:$0x3], $0x80, s30, s20, $0xb8;
	[tilespmem:$0x1E400] =	vst v63  }
0xdd: {  	_ =	swait.ge [sflag:s18], $0x4000  }
0xde: {  	[sflag:s18] =	ssyncset.done $0x0  }
0xdf: {  	[sflag:s18] =	ssyncadd.s32 $0xFFFFC000  }
0xe0: {  	_ =	swait.ge [sflag:s24], $0x4000  }
0xe1: {  	[sflag:s24] =	ssyncset.done $0x0  }
0xe2: {  	s31 =	simm.s32 $0x1480;
	[sflag:s24] =	ssyncadd.s32 $0xFFFFC000  }
0xe3: {  	[spmem:s2] =	stream.indirect.scatter.add.f32 [tilespmem:s22], [sflag:$0x3], $0x80, s31, s20, $0xb8;
	[tilespmem:$0x1E400] =	vst v63  }
0xe4: {  	_ =	swait.ge [sflag:s18], $0x4000  }
0xe5: {  	s28 =	simm.s32 $0x800;
	s26 =	simm.s32 $0x400;
	[sflag:s18] =	ssyncset.done $0x0  }
.LBB2_8:
0xe6: {  	s29 =	sshra.s32 s26, $0x2  }
0xe7: {  	[sflag:s18] =	ssyncadd.s32 $0xFFFFC000;
	s26 =	smov.u32 s28;
	s30 =	sadd.s32 $0x400, s28  }
0xe8: {  	[tilespmem:s21], [sflag:$0x1] =	stream.indirect.gather [hbm4b:s4+s20], $0x80, s29, s20, $0xb8;
	[tilespmem:$0x1E400] =	vst v63  }
0xe9: {  	p0 =	sne.s32 s28, $0x4C00;
	s28 =	sadd.s32 $0x80, s29  }
0xea: {  	[tilespmem:s22], [sflag:$0x2] =	stream.indirect.gather [hbm4b:s4+s20], $0x80, s28, s20, $0xb8;
	[tilespmem:$0x1E400] =	vst v63  }
0xeb: {  	_ =	swait.ge [sflag:s23], $0x4000  }
0xec: {  	[sflag:s23] =	ssyncset.done $0x0  }
0xed: {  	s28 =	sadd.s32 $0x1400, s29;
	[sflag:s23] =	ssyncadd.s32 $0xFFFFC000  }
0xee: {  	[spmem:s2] =	stream.indirect.scatter.add.f32 [tilespmem:s21], [sflag:$0x3], $0x80, s28, s20, $0xb8;
	[tilespmem:$0x1E400] =	vst v63  }
0xef: {  	_ =	swait.ge [sflag:s18], $0x4000  }
0xf0: {  	[sflag:s18] =	ssyncset.done $0x0  }
0xf1: {  	[sflag:s18] =	ssyncadd.s32 $0xFFFFC000  }
0xf2: {  	_ =	swait.ge [sflag:s24], $0x4000  }
.Ltmp3:
0xf3: {  	[sflag:s24] =	ssyncset.done $0x0;
	(pc) =	sbr.rel @p0 .LBB2_8-.Ltmp3, $4  }
0xf4: {  	s28 =	sadd.s32 $0x1480, s29;
	[sflag:s24] =	ssyncadd.s32 $0xFFFFC000  }
0xf5: {  	[spmem:s2] =	stream.indirect.scatter.add.f32 [tilespmem:s22], [sflag:$0x3], $0x80, s28, s20, $0xb8;
	[tilespmem:$0x1E400] =	vst v63  }
0xf6: {  	_ =	swait.ge [sflag:s18], $0x4000  }
0xf7: {  	s28 =	smov.u32 s30;
	[sflag:s18] =	ssyncset.done $0x0  }
0xf8: {  	s26 =	sshra.s32 s26, $0x2;
	[sflag:s18] =	ssyncadd.s32 $0xFFFFC000  }
0xf9: {  	[tilespmem:s21], [sflag:$0x1] =	stream.indirect.gather [hbm4b:s4+s20], $0x80, s26, s20, $0xb8;
	[tilespmem:$0x1E400] =	vst v63  }
0xfa: {  	s28 =	sadd.s32 $0x80, s26  }
0xfb: {  	[tilespmem:s22], [sflag:$0x2] =	stream.indirect.gather [hbm4b:s4+s20], $0x80, s28, s20, $0xb8;
	[tilespmem:$0x1E400] =	vst v63  }
0xfc: {  	_ =	swait.ge [sflag:s23], $0x4000  }
0xfd: {  	[sflag:s23] =	ssyncset.done $0x0  }
0xfe: {  	s31 =	sadd.s32 $0x1400, s26;
	[sflag:s23] =	ssyncadd.s32 $0xFFFFC000  }
0xff: {  	[spmem:s2] =	stream.indirect.scatter.add.f32 [tilespmem:s21], [sflag:$0x3], $0x80, s31, s20, $0xb8;
	[tilespmem:$0x1E400] =	vst v63  }
0x100: {  	_ =	swait.ge [sflag:s18], $0x4000  }
0x101: {  	[sflag:s18] =	ssyncset.done $0x0  }
0x102: {  	[sflag:s18] =	ssyncadd.s32 $0xFFFFC000  }
0x103: {  	_ =	swait.ge [sflag:s24], $0x4000  }
0x104: {  	[sflag:s24] =	ssyncset.done $0x0  }
0x105: {  	s26 =	sadd.s32 $0x1480, s26;
	[sflag:s24] =	ssyncadd.s32 $0xFFFFC000  }
0x106: {  	[spmem:s2] =	stream.indirect.scatter.add.f32 [tilespmem:s22], [sflag:$0x3], $0x80, s26, s20, $0xb8;
	[tilespmem:$0x1E400] =	vst v63  }
0x107: {  	_ =	swait.ge [sflag:s18], $0x4000  }
0x108: {  	s25 =	sadd.s32 $0x1, s25;
	[sflag:s18] =	ssyncset.done $0x0  }
0x109: {  	p0 =	sne.s32 s25, s16;
	[sflag:s18] =	ssyncadd.s32 $0xFFFFC000  }
.Ltmp4:
0x10a: {  	[bflag:$0x0] =	sbarrier.arrive $0xFFFF;
	(pc) =	sbr.rel @p0 .LBB2_1-.Ltmp4, $4  }
0x10b: {  	[hbm:s15], [sflag:s6] =	dma.local [spmem:s17], $0x2780  }
0x10c: {  	_ =	swait.ge [sflag:s18], $0x2780  }
0x10d: {  	[sflag:s18] =	ssyncset.done $0x0  }
0x10e: {  	[sflag:s18] =	ssyncadd.s32 $0xFFFFD880  }
0x10f: {  	_ =	sfence.sel $0x180000  }
0x110: {  	[bflag:$0x0] =	sbarrier.arrive $0xFFFF  }
0x111: {  	p0 =	sne.s32 s1, $0x0;
	_ =	strace $0x9000004A  }
0x112: {  	s0 =	sadd.s32 @!p0 $0x100000, s0;
	[bflag:$0x2] =	sbarrier.arrive $0xFFFF  }
0x113: {  	[sflag:s0] =	ssyncadd.tile.s32 @!p0 $0x1;
	_ =	shalt  }
.Lfunc_end2:
_tile_overlayer_lowered:
.L_overlay_start_2:
0x114: {  	(tag) =	ssettag $0x2  }
0x115: {  	s0 =	rddreg [dreg:$0x0];
	s2 =	stileid.u32  }
0x116: {  	s1 =	rddreg [dreg:$0x1];
	p0 =	sne.s32 s2, $0x0  }
0x117: {  	s3 =	rddreg [dreg:$0x2];
	[bflag:$0x3] =	sbarrier.arrive $0xFFFF;
	s2 =	simm.s32 @!p0 $0x1C03  }
0x118: {  	[timem:s3], [sflag:s2] =	dma.local @!p0 [hbm:s0], s1  }
0x119: {  	s0 =	simm.s32 @!p0 $0x3  }
0x11a: {  	_ =	swait.ge @!p0 [sflag:s0], s1  }
0x11b: {  	s1 =	ssub.s32 @!p0 $0x0, s1;
	[sflag:s0] =	ssyncset.done @!p0 $0x0  }
0x11c: {  	[sflag:s0] =	ssyncadd.s32 @!p0 s1  }
0x11d: {  	[bflag:$0x3] =	sbarrier.arrive $0xFFFF  }
0x11e: {  	_ =	shalt  }

// kernel: kernel.15.cloned.1.call-start
scs
__scs_entry_jumppad:
0x0: {  	(pc) =	sbr.rel $0x88, $3  }
0x1: {  	(tag) =	ssettag $0x0;
	lr =	simm.s32 $0x1  }
0x2: {  	[smem:$0x3F92] =	sst lr;
	_ =	strace $0xD0000000  }
0x3: {  	_ = 	snop  }
0x4: {  	_ = 	snop  }
0x5: {  	_ = 	snop  }
0x6: {  	_ = 	snop  }
0x7: {  	_ = 	snop  }
__scs_overlays_trampoline_lowered:
0x8: {  	[smem:$0x3FA1] =	sst s0  }
0x9: {  	[smem:$0x3FA2] =	sst s1  }
0xa: {  	[smem:$0x3FA3] =	sst s2  }
0xb: {  	[smem:$0x3FA4] =	sst s3  }
0xc: {  	[smem:$0x3FA5] =	sst s4  }
0xd: {  	[smem:$0x3FA6] =	sst s5  }
0xe: {  	[smem:$0x3FA7] =	sst s6  }
0xf: {  	[smem:$0x3FA8] =	sst s7  }
0x10: {  	[smem:$0x3FA9] =	sst s8  }
0x11: {  	[smem:$0x3FAA] =	sst s9;
	s0 =	simm.s32 @!p0 $0x0  }
0x12: {  	s1 =	sld [smem:$0x3F90];
	s0 =	simm.s32 @p0 $0x1  }
0x13: {  	[smem:$0x3FAB] =	sst s0;
	s0 =	simm.s32 @!p1 $0x0  }
0x14: {  	s2 =	sld [smem:$0x3F8F];
	s0 =	simm.s32 @p1 $0x1  }
0x15: {  	[smem:$0x3FAC] =	sst s0;
	s0 =	simm.s32 @!p2 $0x0  }
0x16: {  	s3 =	sld [smem:$0x3FDB];
	s0 =	simm.s32 @p2 $0x1  }
0x17: {  	s4 =	simm.s32 $0x1BF5;
	[smem:$0x3FAE] =	sst s0  }
0x18: {  	s0 =	sld [smem:$0x3F91];
	_ =	swait.ge [sflag:s4], $0x0  }
0x19: {  	s7 =	sld [smem:$0x3F92]  }
0x1a: {  	s8 =	sadd.s32 $0xFFFFE003, lr  }
0x1b: {  	s9 =	sadd.s32 $0xFFFFFEF7, lr;
	s5 =	simm.s32 $0xFFFFFFFF;
	p2 =	slt.u32 s8, $0xFFFFF086  }
0x1c: {  	p1 =	slt.u32 s9, $0xF7A;
	s5 =	simm.s32 @!p2 $0x0  }
0x1d: {  	s5 =	simm.s32 @p1 $0x1;
	p0 =	seq.s32 s7, s2  }
0x1e: {  	s7 =	smul.u32 @!p0 $0xF7A, s2;
	p2 =	seq.s32 @!p0 s5, $0x0  }
0x1f: {  	s9 =	smul.u32 $0xF7A, s1;
	s8 =	simm.s32 @!p0 $0x1BF5;
	p2 =	por !p2, p0  }
0x20: {  	[sflag:s8] =	ssyncset.s32 @!p0 $0xFFFFF086;
	s6 =	sadd.s32 @!p0 s3, s7;
	s7 =	simm.s32 @!p0 $0x108  }
0x21: {  	s3 =	sadd.s32 s3, s9;
	s6 =	sadd.s32 @!p0 $0x88, s6;
	s7 =	simm.s32 @p2 $0x1082  }
0x22: {  	[simem:s7], [sflag:s8] =	dma.local @!p0 [hbm:s6], $0xF7A  }
0x23: {  	s9 =	sor.u32 $0xD0000000, s2;
	s6 =	simm.s32 $0x108;
	_ =	swait.ge @!p0 [sflag:s8], $0x0  }
0x24: {  	s3 =	sadd.s32 $0x88, s3;
	s6 =	simm.s32 @!p1 $0x1082;
	[sflag:s4] =	ssyncset.s32 $0xFFFFF086  }
0x25: {  	[simem:s6], [sflag:s4] =	dma.local [hbm:s3], $0xF7A  }
0x26: {  	[smem:$0x3F92] =	sst s1;
	(tag) =	ssettag s2;
	_ =	strace s9  }
0x27: {  	s1 =	sld [smem:$0x3FA2]  }
0x28: {  	s2 =	sld [smem:$0x3FA3]  }
0x29: {  	s4 =	sld [smem:$0x3FA5]  }
0x2a: {  	p0 =	seq.s32 s5, $0x0;
	s5 =	sld [smem:$0x3FA6]  }
0x2b: {  	s6 =	sld [smem:$0x3FA7]  }
0x2c: {  	s7 =	sld [smem:$0x3FA8]  }
0x2d: {  	s3 =	simm.s32 $0x108;
	s8 =	sld [smem:$0x3FA9]  }
0x2e: {  	s3 =	simm.s32 @!p0 $0x1082;
	s9 =	sld [smem:$0x3FAA]  }
0x2f: {  	lr =	sadd.s32 s0, s3;
	s0 =	sld [smem:$0x3FA1]  }
0x30: {  	s3 =	sld [smem:$0x3FA4]  }
0x31: {  	[smem:$0x3FAD] =	sst s10  }
0x32: {  	s10 =	sld [smem:$0x3FAB];
	_ =	sdelay $0x3  }
0x33: {  	p0 =	seq.s32 s10, $0x1;
	s10 =	sld [smem:$0x3FAD];
	_ =	sdelay $0x3  }
0x34: {  	[smem:$0x3FAD] =	sst s10  }
0x35: {  	s10 =	sld [smem:$0x3FAC];
	_ =	sdelay $0x3  }
0x36: {  	p1 =	seq.s32 s10, $0x1;
	s10 =	sld [smem:$0x3FAD];
	_ =	sdelay $0x3  }
0x37: {  	[smem:$0x3FAD] =	sst s10  }
0x38: {  	s10 =	sld [smem:$0x3FAE]  }
0x39: {  	_ = 	snop;
	(pc) =	sbr.ind lr, $3  }
0x3a: {  	_ = 	snop  }
0x3b: {  	_ = 	snop  }
0x3c: {  	p2 =	seq.s32 s10, $0x1;
	s10 =	sld [smem:$0x3FAD]  }
0x3d: {  	_ =	shalt  }
0x3e: {  	_ =	shalt  }
0x3f: {  	_ =	shalt  }
0x40: {  	_ =	shalt  }
0x41: {  	_ =	shalt  }
0x42: {  	_ =	shalt  }
0x43: {  	_ =	shalt  }
0x44: {  	_ =	shalt  }
0x45: {  	_ =	shalt  }
0x46: {  	_ =	shalt  }
0x47: {  	_ =	shalt  }
0x48: {  	_ =	shalt  }
0x49: {  	_ =	shalt  }
0x4a: {  	_ =	shalt  }
0x4b: {  	_ =	shalt  }
0x4c: {  	_ =	shalt  }
0x4d: {  	_ =	shalt  }
0x4e: {  	_ =	shalt  }
0x4f: {  	_ =	shalt  }
0x50: {  	_ =	shalt  }
0x51: {  	_ =	shalt  }
0x52: {  	_ =	shalt  }
0x53: {  	_ =	shalt  }
0x54: {  	_ =	shalt  }
0x55: {  	_ =	shalt  }
0x56: {  	_ =	shalt  }
0x57: {  	_ =	shalt  }
0x58: {  	_ =	shalt  }
0x59: {  	_ =	shalt  }
0x5a: {  	_ =	shalt  }
0x5b: {  	_ =	shalt  }
0x5c: {  	_ =	shalt  }
0x5d: {  	_ =	shalt  }
0x5e: {  	_ =	shalt  }
0x5f: {  	_ =	shalt  }
0x60: {  	_ =	shalt  }
0x61: {  	_ =	shalt  }
0x62: {  	_ =	shalt  }
0x63: {  	_ =	shalt  }
0x64: {  	_ =	shalt  }
0x65: {  	_ =	shalt  }
0x66: {  	_ =	shalt  }
0x67: {  	_ =	shalt  }
0x68: {  	_ =	shalt  }
0x69: {  	_ =	shalt  }
0x6a: {  	_ =	shalt  }
0x6b: {  	_ =	shalt  }
0x6c: {  	_ =	shalt  }
0x6d: {  	_ =	shalt  }
0x6e: {  	_ =	shalt  }
0x6f: {  	_ =	shalt  }
0x70: {  	_ =	shalt  }
0x71: {  	_ =	shalt  }
0x72: {  	_ =	shalt  }
0x73: {  	_ =	shalt  }
0x74: {  	_ =	shalt  }
0x75: {  	_ =	shalt  }
0x76: {  	_ =	shalt  }
0x77: {  	_ =	shalt  }
0x78: {  	_ =	shalt  }
0x79: {  	_ =	shalt  }
0x7a: {  	_ =	shalt  }
0x7b: {  	_ =	shalt  }
0x7c: {  	_ =	shalt  }
0x7d: {  	_ =	shalt  }
0x7e: {  	_ =	shalt  }
0x7f: {  	_ =	shalt  }
0x80: {  	_ =	shalt  }
0x81: {  	_ =	shalt  }
0x82: {  	_ =	shalt  }
0x83: {  	_ =	shalt  }
0x84: {  	_ =	shalt  }
0x85: {  	_ =	shalt  }
0x86: {  	_ =	shalt  }
0x87: {  	_ =	shalt  }
.Lfunc_end0:
.L_simem_size_0:
called_computation.2_lowered:
.L_overlay_start_0:
0x88: {  	s2 =	sld [smem:$0x3FD9]  }
0x89: {  	s3 =	sld [smem:$0x3FFE];
	_ =	sdelay $0x1  }
0x8a: {  	s1 =	srdreg.scid  }
0x8b: {  	s0 =	sand.u32 $0x1, s1  }
0x8c: {  	s16 =	sshll.u32 s0, $0xA;
	s2 =	sadd.s32 s3, s2  }
0x8d: {  	s2 =	sadd.s32 s2, s16  }
0x8e: {  	[smem:$0x3FB9] =	sst s2  }
0x8f: {  	_ = 	snop  }
0x90: {  	(tm) =	ssettm $0x1  }
0x91: {  	s17 =	sld [smem:$0x3FFB];
	_ =	sdelay $0x3  }
0x92: {  	_ =	strace s17  }
0x93: {  	s2 =	sld [smem:$0x3FFC];
	_ =	sdelay $0x3  }
0x94: {  	_ =	strace s2  }
0x95: {  	s2 =	sld [smem:$0x3FFD];
	_ =	sdelay $0x3  }
0x96: {  	_ =	strace s2  }
0x97: {  	_ =	strace $0x8FFFFFFF  }
0x98: {  	s18 =	sld [smem:$0x3FDB];
	_ =	sdelay $0x1  }
0x99: {  	s19 =	simm.s32 $_scs_section_size  }
0x9a: {  	s4 =	simm.s32 $_size__tile_overlayer_lowered;
	s5 =	simm.s32 $_tile_overlayer_lowered  }
0x9b: {  	s22 =	simm.s32 $0x1BFF;
	s21 =	sshll.u32 s5, $0x1;
	s2 =	sadd.s32 s19, s18  }
0x9c: {  	s6 =	simm.s32 $0x0;
	s20 =	sshll.u32 s4, $0x1;
	s4 =	sadd.s32 s21, s2  }
0x9d: {  	[timem:s6], [sflag:s22] =	dma.local [hbm:s4], s20  }
0x9e: {  	_ =	swait.ge [sflag:s22], s20  }
0x9f: {  	s3 =	ssub.s32 $0x0, s20;
	[sflag:s22] =	ssyncset.done $0x0  }
0xa0: {  	[sflag:s22] =	ssyncadd.s32 s3;
	_ =	sdelay $0x1  }
0xa1: {  	s23 =	simm.s32 $0x1B8B  }
0xa2: {  	_ =	swait.ge [sflag:s23], $0x1  }
0xa3: {  	[sflag:s23] =	ssyncset.done $0x0  }
0xa4: {  	s25 =	simm.s32 $0x1B8E;
	s24 =	sld [smem:$0x3FFE];
	[sflag:s23] =	ssyncadd.s32 $0xFFFFFFFF  }
0xa5: {  	s26 =	simm.s32 $execute0_lowered;
	[smem:$0x3FD2] =	sst s25  }
0xa6: {  	s4 =	sshll.u32 s26, $0x1;
	_ =	strace $0x8000004C;
	[dreg:$0x1] =	wrdreg $0xFFFFFFFF  }
0xa7: {  	s28 =	simm.s32 $_size_execute0_lowered;
	s2 =	sadd.s32 s2, s4;
	[dreg:$0x0] =	wrdreg $0x0  }
0xa8: {  	s4 =	sshll.u32 s28, $0x1;
	[dreg:$0x2] =	wrdreg s2  }
0xa9: {  	[dreg:$0x3] =	wrdreg s4  }
0xaa: {  	[dreg:$0x4] =	wrdreg $0xC0  }
0xab: {  	_ =	task [dreg:s6], $0x5FFFF  }
0xac: {  	[dreg:$0x1] =	wrdreg $0xFFFFFFFF  }
0xad: {  	[dreg:$0x0] =	wrdreg $0x60  }
0xae: {  	[dreg:$0x2] =	wrdreg s24  }
0xaf: {  	[dreg:$0x3] =	wrdreg $0xA8000  }
0xb0: {  	[dreg:$0x4] =	wrdreg $0x9  }
0xb1: {  	_ =	task.clear_ibuf [dreg:s6], $0x5FFFF;
	_ =	strace $0x9000004C  }
0xb2: {  	s29 =	simm.s32 $0x9;
	_ =	strace $0x8000004E  }
0xb3: {  	_ =	swait.ge [sflag:s29], $0x1  }
0xb4: {  	[sflag:s29] =	ssyncadd.s32 $0xFFFFFFFF  }
0xb5: {  	_ =	strace $0x9000004E  }
0xb6: {  	_ =	sfence  }
0xb7: {  	s30 =	sld [smem:$0x0];
	_ =	sdelay $0x2  }
0xb8: {  	s31 =	sshll.u32 s1, $0xD;
	s1 =	sshrl.u32 s1, $0x2  }
0xb9: {  	s3 =	sand.u32 $0x4000, s31;
	s1 =	sadd.s32 s1, s30  }
0xba: {  	s0 =	sor.u32 s3, s0;
	s1 =	sshll.u32 s1, $0x11  }
0xbb: {  	s0 =	sor.u32 s1, s0  }
0xbc: {  	s0 =	sadd.s32 $0x8F2B, s0  }
0xbd: {  	[sflag:s0] =	ssyncadd.remote.s32 $0x1  }
0xbe: {  	_ =	sfence.sel $0xFFFF  }
0xbf: {  	[dreg:$0x0] =	wrdreg $0xFFFFFFFF;
	(pc) =	sbr.abs _section_cstart, $3  }
0xc0: {  	[dreg:$0x1] =	wrdreg $0xFFFFFFFF  }
0xc1: {  	_ =	task.clear_ibuf [dreg:s6], $0x2FFFF;
	_ =	strace $0x9FFFFFFF  }
0xc2: {  	(tm) =	ssettm $0x7FFFFFFF  }
0xc3: {  	_ =	shalt  }
tec
execute0_lowered:
.L_overlay_start_1:
0x0: {  	(tag) =	ssettag $0x1  }
0x1: {  	s5 =	rddreg [dreg:$0x0]  }
0x2: {  	s2 =	rddreg [dreg:$0x1]  }
0x3: {  	s0 =	rddreg [dreg:$0x2]  }
0x4: {  	s3 =	simm.s32 $0x0;
	s1 =	stileid.u32;
	s4 =	srdreg.scid  }
0x5: {  	s19 =	simm.s32 $0x1400;
	s20 =	simm.s32 $0x80;
	s21 =	simm.s32 $0x2800  }
0x6: {  	s22 =	simm.s32 $0x6800;
	s23 =	simm.s32 $0x1;
	s6 =	smul.u32 $0x13C00, s1  }
0x7: {  	s24 =	simm.s32 $0x2;
	[smem:$0x7FF] =	sst s3;
	s9 =	smul.u32 $0x4F000, s1  }
0x8: {  	s7 =	sand.u32 $0x1, s4;
	s4 =	sadd.s32 $0x3F600, s5;
	s11 =	smul.u32 $0x5000, s1  }
0x9: {  	s13 =	sadd.s32 $0x8E800, s5;
	s14 =	sadd.s32 $0xA2800, s5;
	s8 =	smul.u32 $0x13C000, s7  }
0xa: {  	s30 =	sshll.u32 s1, $0x6;
	s25 =	smul.u32 $0x50000, s7;
	s7 =	ssub.s32 $0x2, s7  }
0xb: {  	_ =	strace $0x8000004D;
	s10 =	sshrl.u32 s6, $0x3;
	s26 =	sshrl.u32 s7, $0x1  }
0xc: {  	s28 =	sshrl.u32 s9, $0x2;
	s6 =	sadd.s32 s6, s8;
	s10 =	sadd.s32 s10, s5  }
0xd: {  	s16 =	ssub.s32 s7, s26;
	s29 =	sadd.s32 s11, s25;
	s17 =	sadd.s32 s28, s2  }
0xe: {  	s25 =	simm.s32 $0x0;
	s6 =	sshrl.u32 s6, $0x3;
	s11 =	sshrl.u32 s29, $0x3  }
0xf: {  	s16 =	smax.u32 s16, $0x1;
	s17 =	sshrl.u32 s17, $0x3;
	s15 =	sadd.s32 s6, s5  }
0x10: {  	s5 =	sadd.s32 $0x17E00, s10;
	s6 =	sor.u32 $0x1C03, s30;
	s31 =	sadd.s32 $0x280, s11  }
0x11: {  	s7 =	sadd.s32 s13, s11;
	s8 =	sadd.s32 s14, s11;
	s12 =	sadd.s32 $0x500, s11  }
0x12: {  	s18 =	sadd.s32 $0x780, s11;
	s9 =	sadd.s32 s13, s31;
	s10 =	sadd.s32 s14, s31  }
0x13: {  	s11 =	sadd.s32 s13, s12;
	s12 =	sadd.s32 s14, s12;
	s13 =	sadd.s32 s13, s18  }
0x14: {  	s14 =	sadd.s32 s14, s18;
	s15 =	sadd.s32 $0xB6800, s15;
	s18 =	simm.s32 $0x3  }
.LBB2_1:
0x15: {  	[spmem:s17], [sflag:s6] =	dma.local [hbm:s5], $0x2780  }
0x16: {  	_ =	swait.ge [sflag:s18], $0x2780  }
0x17: {  	[sflag:s18] =	ssyncset.done $0x0  }
0x18: {  	[sflag:s18] =	ssyncadd.s32 $0xFFFFD880  }
0x19: {  	[bflag:$0x0] =	sbarrier.arrive $0xFFFF  }
0x1a: {  	[tilespmem:s3], [sflag:$0x3] =	stream.linear.gather [hbm4b:s7+s3], $0x1400, $0x38;
	[tilespmem:$0x1E400] =	vst v63  }
0x1b: {  	_ =	swait.ge [sflag:s18], $0x1400  }
0x1c: {  	[sflag:s18] =	ssyncset.done $0x0  }
0x1d: {  	[sflag:s18] =	ssyncadd.s32 $0xFFFFEC00  }
0x1e: {  	[tilespmem:s19], [sflag:$0x3] =	stream.linear.gather [hbm4b:s8+s3], $0x1400, $0x38;
	[tilespmem:$0x1E400] =	vst v63  }
0x1f: {  	_ =	swait.ge [sflag:s18], $0x1400  }
0x20: {  	[sflag:s18] =	ssyncset.done $0x0  }
0x21: {  	s26 =	simm.s32 $0x0;
	[sflag:s18] =	ssyncadd.s32 $0xFFFFEC00  }
0x22: {  	[tilespmem:s21], [sflag:$0x1] =	stream.indirect.gather [hbm4b:s4+s20], $0x80, s26, s20, $0xb8;
	[tilespmem:$0x1E400] =	vst v63  }
0x23: {  	s29 =	simm.s32 $0x80  }
0x24: {  	[tilespmem:s22], [sflag:$0x2] =	stream.indirect.gather [hbm4b:s4+s20], $0x80, s29, s20, $0xb8;
	[tilespmem:$0x1E400] =	vst v63  }
0x25: {  	_ =	swait.ge [sflag:s23], $0x4000  }
0x26: {  	[sflag:s23] =	ssyncset.done $0x0  }
0x27: {  	s30 =	simm.s32 $0x1400;
	[sflag:s23] =	ssyncadd.s32 $0xFFFFC000  }
0x28: {  	[spmem:s2] =	stream.indirect.scatter.add.f32 [tilespmem:s21], [sflag:$0x3], $0x80, s30, s20, $0xb8;
	[tilespmem:$0x1E400] =	vst v63  }
0x29: {  	_ =	swait.ge [sflag:s18], $0x4000  }
0x2a: {  	[sflag:s18] =	ssyncset.done $0x0  }
0x2b: {  	[sflag:s18] =	ssyncadd.s32 $0xFFFFC000  }
0x2c: {  	_ =	swait.ge [sflag:s24], $0x4000  }
0x2d: {  	[sflag:s24] =	ssyncset.done $0x0  }
0x2e: {  	s31 =	simm.s32 $0x1480;
	[sflag:s24] =	ssyncadd.s32 $0xFFFFC000  }
0x2f: {  	[spmem:s2] =	stream.indirect.scatter.add.f32 [tilespmem:s22], [sflag:$0x3], $0x80, s31, s20, $0xb8;
	[tilespmem:$0x1E400] =	vst v63  }
0x30: {  	_ =	swait.ge [sflag:s18], $0x4000  }
0x31: {  	s28 =	simm.s32 $0x800;
	s26 =	simm.s32 $0x400;
	[sflag:s18] =	ssyncset.done $0x0  }
.LBB2_2:
0x32: {  	s29 =	sshra.s32 s26, $0x2  }
0x33: {  	[sflag:s18] =	ssyncadd.s32 $0xFFFFC000;
	s26 =	smov.u32 s28;
	s30 =	sadd.s32 $0x400, s28  }
0x34: {  	[tilespmem:s21], [sflag:$0x1] =	stream.indirect.gather [hbm4b:s4+s20], $0x80, s29, s20, $0xb8;
	[tilespmem:$0x1E400] =	vst v63  }
0x35: {  	p0 =	sne.s32 s28, $0x4C00;
	s28 =	sadd.s32 $0x80, s29  }
0x36: {  	[tilespmem:s22], [sflag:$0x2] =	stream.indirect.gather [hbm4b:s4+s20], $0x80, s28, s20, $0xb8;
	[tilespmem:$0x1E400] =	vst v63  }
0x37: {  	_ =	swait.ge [sflag:s23], $0x4000  }
0x38: {  	[sflag:s23] =	ssyncset.done $0x0  }
0x39: {  	s28 =	sadd.s32 $0x1400, s29;
	[sflag:s23] =	ssyncadd.s32 $0xFFFFC000  }
0x3a: {  	[spmem:s2] =	stream.indirect.scatter.add.f32 [tilespmem:s21], [sflag:$0x3], $0x80, s28, s20, $0xb8;
	[tilespmem:$0x1E400] =	vst v63  }
0x3b: {  	_ =	swait.ge [sflag:s18], $0x4000  }
0x3c: {  	[sflag:s18] =	ssyncset.done $0x0  }
0x3d: {  	[sflag:s18] =	ssyncadd.s32 $0xFFFFC000  }
0x3e: {  	_ =	swait.ge [sflag:s24], $0x4000  }
.Ltmp0:
0x3f: {  	[sflag:s24] =	ssyncset.done $0x0;
	(pc) =	sbr.rel @p0 .LBB2_2-.Ltmp0, $4  }
0x40: {  	s28 =	sadd.s32 $0x1480, s29;
	[sflag:s24] =	ssyncadd.s32 $0xFFFFC000  }
0x41: {  	[spmem:s2] =	stream.indirect.scatter.add.f32 [tilespmem:s22], [sflag:$0x3], $0x80, s28, s20, $0xb8;
	[tilespmem:$0x1E400] =	vst v63  }
0x42: {  	_ =	swait.ge [sflag:s18], $0x4000  }
0x43: {  	s28 =	smov.u32 s30;
	[sflag:s18] =	ssyncset.done $0x0  }
0x44: {  	s26 =	sshra.s32 s26, $0x2;
	[sflag:s18] =	ssyncadd.s32 $0xFFFFC000  }
0x45: {  	[tilespmem:s21], [sflag:$0x1] =	stream.indirect.gather [hbm4b:s4+s20], $0x80, s26, s20, $0xb8;
	[tilespmem:$0x1E400] =	vst v63  }
0x46: {  	s28 =	sadd.s32 $0x80, s26  }
0x47: {  	[tilespmem:s22], [sflag:$0x2] =	stream.indirect.gather [hbm4b:s4+s20], $0x80, s28, s20, $0xb8;
	[tilespmem:$0x1E400] =	vst v63  }
0x48: {  	_ =	swait.ge [sflag:s23], $0x4000  }
0x49: {  	[sflag:s23] =	ssyncset.done $0x0  }
0x4a: {  	s28 =	sadd.s32 $0x1400, s26;
	[sflag:s23] =	ssyncadd.s32 $0xFFFFC000  }
0x4b: {  	[spmem:s2] =	stream.indirect.scatter.add.f32 [tilespmem:s21], [sflag:$0x3], $0x80, s28, s20, $0xb8;
	[tilespmem:$0x1E400] =	vst v63  }
0x4c: {  	_ =	swait.ge [sflag:s18], $0x4000  }
0x4d: {  	[sflag:s18] =	ssyncset.done $0x0  }
0x4e: {  	[sflag:s18] =	ssyncadd.s32 $0xFFFFC000  }
0x4f: {  	_ =	swait.ge [sflag:s24], $0x4000  }
0x50: {  	[sflag:s24] =	ssyncset.done $0x0  }
0x51: {  	s26 =	sadd.s32 $0x1480, s26;
	[sflag:s24] =	ssyncadd.s32 $0xFFFFC000  }
0x52: {  	[spmem:s2] =	stream.indirect.scatter.add.f32 [tilespmem:s22], [sflag:$0x3], $0x80, s26, s20, $0xb8;
	[tilespmem:$0x1E400] =	vst v63  }
0x53: {  	_ =	swait.ge [sflag:s18], $0x4000  }
0x54: {  	[sflag:s18] =	ssyncset.done $0x0  }
0x55: {  	s30 =	simm.s32 $0x0;
	[sflag:s18] =	ssyncadd.s32 $0xFFFFC000  }
0x56: {  	[tilespmem:s30], [sflag:$0x3] =	stream.linear.gather [hbm4b:s9+s30], $0x1400, $0x38;
	[tilespmem:$0x1E400] =	vst v63  }
0x57: {  	_ =	swait.ge [sflag:s18], $0x1400  }
0x58: {  	[sflag:s18] =	ssyncset.done $0x0  }
0x59: {  	[sflag:s18] =	ssyncadd.s32 $0xFFFFEC00  }
0x5a: {  	[tilespmem:s19], [sflag:$0x3] =	stream.linear.gather [hbm4b:s10+s30], $0x1400, $0x38;
	[tilespmem:$0x1E400] =	vst v63  }
0x5b: {  	_ =	swait.ge [sflag:s18], $0x1400  }
0x5c: {  	[sflag:s18] =	ssyncset.done $0x0  }
0x5d: {  	s31 =	simm.s32 $0x0;
	[sflag:s18] =	ssyncadd.s32 $0xFFFFEC00  }
0x5e: {  	[tilespmem:s21], [sflag:$0x1] =	stream.indirect.gather [hbm4b:s4+s20], $0x80, s31, s20, $0xb8;
	[tilespmem:$0x1E400] =	vst v63  }
0x5f: {  	s29 =	simm.s32 $0x80  }
0x60: {  	[tilespmem:s22], [sflag:$0x2] =	stream.indirect.gather [hbm4b:s4+s20], $0x80, s29, s20, $0xb8;
	[tilespmem:$0x1E400] =	vst v63  }
0x61: {  	_ =	swait.ge [sflag:s23], $0x4000  }
0x62: {  	[sflag:s23] =	ssyncset.done $0x0  }
0x63: {  	s30 =	simm.s32 $0x1400;
	[sflag:s23] =	ssyncadd.s32 $0xFFFFC000  }
0x64: {  	[spmem:s2] =	stream.indirect.scatter.add.f32 [tilespmem:s21], [sflag:$0x3], $0x80, s30, s20, $0xb8;
	[tilespmem:$0x1E400] =	vst v63  }
0x65: {  	_ =	swait.ge [sflag:s18], $0x4000  }
0x66: {  	[sflag:s18] =	ssyncset.done $0x0  }
0x67: {  	[sflag:s18] =	ssyncadd.s32 $0xFFFFC000  }
0x68: {  	_ =	swait.ge [sflag:s24], $0x4000  }
0x69: {  	[sflag:s24] =	ssyncset.done $0x0  }
0x6a: {  	s31 =	simm.s32 $0x1480;
	[sflag:s24] =	ssyncadd.s32 $0xFFFFC000  }
0x6b: {  	[spmem:s2] =	stream.indirect.scatter.add.f32 [tilespmem:s22], [sflag:$0x3], $0x80, s31, s20, $0xb8;
	[tilespmem:$0x1E400] =	vst v63  }
0x6c: {  	_ =	swait.ge [sflag:s18], $0x4000  }
0x6d: {  	s28 =	simm.s32 $0x800;
	s26 =	simm.s32 $0x400;
	[sflag:s18] =	ssyncset.done $0x0  }
.LBB2_4:
0x6e: {  	s29 =	sshra.s32 s26, $0x2  }
0x6f: {  	[sflag:s18] =	ssyncadd.s32 $0xFFFFC000;
	s26 =	smov.u32 s28;
	s30 =	sadd.s32 $0x400, s28  }
0x70: {  	[tilespmem:s21], [sflag:$0x1] =	stream.indirect.gather [hbm4b:s4+s20], $0x80, s29, s20, $0xb8;
	[tilespmem:$0x1E400] =	vst v63  }
0x71: {  	p0 =	sne.s32 s28, $0x4C00;
	s28 =	sadd.s32 $0x80, s29  }
0x72: {  	[tilespmem:s22], [sflag:$0x2] =	stream.indirect.gather [hbm4b:s4+s20], $0x80, s28, s20, $0xb8;
	[tilespmem:$0x1E400] =	vst v63  }
0x73: {  	_ =	swait.ge [sflag:s23], $0x4000  }
0x74: {  	[sflag:s23] =	ssyncset.done $0x0  }
0x75: {  	s28 =	sadd.s32 $0x1400, s29;
	[sflag:s23] =	ssyncadd.s32 $0xFFFFC000  }
0x76: {  	[spmem:s2] =	stream.indirect.scatter.add.f32 [tilespmem:s21], [sflag:$0x3], $0x80, s28, s20, $0xb8;
	[tilespmem:$0x1E400] =	vst v63  }
0x77: {  	_ =	swait.ge [sflag:s18], $0x4000  }
0x78: {  	[sflag:s18] =	ssyncset.done $0x0  }
0x79: {  	[sflag:s18] =	ssyncadd.s32 $0xFFFFC000  }
0x7a: {  	_ =	swait.ge [sflag:s24], $0x4000  }
.Ltmp1:
0x7b: {  	[sflag:s24] =	ssyncset.done $0x0;
	(pc) =	sbr.rel @p0 .LBB2_4-.Ltmp1, $4  }
0x7c: {  	s28 =	sadd.s32 $0x1480, s29;
	[sflag:s24] =	ssyncadd.s32 $0xFFFFC000  }
0x7d: {  	[spmem:s2] =	stream.indirect.scatter.add.f32 [tilespmem:s22], [sflag:$0x3], $0x80, s28, s20, $0xb8;
	[tilespmem:$0x1E400] =	vst v63  }
0x7e: {  	_ =	swait.ge [sflag:s18], $0x4000  }
0x7f: {  	s28 =	smov.u32 s30;
	[sflag:s18] =	ssyncset.done $0x0  }
0x80: {  	s26 =	sshra.s32 s26, $0x2;
	[sflag:s18] =	ssyncadd.s32 $0xFFFFC000  }
0x81: {  	[tilespmem:s21], [sflag:$0x1] =	stream.indirect.gather [hbm4b:s4+s20], $0x80, s26, s20, $0xb8;
	[tilespmem:$0x1E400] =	vst v63  }
0x82: {  	s28 =	sadd.s32 $0x80, s26  }
0x83: {  	[tilespmem:s22], [sflag:$0x2] =	stream.indirect.gather [hbm4b:s4+s20], $0x80, s28, s20, $0xb8;
	[tilespmem:$0x1E400] =	vst v63  }
0x84: {  	_ =	swait.ge [sflag:s23], $0x4000  }
0x85: {  	[sflag:s23] =	ssyncset.done $0x0  }
0x86: {  	s28 =	sadd.s32 $0x1400, s26;
	[sflag:s23] =	ssyncadd.s32 $0xFFFFC000  }
0x87: {  	[spmem:s2] =	stream.indirect.scatter.add.f32 [tilespmem:s21], [sflag:$0x3], $0x80, s28, s20, $0xb8;
	[tilespmem:$0x1E400] =	vst v63  }
0x88: {  	_ =	swait.ge [sflag:s18], $0x4000  }
0x89: {  	[sflag:s18] =	ssyncset.done $0x0  }
0x8a: {  	[sflag:s18] =	ssyncadd.s32 $0xFFFFC000  }
0x8b: {  	_ =	swait.ge [sflag:s24], $0x4000  }
0x8c: {  	[sflag:s24] =	ssyncset.done $0x0  }
0x8d: {  	s26 =	sadd.s32 $0x1480, s26;
	[sflag:s24] =	ssyncadd.s32 $0xFFFFC000  }
0x8e: {  	[spmem:s2] =	stream.indirect.scatter.add.f32 [tilespmem:s22], [sflag:$0x3], $0x80, s26, s20, $0xb8;
	[tilespmem:$0x1E400] =	vst v63  }
0x8f: {  	_ =	swait.ge [sflag:s18], $0x4000  }
0x90: {  	[sflag:s18] =	ssyncset.done $0x0  }
0x91: {  	s30 =	simm.s32 $0x0;
	[sflag:s18] =	ssyncadd.s32 $0xFFFFC000  }
0x92: {  	[tilespmem:s30], [sflag:$0x3] =	stream.linear.gather [hbm4b:s11+s30], $0x1400, $0x38;
	[tilespmem:$0x1E400] =	vst v63  }
0x93: {  	_ =	swait.ge [sflag:s18], $0x1400  }
0x94: {  	[sflag:s18] =	ssyncset.done $0x0  }
0x95: {  	[sflag:s18] =	ssyncadd.s32 $0xFFFFEC00  }
0x96: {  	[tilespmem:s19], [sflag:$0x3] =	stream.linear.gather [hbm4b:s12+s30], $0x1400, $0x38;
	[tilespmem:$0x1E400] =	vst v63  }
0x97: {  	_ =	swait.ge [sflag:s18], $0x1400  }
0x98: {  	[sflag:s18] =	ssyncset.done $0x0  }
0x99: {  	s31 =	simm.s32 $0x0;
	[sflag:s18] =	ssyncadd.s32 $0xFFFFEC00  }
0x9a: {  	[tilespmem:s21], [sflag:$0x1] =	stream.indirect.gather [hbm4b:s4+s20], $0x80, s31, s20, $0xb8;
	[tilespmem:$0x1E400] =	vst v63  }
0x9b: {  	s29 =	simm.s32 $0x80  }
0x9c: {  	[tilespmem:s22], [sflag:$0x2] =	stream.indirect.gather [hbm4b:s4+s20], $0x80, s29, s20, $0xb8;
	[tilespmem:$0x1E400] =	vst v63  }
0x9d: {  	_ =	swait.ge [sflag:s23], $0x4000  }
0x9e: {  	[sflag:s23] =	ssyncset.done $0x0  }
0x9f: {  	s30 =	simm.s32 $0x1400;
	[sflag:s23] =	ssyncadd.s32 $0xFFFFC000  }
0xa0: {  	[spmem:s2] =	stream.indirect.scatter.add.f32 [tilespmem:s21], [sflag:$0x3], $0x80, s30, s20, $0xb8;
	[tilespmem:$0x1E400] =	vst v63  }
0xa1: {  	_ =	swait.ge [sflag:s18], $0x4000  }
0xa2: {  	[sflag:s18] =	ssyncset.done $0x0  }
0xa3: {  	[sflag:s18] =	ssyncadd.s32 $0xFFFFC000  }
0xa4: {  	_ =	swait.ge [sflag:s24], $0x4000  }
0xa5: {  	[sflag:s24] =	ssyncset.done $0x0  }
0xa6: {  	s31 =	simm.s32 $0x1480;
	[sflag:s24] =	ssyncadd.s32 $0xFFFFC000  }
0xa7: {  	[spmem:s2] =	stream.indirect.scatter.add.f32 [tilespmem:s22], [sflag:$0x3], $0x80, s31, s20, $0xb8;
	[tilespmem:$0x1E400] =	vst v63  }
0xa8: {  	_ =	swait.ge [sflag:s18], $0x4000  }
0xa9: {  	s28 =	simm.s32 $0x800;
	s26 =	simm.s32 $0x400;
	[sflag:s18] =	ssyncset.done $0x0  }
.LBB2_6:
0xaa: {  	s29 =	sshra.s32 s26, $0x2  }
0xab: {  	[sflag:s18] =	ssyncadd.s32 $0xFFFFC000;
	s26 =	smov.u32 s28;
	s30 =	sadd.s32 $0x400, s28  }
0xac: {  	[tilespmem:s21], [sflag:$0x1] =	stream.indirect.gather [hbm4b:s4+s20], $0x80, s29, s20, $0xb8;
	[tilespmem:$0x1E400] =	vst v63  }
0xad: {  	p0 =	sne.s32 s28, $0x4C00;
	s28 =	sadd.s32 $0x80, s29  }
0xae: {  	[tilespmem:s22], [sflag:$0x2] =	stream.indirect.gather [hbm4b:s4+s20], $0x80, s28, s20, $0xb8;
	[tilespmem:$0x1E400] =	vst v63  }
0xaf: {  	_ =	swait.ge [sflag:s23], $0x4000  }
0xb0: {  	[sflag:s23] =	ssyncset.done $0x0  }
0xb1: {  	s28 =	sadd.s32 $0x1400, s29;
	[sflag:s23] =	ssyncadd.s32 $0xFFFFC000  }
0xb2: {  	[spmem:s2] =	stream.indirect.scatter.add.f32 [tilespmem:s21], [sflag:$0x3], $0x80, s28, s20, $0xb8;
	[tilespmem:$0x1E400] =	vst v63  }
0xb3: {  	_ =	swait.ge [sflag:s18], $0x4000  }
0xb4: {  	[sflag:s18] =	ssyncset.done $0x0  }
0xb5: {  	[sflag:s18] =	ssyncadd.s32 $0xFFFFC000  }
0xb6: {  	_ =	swait.ge [sflag:s24], $0x4000  }
.Ltmp2:
0xb7: {  	[sflag:s24] =	ssyncset.done $0x0;
	(pc) =	sbr.rel @p0 .LBB2_6-.Ltmp2, $4  }
0xb8: {  	s28 =	sadd.s32 $0x1480, s29;
	[sflag:s24] =	ssyncadd.s32 $0xFFFFC000  }
0xb9: {  	[spmem:s2] =	stream.indirect.scatter.add.f32 [tilespmem:s22], [sflag:$0x3], $0x80, s28, s20, $0xb8;
	[tilespmem:$0x1E400] =	vst v63  }
0xba: {  	_ =	swait.ge [sflag:s18], $0x4000  }
0xbb: {  	s28 =	smov.u32 s30;
	[sflag:s18] =	ssyncset.done $0x0  }
0xbc: {  	s26 =	sshra.s32 s26, $0x2;
	[sflag:s18] =	ssyncadd.s32 $0xFFFFC000  }
0xbd: {  	[tilespmem:s21], [sflag:$0x1] =	stream.indirect.gather [hbm4b:s4+s20], $0x80, s26, s20, $0xb8;
	[tilespmem:$0x1E400] =	vst v63  }
0xbe: {  	s28 =	sadd.s32 $0x80, s26  }
0xbf: {  	[tilespmem:s22], [sflag:$0x2] =	stream.indirect.gather [hbm4b:s4+s20], $0x80, s28, s20, $0xb8;
	[tilespmem:$0x1E400] =	vst v63  }
0xc0: {  	_ =	swait.ge [sflag:s23], $0x4000  }
0xc1: {  	[sflag:s23] =	ssyncset.done $0x0  }
0xc2: {  	s28 =	sadd.s32 $0x1400, s26;
	[sflag:s23] =	ssyncadd.s32 $0xFFFFC000  }
0xc3: {  	[spmem:s2] =	stream.indirect.scatter.add.f32 [tilespmem:s21], [sflag:$0x3], $0x80, s28, s20, $0xb8;
	[tilespmem:$0x1E400] =	vst v63  }
0xc4: {  	_ =	swait.ge [sflag:s18], $0x4000  }
0xc5: {  	[sflag:s18] =	ssyncset.done $0x0  }
0xc6: {  	[sflag:s18] =	ssyncadd.s32 $0xFFFFC000  }
0xc7: {  	_ =	swait.ge [sflag:s24], $0x4000  }
0xc8: {  	[sflag:s24] =	ssyncset.done $0x0  }
0xc9: {  	s26 =	sadd.s32 $0x1480, s26;
	[sflag:s24] =	ssyncadd.s32 $0xFFFFC000  }
0xca: {  	[spmem:s2] =	stream.indirect.scatter.add.f32 [tilespmem:s22], [sflag:$0x3], $0x80, s26, s20, $0xb8;
	[tilespmem:$0x1E400] =	vst v63  }
0xcb: {  	_ =	swait.ge [sflag:s18], $0x4000  }
0xcc: {  	[sflag:s18] =	ssyncset.done $0x0  }
0xcd: {  	s30 =	simm.s32 $0x0;
	[sflag:s18] =	ssyncadd.s32 $0xFFFFC000  }
0xce: {  	[tilespmem:s30], [sflag:$0x3] =	stream.linear.gather [hbm4b:s13+s30], $0x1400, $0x38;
	[tilespmem:$0x1E400] =	vst v63  }
0xcf: {  	_ =	swait.ge [sflag:s18], $0x1400  }
0xd0: {  	[sflag:s18] =	ssyncset.done $0x0  }
0xd1: {  	[sflag:s18] =	ssyncadd.s32 $0xFFFFEC00  }
0xd2: {  	[tilespmem:s19], [sflag:$0x3] =	stream.linear.gather [hbm4b:s14+s30], $0x1400, $0x38;
	[tilespmem:$0x1E400] =	vst v63  }
0xd3: {  	_ =	swait.ge [sflag:s18], $0x1400  }
0xd4: {  	[sflag:s18] =	ssyncset.done $0x0  }
0xd5: {  	s31 =	simm.s32 $0x0;
	[sflag:s18] =	ssyncadd.s32 $0xFFFFEC00  }
0xd6: {  	[tilespmem:s21], [sflag:$0x1] =	stream.indirect.gather [hbm4b:s4+s20], $0x80, s31, s20, $0xb8;
	[tilespmem:$0x1E400] =	vst v63  }
0xd7: {  	s29 =	simm.s32 $0x80  }
0xd8: {  	[tilespmem:s22], [sflag:$0x2] =	stream.indirect.gather [hbm4b:s4+s20], $0x80, s29, s20, $0xb8;
	[tilespmem:$0x1E400] =	vst v63  }
0xd9: {  	_ =	swait.ge [sflag:s23], $0x4000  }
0xda: {  	[sflag:s23] =	ssyncset.done $0x0  }
0xdb: {  	s30 =	simm.s32 $0x1400;
	[sflag:s23] =	ssyncadd.s32 $0xFFFFC000  }
0xdc: {  	[spmem:s2] =	stream.indirect.scatter.add.f32 [tilespmem:s21], [sflag:$0x3], $0x80, s30, s20, $0xb8;
	[tilespmem:$0x1E400] =	vst v63  }
0xdd: {  	_ =	swait.ge [sflag:s18], $0x4000  }
0xde: {  	[sflag:s18] =	ssyncset.done $0x0  }
0xdf: {  	[sflag:s18] =	ssyncadd.s32 $0xFFFFC000  }
0xe0: {  	_ =	swait.ge [sflag:s24], $0x4000  }
0xe1: {  	[sflag:s24] =	ssyncset.done $0x0  }
0xe2: {  	s31 =	simm.s32 $0x1480;
	[sflag:s24] =	ssyncadd.s32 $0xFFFFC000  }
0xe3: {  	[spmem:s2] =	stream.indirect.scatter.add.f32 [tilespmem:s22], [sflag:$0x3], $0x80, s31, s20, $0xb8;
	[tilespmem:$0x1E400] =	vst v63  }
0xe4: {  	_ =	swait.ge [sflag:s18], $0x4000  }
0xe5: {  	s28 =	simm.s32 $0x800;
	s26 =	simm.s32 $0x400;
	[sflag:s18] =	ssyncset.done $0x0  }
.LBB2_8:
0xe6: {  	s29 =	sshra.s32 s26, $0x2  }
0xe7: {  	[sflag:s18] =	ssyncadd.s32 $0xFFFFC000;
	s26 =	smov.u32 s28;
	s30 =	sadd.s32 $0x400, s28  }
0xe8: {  	[tilespmem:s21], [sflag:$0x1] =	stream.indirect.gather [hbm4b:s4+s20], $0x80, s29, s20, $0xb8;
	[tilespmem:$0x1E400] =	vst v63  }
0xe9: {  	p0 =	sne.s32 s28, $0x4C00;
	s28 =	sadd.s32 $0x80, s29  }
0xea: {  	[tilespmem:s22], [sflag:$0x2] =	stream.indirect.gather [hbm4b:s4+s20], $0x80, s28, s20, $0xb8;
	[tilespmem:$0x1E400] =	vst v63  }
0xeb: {  	_ =	swait.ge [sflag:s23], $0x4000  }
0xec: {  	[sflag:s23] =	ssyncset.done $0x0  }
0xed: {  	s28 =	sadd.s32 $0x1400, s29;
	[sflag:s23] =	ssyncadd.s32 $0xFFFFC000  }
0xee: {  	[spmem:s2] =	stream.indirect.scatter.add.f32 [tilespmem:s21], [sflag:$0x3], $0x80, s28, s20, $0xb8;
	[tilespmem:$0x1E400] =	vst v63  }
0xef: {  	_ =	swait.ge [sflag:s18], $0x4000  }
0xf0: {  	[sflag:s18] =	ssyncset.done $0x0  }
0xf1: {  	[sflag:s18] =	ssyncadd.s32 $0xFFFFC000  }
0xf2: {  	_ =	swait.ge [sflag:s24], $0x4000  }
.Ltmp3:
0xf3: {  	[sflag:s24] =	ssyncset.done $0x0;
	(pc) =	sbr.rel @p0 .LBB2_8-.Ltmp3, $4  }
0xf4: {  	s28 =	sadd.s32 $0x1480, s29;
	[sflag:s24] =	ssyncadd.s32 $0xFFFFC000  }
0xf5: {  	[spmem:s2] =	stream.indirect.scatter.add.f32 [tilespmem:s22], [sflag:$0x3], $0x80, s28, s20, $0xb8;
	[tilespmem:$0x1E400] =	vst v63  }
0xf6: {  	_ =	swait.ge [sflag:s18], $0x4000  }
0xf7: {  	s28 =	smov.u32 s30;
	[sflag:s18] =	ssyncset.done $0x0  }
0xf8: {  	s26 =	sshra.s32 s26, $0x2;
	[sflag:s18] =	ssyncadd.s32 $0xFFFFC000  }
0xf9: {  	[tilespmem:s21], [sflag:$0x1] =	stream.indirect.gather [hbm4b:s4+s20], $0x80, s26, s20, $0xb8;
	[tilespmem:$0x1E400] =	vst v63  }
0xfa: {  	s28 =	sadd.s32 $0x80, s26  }
0xfb: {  	[tilespmem:s22], [sflag:$0x2] =	stream.indirect.gather [hbm4b:s4+s20], $0x80, s28, s20, $0xb8;
	[tilespmem:$0x1E400] =	vst v63  }
0xfc: {  	_ =	swait.ge [sflag:s23], $0x4000  }
0xfd: {  	[sflag:s23] =	ssyncset.done $0x0  }
0xfe: {  	s31 =	sadd.s32 $0x1400, s26;
	[sflag:s23] =	ssyncadd.s32 $0xFFFFC000  }
0xff: {  	[spmem:s2] =	stream.indirect.scatter.add.f32 [tilespmem:s21], [sflag:$0x3], $0x80, s31, s20, $0xb8;
	[tilespmem:$0x1E400] =	vst v63  }
0x100: {  	_ =	swait.ge [sflag:s18], $0x4000  }
0x101: {  	[sflag:s18] =	ssyncset.done $0x0  }
0x102: {  	[sflag:s18] =	ssyncadd.s32 $0xFFFFC000  }
0x103: {  	_ =	swait.ge [sflag:s24], $0x4000  }
0x104: {  	[sflag:s24] =	ssyncset.done $0x0  }
0x105: {  	s26 =	sadd.s32 $0x1480, s26;
	[sflag:s24] =	ssyncadd.s32 $0xFFFFC000  }
0x106: {  	[spmem:s2] =	stream.indirect.scatter.add.f32 [tilespmem:s22], [sflag:$0x3], $0x80, s26, s20, $0xb8;
	[tilespmem:$0x1E400] =	vst v63  }
0x107: {  	_ =	swait.ge [sflag:s18], $0x4000  }
0x108: {  	s25 =	sadd.s32 $0x1, s25;
	[sflag:s18] =	ssyncset.done $0x0  }
0x109: {  	p0 =	sne.s32 s25, s16;
	[sflag:s18] =	ssyncadd.s32 $0xFFFFC000  }
.Ltmp4:
0x10a: {  	[bflag:$0x0] =	sbarrier.arrive $0xFFFF;
	(pc) =	sbr.rel @p0 .LBB2_1-.Ltmp4, $4  }
0x10b: {  	[hbm:s15], [sflag:s6] =	dma.local [spmem:s17], $0x2780  }
0x10c: {  	_ =	swait.ge [sflag:s18], $0x2780  }
0x10d: {  	[sflag:s18] =	ssyncset.done $0x0  }
0x10e: {  	[sflag:s18] =	ssyncadd.s32 $0xFFFFD880  }
0x10f: {  	_ =	sfence.sel $0x180000  }
0x110: {  	[bflag:$0x0] =	sbarrier.arrive $0xFFFF  }
0x111: {  	p0 =	sne.s32 s1, $0x0;
	_ =	strace $0x9000004D  }
0x112: {  	s0 =	sadd.s32 @!p0 $0x100000, s0;
	[bflag:$0x2] =	sbarrier.arrive $0xFFFF  }
0x113: {  	[sflag:s0] =	ssyncadd.tile.s32 @!p0 $0x1;
	_ =	shalt  }
.Lfunc_end2:
_tile_overlayer_lowered:
.L_overlay_start_2:
0x114: {  	(tag) =	ssettag $0x2  }
0x115: {  	s0 =	rddreg [dreg:$0x0];
	s2 =	stileid.u32  }
0x116: {  	s1 =	rddreg [dreg:$0x1];
	p0 =	sne.s32 s2, $0x0  }
0x117: {  	s3 =	rddreg [dreg:$0x2];
	[bflag:$0x3] =	sbarrier.arrive $0xFFFF;
	s2 =	simm.s32 @!p0 $0x1C03  }
0x118: {  	[timem:s3], [sflag:s2] =	dma.local @!p0 [hbm:s0], s1  }
0x119: {  	s0 =	simm.s32 @!p0 $0x3  }
0x11a: {  	_ =	swait.ge @!p0 [sflag:s0], s1  }
0x11b: {  	s1 =	ssub.s32 @!p0 $0x0, s1;
	[sflag:s0] =	ssyncset.done @!p0 $0x0  }
0x11c: {  	[sflag:s0] =	ssyncadd.s32 @!p0 s1  }
0x11d: {  	[bflag:$0x3] =	sbarrier.arrive $0xFFFF  }
0x11e: {  	_ =	shalt  }

// kernel: kernel.9.cloned.1.call-start
scs
__scs_entry_jumppad:
0x0: {  	(pc) =	sbr.rel $0x88, $3  }
0x1: {  	(tag) =	ssettag $0x0;
	lr =	simm.s32 $0x1  }
0x2: {  	[smem:$0x3F92] =	sst lr;
	_ =	strace $0xD0000000  }
0x3: {  	_ = 	snop  }
0x4: {  	_ = 	snop  }
0x5: {  	_ = 	snop  }
0x6: {  	_ = 	snop  }
0x7: {  	_ = 	snop  }
__scs_overlays_trampoline_lowered:
0x8: {  	[smem:$0x3FA1] =	sst s0  }
0x9: {  	[smem:$0x3FA2] =	sst s1  }
0xa: {  	[smem:$0x3FA3] =	sst s2  }
0xb: {  	[smem:$0x3FA4] =	sst s3  }
0xc: {  	[smem:$0x3FA5] =	sst s4  }
0xd: {  	[smem:$0x3FA6] =	sst s5  }
0xe: {  	[smem:$0x3FA7] =	sst s6  }
0xf: {  	[smem:$0x3FA8] =	sst s7  }
0x10: {  	[smem:$0x3FA9] =	sst s8  }
0x11: {  	[smem:$0x3FAA] =	sst s9;
	s0 =	simm.s32 @!p0 $0x0  }
0x12: {  	s1 =	sld [smem:$0x3F90];
	s0 =	simm.s32 @p0 $0x1  }
0x13: {  	[smem:$0x3FAB] =	sst s0;
	s0 =	simm.s32 @!p1 $0x0  }
0x14: {  	s2 =	sld [smem:$0x3F8F];
	s0 =	simm.s32 @p1 $0x1  }
0x15: {  	[smem:$0x3FAC] =	sst s0;
	s0 =	simm.s32 @!p2 $0x0  }
0x16: {  	s3 =	sld [smem:$0x3FDB];
	s0 =	simm.s32 @p2 $0x1  }
0x17: {  	s4 =	simm.s32 $0x1BF5;
	[smem:$0x3FAE] =	sst s0  }
0x18: {  	s0 =	sld [smem:$0x3F91];
	_ =	swait.ge [sflag:s4], $0x0  }
0x19: {  	s7 =	sld [smem:$0x3F92]  }
0x1a: {  	s8 =	sadd.s32 $0xFFFFE003, lr  }
0x1b: {  	s9 =	sadd.s32 $0xFFFFFEF7, lr;
	s5 =	simm.s32 $0xFFFFFFFF;
	p2 =	slt.u32 s8, $0xFFFFF086  }
0x1c: {  	p1 =	slt.u32 s9, $0xF7A;
	s5 =	simm.s32 @!p2 $0x0  }
0x1d: {  	s5 =	simm.s32 @p1 $0x1;
	p0 =	seq.s32 s7, s2  }
0x1e: {  	s7 =	smul.u32 @!p0 $0xF7A, s2;
	p2 =	seq.s32 @!p0 s5, $0x0  }
0x1f: {  	s9 =	smul.u32 $0xF7A, s1;
	s8 =	simm.s32 @!p0 $0x1BF5;
	p2 =	por !p2, p0  }
0x20: {  	[sflag:s8] =	ssyncset.s32 @!p0 $0xFFFFF086;
	s6 =	sadd.s32 @!p0 s3, s7;
	s7 =	simm.s32 @!p0 $0x108  }
0x21: {  	s3 =	sadd.s32 s3, s9;
	s6 =	sadd.s32 @!p0 $0x88, s6;
	s7 =	simm.s32 @p2 $0x1082  }
0x22: {  	[simem:s7], [sflag:s8] =	dma.local @!p0 [hbm:s6], $0xF7A  }
0x23: {  	s9 =	sor.u32 $0xD0000000, s2;
	s6 =	simm.s32 $0x108;
	_ =	swait.ge @!p0 [sflag:s8], $0x0  }
0x24: {  	s3 =	sadd.s32 $0x88, s3;
	s6 =	simm.s32 @!p1 $0x1082;
	[sflag:s4] =	ssyncset.s32 $0xFFFFF086  }
0x25: {  	[simem:s6], [sflag:s4] =	dma.local [hbm:s3], $0xF7A  }
0x26: {  	[smem:$0x3F92] =	sst s1;
	(tag) =	ssettag s2;
	_ =	strace s9  }
0x27: {  	s1 =	sld [smem:$0x3FA2]  }
0x28: {  	s2 =	sld [smem:$0x3FA3]  }
0x29: {  	s4 =	sld [smem:$0x3FA5]  }
0x2a: {  	p0 =	seq.s32 s5, $0x0;
	s5 =	sld [smem:$0x3FA6]  }
0x2b: {  	s6 =	sld [smem:$0x3FA7]  }
0x2c: {  	s7 =	sld [smem:$0x3FA8]  }
0x2d: {  	s3 =	simm.s32 $0x108;
	s8 =	sld [smem:$0x3FA9]  }
0x2e: {  	s3 =	simm.s32 @!p0 $0x1082;
	s9 =	sld [smem:$0x3FAA]  }
0x2f: {  	lr =	sadd.s32 s0, s3;
	s0 =	sld [smem:$0x3FA1]  }
0x30: {  	s3 =	sld [smem:$0x3FA4]  }
0x31: {  	[smem:$0x3FAD] =	sst s10  }
0x32: {  	s10 =	sld [smem:$0x3FAB];
	_ =	sdelay $0x3  }
0x33: {  	p0 =	seq.s32 s10, $0x1;
	s10 =	sld [smem:$0x3FAD];
	_ =	sdelay $0x3  }
0x34: {  	[smem:$0x3FAD] =	sst s10  }
0x35: {  	s10 =	sld [smem:$0x3FAC];
	_ =	sdelay $0x3  }
0x36: {  	p1 =	seq.s32 s10, $0x1;
	s10 =	sld [smem:$0x3FAD];
	_ =	sdelay $0x3  }
0x37: {  	[smem:$0x3FAD] =	sst s10  }
0x38: {  	s10 =	sld [smem:$0x3FAE]  }
0x39: {  	_ = 	snop;
	(pc) =	sbr.ind lr, $3  }
0x3a: {  	_ = 	snop  }
0x3b: {  	_ = 	snop  }
0x3c: {  	p2 =	seq.s32 s10, $0x1;
	s10 =	sld [smem:$0x3FAD]  }
0x3d: {  	_ =	shalt  }
0x3e: {  	_ =	shalt  }
0x3f: {  	_ =	shalt  }
0x40: {  	_ =	shalt  }
0x41: {  	_ =	shalt  }
0x42: {  	_ =	shalt  }
0x43: {  	_ =	shalt  }
0x44: {  	_ =	shalt  }
0x45: {  	_ =	shalt  }
0x46: {  	_ =	shalt  }
0x47: {  	_ =	shalt  }
0x48: {  	_ =	shalt  }
0x49: {  	_ =	shalt  }
0x4a: {  	_ =	shalt  }
0x4b: {  	_ =	shalt  }
0x4c: {  	_ =	shalt  }
0x4d: {  	_ =	shalt  }
0x4e: {  	_ =	shalt  }
0x4f: {  	_ =	shalt  }
0x50: {  	_ =	shalt  }
0x51: {  	_ =	shalt  }
0x52: {  	_ =	shalt  }
0x53: {  	_ =	shalt  }
0x54: {  	_ =	shalt  }
0x55: {  	_ =	shalt  }
0x56: {  	_ =	shalt  }
0x57: {  	_ =	shalt  }
0x58: {  	_ =	shalt  }
0x59: {  	_ =	shalt  }
0x5a: {  	_ =	shalt  }
0x5b: {  	_ =	shalt  }
0x5c: {  	_ =	shalt  }
0x5d: {  	_ =	shalt  }
0x5e: {  	_ =	shalt  }
0x5f: {  	_ =	shalt  }
0x60: {  	_ =	shalt  }
0x61: {  	_ =	shalt  }
0x62: {  	_ =	shalt  }
0x63: {  	_ =	shalt  }
0x64: {  	_ =	shalt  }
0x65: {  	_ =	shalt  }
0x66: {  	_ =	shalt  }
0x67: {  	_ =	shalt  }
0x68: {  	_ =	shalt  }
0x69: {  	_ =	shalt  }
0x6a: {  	_ =	shalt  }
0x6b: {  	_ =	shalt  }
0x6c: {  	_ =	shalt  }
0x6d: {  	_ =	shalt  }
0x6e: {  	_ =	shalt  }
0x6f: {  	_ =	shalt  }
0x70: {  	_ =	shalt  }
0x71: {  	_ =	shalt  }
0x72: {  	_ =	shalt  }
0x73: {  	_ =	shalt  }
0x74: {  	_ =	shalt  }
0x75: {  	_ =	shalt  }
0x76: {  	_ =	shalt  }
0x77: {  	_ =	shalt  }
0x78: {  	_ =	shalt  }
0x79: {  	_ =	shalt  }
0x7a: {  	_ =	shalt  }
0x7b: {  	_ =	shalt  }
0x7c: {  	_ =	shalt  }
0x7d: {  	_ =	shalt  }
0x7e: {  	_ =	shalt  }
0x7f: {  	_ =	shalt  }
0x80: {  	_ =	shalt  }
0x81: {  	_ =	shalt  }
0x82: {  	_ =	shalt  }
0x83: {  	_ =	shalt  }
0x84: {  	_ =	shalt  }
0x85: {  	_ =	shalt  }
0x86: {  	_ =	shalt  }
0x87: {  	_ =	shalt  }
.Lfunc_end0:
.L_simem_size_0:
called_computation_lowered:
.L_overlay_start_0:
0x88: {  	s2 =	sld [smem:$0x3FD9]  }
0x89: {  	s3 =	sld [smem:$0x3FFE];
	_ =	sdelay $0x1  }
0x8a: {  	s1 =	srdreg.scid  }
0x8b: {  	s0 =	sand.u32 $0x1, s1  }
0x8c: {  	s17 =	sshll.u32 s0, $0xA;
	s2 =	sadd.s32 s3, s2  }
0x8d: {  	s2 =	sadd.s32 s2, s17  }
0x8e: {  	[smem:$0x3FB9] =	sst s2  }
0x8f: {  	_ = 	snop  }
0x90: {  	s2 =	sld [smem:$0x3FD0];
	(tm) =	ssettm $0x1  }
0x91: {  	s18 =	sld [smem:$0x3FFB];
	_ =	sdelay $0x3  }
0x92: {  	_ =	strace s18  }
0x93: {  	s3 =	sld [smem:$0x3FFC];
	_ =	sdelay $0x3  }
0x94: {  	_ =	strace s3  }
0x95: {  	s3 =	sld [smem:$0x3FFD];
	_ =	sdelay $0x3  }
0x96: {  	_ =	strace s3  }
0x97: {  	_ =	strace $0x8FFFFFFF  }
0x98: {  	s19 =	sld [smem:$0x3FDB];
	_ =	sdelay $0x1  }
0x99: {  	s4 =	simm.s32 $_scs_section_size  }
0x9a: {  	s5 =	simm.s32 $_size__tile_overlayer_lowered;
	s6 =	simm.s32 $_tile_overlayer_lowered  }
0x9b: {  	s22 =	simm.s32 $0x1BFF;
	s21 =	sshll.u32 s6, $0x1;
	s3 =	sadd.s32 s4, s19  }
0x9c: {  	s7 =	simm.s32 $0x0;
	s20 =	sshll.u32 s5, $0x1;
	s5 =	sadd.s32 s21, s3  }
0x9d: {  	[timem:s7], [sflag:s22] =	dma.local [hbm:s5], s20  }
0x9e: {  	_ =	swait.ge [sflag:s22], s20  }
0x9f: {  	s4 =	ssub.s32 $0x0, s20;
	[sflag:s22] =	ssyncset.done $0x0  }
0xa0: {  	[sflag:s22] =	ssyncadd.s32 s4;
	_ =	sdelay $0x1  }
0xa1: {  	s23 =	simm.s32 $0x1B8B  }
0xa2: {  	_ =	swait.ge [sflag:s23], $0x1  }
0xa3: {  	[sflag:s23] =	ssyncset.done $0x0  }
0xa4: {  	s25 =	simm.s32 $0x1B8E;
	s24 =	sld [smem:$0x3FFE];
	[sflag:s23] =	ssyncadd.s32 $0xFFFFFFFF  }
0xa5: {  	s26 =	simm.s32 $execute0_lowered;
	[smem:$0x3FD2] =	sst s25  }
0xa6: {  	s5 =	sshll.u32 s26, $0x1;
	_ =	strace $0x80000046;
	[dreg:$0x1] =	wrdreg $0xFFFFFFFF  }
0xa7: {  	s28 =	simm.s32 $_size_execute0_lowered;
	s3 =	sadd.s32 s3, s5;
	[dreg:$0x0] =	wrdreg $0x0  }
0xa8: {  	s5 =	sshll.u32 s28, $0x1;
	[dreg:$0x2] =	wrdreg s3  }
0xa9: {  	[dreg:$0x3] =	wrdreg s5  }
0xaa: {  	[dreg:$0x4] =	wrdreg $0xC0  }
0xab: {  	_ =	task [dreg:s7], $0x5FFFF  }
0xac: {  	[dreg:$0x1] =	wrdreg $0xFFFFFFFF  }
0xad: {  	[dreg:$0x0] =	wrdreg $0x60  }
0xae: {  	[dreg:$0x2] =	wrdreg s2  }
0xaf: {  	[dreg:$0x3] =	wrdreg s24  }
0xb0: {  	[dreg:$0x4] =	wrdreg $0xA8000  }
0xb1: {  	[dreg:$0x5] =	wrdreg $0x9  }
0xb2: {  	_ =	task.clear_ibuf [dreg:s7], $0x6FFFF;
	_ =	strace $0x90000046  }
0xb3: {  	s29 =	simm.s32 $0x9;
	_ =	strace $0x80000048  }
0xb4: {  	_ =	swait.ge [sflag:s29], $0x1  }
0xb5: {  	[sflag:s29] =	ssyncadd.s32 $0xFFFFFFFF  }
0xb6: {  	_ =	strace $0x90000048  }
0xb7: {  	_ =	sfence  }
0xb8: {  	s30 =	sld [smem:$0x0];
	_ =	sdelay $0x2  }
0xb9: {  	s31 =	sshll.u32 s1, $0xD;
	s1 =	sshrl.u32 s1, $0x2  }
0xba: {  	s3 =	sand.u32 $0x4000, s31;
	s1 =	sadd.s32 s1, s30  }
0xbb: {  	s0 =	sor.u32 s3, s0;
	s1 =	sshll.u32 s1, $0x11  }
0xbc: {  	s0 =	sor.u32 s1, s0  }
0xbd: {  	s0 =	sadd.s32 $0x8F2B, s0  }
0xbe: {  	[sflag:s0] =	ssyncadd.remote.s32 $0x1  }
0xbf: {  	_ =	sfence.sel $0xFFFF  }
0xc0: {  	[dreg:$0x0] =	wrdreg $0xFFFFFFFF;
	(pc) =	sbr.abs _section_cstart, $3  }
0xc1: {  	[dreg:$0x1] =	wrdreg $0xFFFFFFFF  }
0xc2: {  	_ =	task.clear_ibuf [dreg:s7], $0x2FFFF;
	_ =	strace $0x9FFFFFFF  }
0xc3: {  	(tm) =	ssettm $0x7FFFFFFF  }
tec
execute0_lowered:
.L_overlay_start_1:
0x0: {  	(tag) =	ssettag $0x1  }
0x1: {  	s1 =	rddreg [dreg:$0x0]  }
0x2: {  	s5 =	rddreg [dreg:$0x1]  }
0x3: {  	s3 =	rddreg [dreg:$0x2]  }
0x4: {  	s0 =	rddreg [dreg:$0x3];
	s4 =	simm.s32 $0x0;
	s2 =	stileid.u32  }
0x5: {  	s6 =	srdreg.scid;
	s16 =	simm.s32 $0x80;
	s17 =	simm.s32 $0x2800  }
0x6: {  	s18 =	simm.s32 $0x6800;
	s19 =	simm.s32 $0x1;
	s7 =	smul.u32 $0x13C00, s2  }
0x7: {  	s20 =	simm.s32 $0x2;
	s21 =	simm.s32 $0x0;
	s11 =	smul.u32 $0x4F000, s2  }
0x8: {  	[smem:$0x7FF] =	sst s4;
	s6 =	sand.u32 $0x1, s6;
	s13 =	smul.u32 $0x2800, s2  }
0x9: {  	s9 =	sadd.s32 $0x3E00, s5;
	s10 =	sadd.s32 $0xDE00, s5;
	s8 =	smul.u32 $0x13C000, s6  }
0xa: {  	s30 =	sshll.u32 s2, $0x6;
	s24 =	smul.u32 $0x28000, s6;
	s6 =	ssub.s32 $0x2, s6  }
0xb: {  	_ =	strace $0x80000047;
	s12 =	sshrl.u32 s7, $0x3;
	s25 =	sshrl.u32 s6, $0x1  }
0xc: {  	s26 =	sshrl.u32 s11, $0x2;
	s7 =	sadd.s32 s7, s8;
	s12 =	sadd.s32 s12, s5  }
0xd: {  	s15 =	ssub.s32 s6, s25;
	s28 =	sadd.s32 s13, s24;
	s29 =	sadd.s32 s26, s3  }
0xe: {  	s6 =	sor.u32 $0x1C03, s30;
	s7 =	sshrl.u32 s7, $0x3;
	s8 =	sshrl.u32 s28, $0x3  }
0xf: {  	s13 =	sshrl.u32 s29, $0x3;
	s14 =	sadd.s32 s7, s5;
	s5 =	sadd.s32 $0x17E00, s12  }
0x10: {  	s31 =	sadd.s32 $0x280, s8;
	s7 =	sadd.s32 s9, s8;
	s8 =	sadd.s32 s10, s8  }
0x11: {  	s12 =	smax.u32 s15, $0x1;
	s15 =	simm.s32 $0x1400;
	s9 =	sadd.s32 s9, s31  }
0x12: {  	s10 =	sadd.s32 s10, s31;
	s11 =	sadd.s32 $0x3F600, s14;
	s14 =	simm.s32 $0x3  }
.LBB2_1:
0x13: {  	[spmem:s13], [sflag:s6] =	dma.local [hbm:s5], $0x2780  }
0x14: {  	_ =	swait.ge [sflag:s14], $0x2780  }
0x15: {  	[sflag:s14] =	ssyncset.done $0x0  }
0x16: {  	[sflag:s14] =	ssyncadd.s32 $0xFFFFD880  }
0x17: {  	[bflag:$0x0] =	sbarrier.arrive $0xFFFF  }
0x18: {  	[tilespmem:s4], [sflag:$0x3] =	stream.linear.gather [hbm4b:s7+s4], $0x1400, $0x38;
	[tilespmem:$0x1E400] =	vst v63  }
0x19: {  	_ =	swait.ge [sflag:s14], $0x1400  }
0x1a: {  	[sflag:s14] =	ssyncset.done $0x0  }
0x1b: {  	[sflag:s14] =	ssyncadd.s32 $0xFFFFEC00  }
0x1c: {  	[tilespmem:s15], [sflag:$0x3] =	stream.linear.gather [hbm4b:s8+s4], $0x1400, $0x38;
	[tilespmem:$0x1E400] =	vst v63  }
0x1d: {  	_ =	swait.ge [sflag:s14], $0x1400  }
0x1e: {  	[sflag:s14] =	ssyncset.done $0x0  }
0x1f: {  	s22 =	simm.s32 $0x0;
	[sflag:s14] =	ssyncadd.s32 $0xFFFFEC00  }
0x20: {  	[tilespmem:s17], [sflag:$0x1] =	stream.indirect.gather [hbm4b:s1+s16], $0x80, s22, s16, $0xb8;
	[tilespmem:$0x1E400] =	vst v63  }
0x21: {  	s29 =	simm.s32 $0x80  }
0x22: {  	[tilespmem:s18], [sflag:$0x2] =	stream.indirect.gather [hbm4b:s1+s16], $0x80, s29, s16, $0xb8;
	[tilespmem:$0x1E400] =	vst v63  }
0x23: {  	_ =	swait.ge [sflag:s19], $0x4000  }
0x24: {  	[sflag:s19] =	ssyncset.done $0x0  }
0x25: {  	s30 =	simm.s32 $0x1400;
	[sflag:s19] =	ssyncadd.s32 $0xFFFFC000  }
0x26: {  	[spmem:s3] =	stream.indirect.scatter.add.f32 [tilespmem:s17], [sflag:$0x3], $0x80, s30, s16, $0xb8;
	[tilespmem:$0x1E400] =	vst v63  }
0x27: {  	_ =	swait.ge [sflag:s14], $0x4000  }
0x28: {  	[sflag:s14] =	ssyncset.done $0x0  }
0x29: {  	[sflag:s14] =	ssyncadd.s32 $0xFFFFC000  }
0x2a: {  	_ =	swait.ge [sflag:s20], $0x4000  }
0x2b: {  	[sflag:s20] =	ssyncset.done $0x0  }
0x2c: {  	s31 =	simm.s32 $0x1480;
	[sflag:s20] =	ssyncadd.s32 $0xFFFFC000  }
0x2d: {  	[spmem:s3] =	stream.indirect.scatter.add.f32 [tilespmem:s18], [sflag:$0x3], $0x80, s31, s16, $0xb8;
	[tilespmem:$0x1E400] =	vst v63  }
0x2e: {  	_ =	swait.ge [sflag:s14], $0x4000  }
0x2f: {  	s23 =	simm.s32 $0x800;
	s22 =	simm.s32 $0x400;
	[sflag:s14] =	ssyncset.done $0x0  }
.LBB2_2:
0x30: {  	s24 =	sshra.s32 s22, $0x2  }
0x31: {  	[sflag:s14] =	ssyncadd.s32 $0xFFFFC000;
	s22 =	smov.u32 s23;
	s25 =	sadd.s32 $0x400, s23  }
0x32: {  	[tilespmem:s17], [sflag:$0x1] =	stream.indirect.gather [hbm4b:s1+s16], $0x80, s24, s16, $0xb8;
	[tilespmem:$0x1E400] =	vst v63  }
0x33: {  	p0 =	sne.s32 s23, $0x4C00;
	s23 =	sadd.s32 $0x80, s24  }
0x34: {  	[tilespmem:s18], [sflag:$0x2] =	stream.indirect.gather [hbm4b:s1+s16], $0x80, s23, s16, $0xb8;
	[tilespmem:$0x1E400] =	vst v63  }
0x35: {  	_ =	swait.ge [sflag:s19], $0x4000  }
0x36: {  	[sflag:s19] =	ssyncset.done $0x0  }
0x37: {  	s23 =	sadd.s32 $0x1400, s24;
	[sflag:s19] =	ssyncadd.s32 $0xFFFFC000  }
0x38: {  	[spmem:s3] =	stream.indirect.scatter.add.f32 [tilespmem:s17], [sflag:$0x3], $0x80, s23, s16, $0xb8;
	[tilespmem:$0x1E400] =	vst v63  }
0x39: {  	_ =	swait.ge [sflag:s14], $0x4000  }
0x3a: {  	[sflag:s14] =	ssyncset.done $0x0  }
0x3b: {  	[sflag:s14] =	ssyncadd.s32 $0xFFFFC000  }
0x3c: {  	_ =	swait.ge [sflag:s20], $0x4000  }
.Ltmp0:
0x3d: {  	[sflag:s20] =	ssyncset.done $0x0;
	(pc) =	sbr.rel @p0 .LBB2_2-.Ltmp0, $4  }
0x3e: {  	s23 =	sadd.s32 $0x1480, s24;
	[sflag:s20] =	ssyncadd.s32 $0xFFFFC000  }
0x3f: {  	[spmem:s3] =	stream.indirect.scatter.add.f32 [tilespmem:s18], [sflag:$0x3], $0x80, s23, s16, $0xb8;
	[tilespmem:$0x1E400] =	vst v63  }
0x40: {  	_ =	swait.ge [sflag:s14], $0x4000  }
0x41: {  	s23 =	smov.u32 s25;
	[sflag:s14] =	ssyncset.done $0x0  }
0x42: {  	s22 =	sshra.s32 s22, $0x2;
	[sflag:s14] =	ssyncadd.s32 $0xFFFFC000  }
0x43: {  	[tilespmem:s17], [sflag:$0x1] =	stream.indirect.gather [hbm4b:s1+s16], $0x80, s22, s16, $0xb8;
	[tilespmem:$0x1E400] =	vst v63  }
0x44: {  	s23 =	sadd.s32 $0x80, s22  }
0x45: {  	[tilespmem:s18], [sflag:$0x2] =	stream.indirect.gather [hbm4b:s1+s16], $0x80, s23, s16, $0xb8;
	[tilespmem:$0x1E400] =	vst v63  }
0x46: {  	_ =	swait.ge [sflag:s19], $0x4000  }
0x47: {  	[sflag:s19] =	ssyncset.done $0x0  }
0x48: {  	s25 =	sadd.s32 $0x1400, s22;
	[sflag:s19] =	ssyncadd.s32 $0xFFFFC000  }
0x49: {  	[spmem:s3] =	stream.indirect.scatter.add.f32 [tilespmem:s17], [sflag:$0x3], $0x80, s25, s16, $0xb8;
	[tilespmem:$0x1E400] =	vst v63  }
0x4a: {  	_ =	swait.ge [sflag:s14], $0x4000  }
0x4b: {  	[sflag:s14] =	ssyncset.done $0x0  }
0x4c: {  	[sflag:s14] =	ssyncadd.s32 $0xFFFFC000  }
0x4d: {  	_ =	swait.ge [sflag:s20], $0x4000  }
0x4e: {  	[sflag:s20] =	ssyncset.done $0x0  }
0x4f: {  	s22 =	sadd.s32 $0x1480, s22;
	[sflag:s20] =	ssyncadd.s32 $0xFFFFC000  }
0x50: {  	[spmem:s3] =	stream.indirect.scatter.add.f32 [tilespmem:s18], [sflag:$0x3], $0x80, s22, s16, $0xb8;
	[tilespmem:$0x1E400] =	vst v63  }
0x51: {  	_ =	swait.ge [sflag:s14], $0x4000  }
0x52: {  	[sflag:s14] =	ssyncset.done $0x0  }
0x53: {  	s26 =	simm.s32 $0x0;
	[sflag:s14] =	ssyncadd.s32 $0xFFFFC000  }
0x54: {  	[tilespmem:s26], [sflag:$0x3] =	stream.linear.gather [hbm4b:s9+s26], $0x1400, $0x38;
	[tilespmem:$0x1E400] =	vst v63  }
0x55: {  	_ =	swait.ge [sflag:s14], $0x1400  }
0x56: {  	[sflag:s14] =	ssyncset.done $0x0  }
0x57: {  	[sflag:s14] =	ssyncadd.s32 $0xFFFFEC00  }
0x58: {  	[tilespmem:s15], [sflag:$0x3] =	stream.linear.gather [hbm4b:s10+s26], $0x1400, $0x38;
	[tilespmem:$0x1E400] =	vst v63  }
0x59: {  	_ =	swait.ge [sflag:s14], $0x1400  }
0x5a: {  	[sflag:s14] =	ssyncset.done $0x0  }
0x5b: {  	s28 =	simm.s32 $0x0;
	[sflag:s14] =	ssyncadd.s32 $0xFFFFEC00  }
0x5c: {  	[tilespmem:s17], [sflag:$0x1] =	stream.indirect.gather [hbm4b:s1+s16], $0x80, s28, s16, $0xb8;
	[tilespmem:$0x1E400] =	vst v63  }
0x5d: {  	s29 =	simm.s32 $0x80  }
0x5e: {  	[tilespmem:s18], [sflag:$0x2] =	stream.indirect.gather [hbm4b:s1+s16], $0x80, s29, s16, $0xb8;
	[tilespmem:$0x1E400] =	vst v63  }
0x5f: {  	_ =	swait.ge [sflag:s19], $0x4000  }
0x60: {  	[sflag:s19] =	ssyncset.done $0x0  }
0x61: {  	s30 =	simm.s32 $0x1400;
	[sflag:s19] =	ssyncadd.s32 $0xFFFFC000  }
0x62: {  	[spmem:s3] =	stream.indirect.scatter.add.f32 [tilespmem:s17], [sflag:$0x3], $0x80, s30, s16, $0xb8;
	[tilespmem:$0x1E400] =	vst v63  }
0x63: {  	_ =	swait.ge [sflag:s14], $0x4000  }
0x64: {  	[sflag:s14] =	ssyncset.done $0x0  }
0x65: {  	[sflag:s14] =	ssyncadd.s32 $0xFFFFC000  }
0x66: {  	_ =	swait.ge [sflag:s20], $0x4000  }
0x67: {  	[sflag:s20] =	ssyncset.done $0x0  }
0x68: {  	s31 =	simm.s32 $0x1480;
	[sflag:s20] =	ssyncadd.s32 $0xFFFFC000  }
0x69: {  	[spmem:s3] =	stream.indirect.scatter.add.f32 [tilespmem:s18], [sflag:$0x3], $0x80, s31, s16, $0xb8;
	[tilespmem:$0x1E400] =	vst v63  }
0x6a: {  	_ =	swait.ge [sflag:s14], $0x4000  }
0x6b: {  	s23 =	simm.s32 $0x800;
	s22 =	simm.s32 $0x400;
	[sflag:s14] =	ssyncset.done $0x0  }
.LBB2_4:
0x6c: {  	s24 =	sshra.s32 s22, $0x2  }
0x6d: {  	[sflag:s14] =	ssyncadd.s32 $0xFFFFC000;
	s22 =	smov.u32 s23;
	s25 =	sadd.s32 $0x400, s23  }
0x6e: {  	[tilespmem:s17], [sflag:$0x1] =	stream.indirect.gather [hbm4b:s1+s16], $0x80, s24, s16, $0xb8;
	[tilespmem:$0x1E400] =	vst v63  }
0x6f: {  	p0 =	sne.s32 s23, $0x4C00;
	s23 =	sadd.s32 $0x80, s24  }
0x70: {  	[tilespmem:s18], [sflag:$0x2] =	stream.indirect.gather [hbm4b:s1+s16], $0x80, s23, s16, $0xb8;
	[tilespmem:$0x1E400] =	vst v63  }
0x71: {  	_ =	swait.ge [sflag:s19], $0x4000  }
0x72: {  	[sflag:s19] =	ssyncset.done $0x0  }
0x73: {  	s23 =	sadd.s32 $0x1400, s24;
	[sflag:s19] =	ssyncadd.s32 $0xFFFFC000  }
0x74: {  	[spmem:s3] =	stream.indirect.scatter.add.f32 [tilespmem:s17], [sflag:$0x3], $0x80, s23, s16, $0xb8;
	[tilespmem:$0x1E400] =	vst v63  }
0x75: {  	_ =	swait.ge [sflag:s14], $0x4000  }
0x76: {  	[sflag:s14] =	ssyncset.done $0x0  }
0x77: {  	[sflag:s14] =	ssyncadd.s32 $0xFFFFC000  }
0x78: {  	_ =	swait.ge [sflag:s20], $0x4000  }
.Ltmp1:
0x79: {  	[sflag:s20] =	ssyncset.done $0x0;
	(pc) =	sbr.rel @p0 .LBB2_4-.Ltmp1, $4  }
0x7a: {  	s23 =	sadd.s32 $0x1480, s24;
	[sflag:s20] =	ssyncadd.s32 $0xFFFFC000  }
0x7b: {  	[spmem:s3] =	stream.indirect.scatter.add.f32 [tilespmem:s18], [sflag:$0x3], $0x80, s23, s16, $0xb8;
	[tilespmem:$0x1E400] =	vst v63  }
0x7c: {  	_ =	swait.ge [sflag:s14], $0x4000  }
0x7d: {  	s23 =	smov.u32 s25;
	[sflag:s14] =	ssyncset.done $0x0  }
0x7e: {  	s22 =	sshra.s32 s22, $0x2;
	[sflag:s14] =	ssyncadd.s32 $0xFFFFC000  }
0x7f: {  	[tilespmem:s17], [sflag:$0x1] =	stream.indirect.gather [hbm4b:s1+s16], $0x80, s22, s16, $0xb8;
	[tilespmem:$0x1E400] =	vst v63  }
0x80: {  	s23 =	sadd.s32 $0x80, s22  }
0x81: {  	[tilespmem:s18], [sflag:$0x2] =	stream.indirect.gather [hbm4b:s1+s16], $0x80, s23, s16, $0xb8;
	[tilespmem:$0x1E400] =	vst v63  }
0x82: {  	_ =	swait.ge [sflag:s19], $0x4000  }
0x83: {  	[sflag:s19] =	ssyncset.done $0x0  }
0x84: {  	s31 =	sadd.s32 $0x1400, s22;
	[sflag:s19] =	ssyncadd.s32 $0xFFFFC000  }
0x85: {  	[spmem:s3] =	stream.indirect.scatter.add.f32 [tilespmem:s17], [sflag:$0x3], $0x80, s31, s16, $0xb8;
	[tilespmem:$0x1E400] =	vst v63  }
0x86: {  	_ =	swait.ge [sflag:s14], $0x4000  }
0x87: {  	[sflag:s14] =	ssyncset.done $0x0  }
0x88: {  	[sflag:s14] =	ssyncadd.s32 $0xFFFFC000  }
0x89: {  	_ =	swait.ge [sflag:s20], $0x4000  }
0x8a: {  	[sflag:s20] =	ssyncset.done $0x0  }
0x8b: {  	s22 =	sadd.s32 $0x1480, s22;
	[sflag:s20] =	ssyncadd.s32 $0xFFFFC000  }
0x8c: {  	[spmem:s3] =	stream.indirect.scatter.add.f32 [tilespmem:s18], [sflag:$0x3], $0x80, s22, s16, $0xb8;
	[tilespmem:$0x1E400] =	vst v63  }
0x8d: {  	_ =	swait.ge [sflag:s14], $0x4000  }
0x8e: {  	s21 =	sadd.s32 $0x1, s21;
	[sflag:s14] =	ssyncset.done $0x0  }
0x8f: {  	p0 =	sne.s32 s21, s12;
	[sflag:s14] =	ssyncadd.s32 $0xFFFFC000  }
.Ltmp2:
0x90: {  	[bflag:$0x0] =	sbarrier.arrive $0xFFFF;
	(pc) =	sbr.rel @p0 .LBB2_1-.Ltmp2, $4  }
0x91: {  	[hbm:s11], [sflag:s6] =	dma.local [spmem:s13], $0x2780  }
0x92: {  	_ =	swait.ge [sflag:s14], $0x2780  }
0x93: {  	[sflag:s14] =	ssyncset.done $0x0  }
0x94: {  	[sflag:s14] =	ssyncadd.s32 $0xFFFFD880  }
0x95: {  	_ =	sfence.sel $0x180000  }
0x96: {  	[bflag:$0x0] =	sbarrier.arrive $0xFFFF  }
0x97: {  	p0 =	sne.s32 s2, $0x0;
	_ =	strace $0x90000047  }
0x98: {  	s0 =	sadd.s32 @!p0 $0x100000, s0;
	[bflag:$0x2] =	sbarrier.arrive $0xFFFF  }
0x99: {  	[sflag:s0] =	ssyncadd.tile.s32 @!p0 $0x1;
	_ =	shalt  }
.Lfunc_end2:
_tile_overlayer_lowered:
.L_overlay_start_2:
0x9a: {  	(tag) =	ssettag $0x2  }
0x9b: {  	s0 =	rddreg [dreg:$0x0];
	s2 =	stileid.u32  }
0x9c: {  	s1 =	rddreg [dreg:$0x1];
	p0 =	sne.s32 s2, $0x0  }
0x9d: {  	s3 =	rddreg [dreg:$0x2];
	[bflag:$0x3] =	sbarrier.arrive $0xFFFF;
	s2 =	simm.s32 @!p0 $0x1C03  }
0x9e: {  	[timem:s3], [sflag:s2] =	dma.local @!p0 [hbm:s0], s1  }
0x9f: {  	s0 =	simm.s32 @!p0 $0x3  }
0xa0: {  	_ =	swait.ge @!p0 [sflag:s0], s1  }
0xa1: {  	s1 =	ssub.s32 @!p0 $0x0, s1;
	[sflag:s0] =	ssyncset.done @!p0 $0x0  }
0xa2: {  	[sflag:s0] =	ssyncadd.s32 @!p0 s1  }
0xa3: {  	[bflag:$0x3] =	sbarrier.arrive $0xFFFF  }
0xa4: {  	_ =	shalt  }

</sc_bundles>
